<compile_context>
chip_gen: v7x
topology: tpu7x:2x2x1
jax: 0.10.2.dev20260603
libtpu: 0.0.44.dev20260713+nightly
codegen_flags: <defaults>
</compile_context>

<pallas_src>
import dataclasses
import functools

import jax
import jax.numpy as jnp
from jax import lax
from jax.experimental import pallas as pl
from jax.experimental.pallas import tpu as pltpu
from jax.experimental.pallas import tpu_sc as plsc

NC, NS = 2, 16
NW = NC * NS
B2 = 8192
DIM = 128
CHUNK = 128
PER_W = B2 // NW
NCHUNK = PER_W // CHUNK
NBUF = 4


def _sc_gather_all(tables, idxs, gsel, bounds, perm):
    mesh = plsc.VectorSubcoreMesh(core_axis_name="c", subcore_axis_name="s")
    ng = len(tables)
    out_type = [jax.ShapeDtypeStruct((B2, DIM), jnp.float32)] * ng
    cp = pltpu.CompilerParams()
    if "needs_layout_passes" in pltpu.CompilerParams.__dataclass_fields__:
        cp = dataclasses.replace(cp, needs_layout_passes=False)

    @functools.partial(
        pl.kernel,
        mesh=mesh,
        out_type=out_type,
        compiler_params=cp,
        scratch_types=(
            [pltpu.VMEM((PER_W,), jnp.int32)] * 4
            + [pltpu.VMEM((CHUNK, DIM), jnp.float32)] * NBUF
            + [pltpu.VMEM((16,), jnp.int32)]
            + [pltpu.SemaphoreType.DMA] * (1 + 2 * NBUF)
        ),
    )
    def k(*refs):
        t_refs = refs[:ng]
        i_refs = refs[ng:ng + 3]
        b_ref = refs[ng + 3]
        p_ref = refs[ng + 4]
        o_refs = refs[ng + 5:2 * ng + 5]
        base = 2 * ng + 5
        idx_v = refs[base:base + 3]
        perm_v = refs[base + 3]
        rows_v = refs[base + 4:base + 4 + NBUF]
        bnd_s = refs[base + 4 + NBUF]
        sem_i = refs[base + 5 + NBUF]
        sem_g = refs[base + 6 + NBUF:base + 6 + 2 * NBUF]
        sem_w = refs[base + 6 + 2 * NBUF:base + 6 + 3 * NBUF]
        wid = lax.axis_index("s") * NC + lax.axis_index("c")
        base0 = wid * PER_W

        pltpu.sync_copy(b_ref, bnd_s)
        pltpu.sync_copy(p_ref.at[pl.ds(base0, PER_W)], perm_v)
        pf = [pltpu.make_async_copy(i_refs[a].at[perm_v], idx_v[a], sem_i)
              for a in range(3)]
        for d in pf:
            d.start()
        for d in pf:
            d.wait()

        bvec = bnd_s[...]
        lane = jnp.arange(16, dtype=jnp.int32)
        bs = [jnp.max(jnp.where(lane == j, bvec, 0)) for j in range(4)]

        slots = []
        for g in range(ng):
            a, j = gsel[g]
            for c in range(NCHUNK):
                slots.append((g, a, c * CHUNK, j))

        def cond_of(j, off):
            if j is None:
                return None
            p = base0 + off
            return jnp.logical_and(p < bs[j + 1], p + CHUNK > bs[j])

        def guarded(cond, fn):
            if cond is None:
                fn()
            else:
                pl.when(cond)(fn)

        conds = [cond_of(j, off) for (_, _, off, j) in slots]
        gd = [None] * NBUF
        wd = [None] * NBUF

        def issue_writeback(kk):
            s = kk % NBUF
            g, _, off, _ = slots[kk]
            d, c = gd[s]
            guarded(c, d.wait)
            w = pltpu.make_async_copy(
                rows_v[s], o_refs[g].at[pl.ds(base0 + off, CHUNK)], sem_w[s])
            guarded(c, w.start)
            wd[s] = (w, c)

        for kk in range(len(slots)):
            s = kk % NBUF
            if wd[s] is not None:
                d, c = wd[s]
                guarded(c, d.wait)
                wd[s] = None
            g, a, off, j = slots[kk]
            d = pltpu.make_async_copy(
                t_refs[g].at[idx_v[a].at[pl.ds(off, CHUNK)]],
                rows_v[s], sem_g[s])
            guarded(conds[kk], d.start)
            gd[s] = (d, conds[kk])
            if kk >= NBUF - 1:
                issue_writeback(kk - (NBUF - 1))
        for kk in range(max(0, len(slots) - (NBUF - 1)), len(slots)):
            issue_writeback(kk)
        for s in range(NBUF):
            if wd[s] is not None:
                d, c = wd[s]
                guarded(c, d.wait)

    return k(*tables, *idxs, bounds, perm)


def _tc_score(g, bounds_tc):
    blk = 1024

    def body(bnd, h, sh0, sh1, sh2, t, st0, st1, st2, r, sq0, sq1, sq2, o):
        def nrm(x):
            s = jnp.sum(x * x, axis=1, keepdims=True)
            return x * lax.rsqrt(jnp.maximum(s, 1e-24))

        rid = (pl.program_id(0) * blk
               + lax.broadcasted_iota(jnp.int32, (blk, 1), 0))
        grp = [jnp.logical_and(rid >= bnd[0, j], rid < bnd[0, j + 1])
               for j in range(3)]

        def pick(x0, x1, x2):
            z = jnp.zeros_like(x0[...])
            return nrm(jnp.where(grp[0], x0[...],
                       jnp.where(grp[1], x1[...],
                       jnp.where(grp[2], x2[...], z))))

        hv = nrm(h[...]) + pick(sh0, sh1, sh2)
        tv = nrm(t[...]) + pick(st0, st1, st2)
        rv = nrm(r[...]) + pick(sq0, sq1, sq2)
        d = nrm(hv) + nrm(rv) - nrm(tv)
        o[...] = jnp.sqrt(jnp.sum(d * d, axis=1, keepdims=True))

    in_specs = ([pl.BlockSpec((1, 128), lambda i: (0, 0))]
                + [pl.BlockSpec((blk, DIM), lambda i: (i, 0))] * 12)
    out_spec = pl.BlockSpec((blk, 1), lambda i: (i, 0))
    return pl.pallas_call(
        body,
        grid=(B2 // blk,),
        in_specs=in_specs,
        out_specs=out_spec,
        out_shape=jax.ShapeDtypeStruct((B2, 1), jnp.float32),
    )(bounds_tc, *g)


def kernel(ents, rels_tab, se0, se1, se2, sr0, sr1, sr2,
           heads, rels, tails, sources,
           heads_bad, rels_bad, tails_bad, sources_bad):
    ah = jnp.concatenate([heads, heads_bad]).astype(jnp.int32)
    ar = jnp.concatenate([rels, rels_bad]).astype(jnp.int32)
    at = jnp.concatenate([tails, tails_bad]).astype(jnp.int32)
    asrc = jnp.concatenate([sources, sources_bad]).astype(jnp.int32)

    key = jnp.where((asrc >= 2) & (asrc <= 4), asrc - 2, 3)
    iot = jnp.arange(B2, dtype=jnp.int32)
    onehot = (key[:, None] == jnp.arange(4, dtype=jnp.int32)[None, :])
    csum = jnp.cumsum(onehot.astype(jnp.int32), axis=0)
    n = csum[-1]
    b0 = jnp.int32(0)
    b1, b2, b3 = n[0], n[0] + n[1], n[0] + n[1] + n[2]
    off = jnp.stack([b0, b1, b2, b3])
    pos = jnp.sum(jnp.where(onehot, csum - 1 + off[None, :], 0), axis=1)
    perm = jnp.zeros((B2,), jnp.int32).at[pos].set(iot)
    bounds = jnp.stack([b0, b1, b2, b3] + [b0] * 12).astype(jnp.int32)
    bounds_tc = (jnp.zeros((1, 128), jnp.int32)
                 .at[0, 1].set(b1).at[0, 2].set(b2).at[0, 3].set(b3))

    tables = [ents, se0, se1, se2, ents, se0, se1, se2,
              rels_tab, sr0, sr1, sr2]
    gsel = [(0, None), (0, 0), (0, 1), (0, 2),
            (1, None), (1, 0), (1, 1), (1, 2),
            (2, None), (2, 0), (2, 1), (2, 2)]

    g = _sc_gather_all(tables, [ah, at, ar], gsel, bounds, perm)
    s_perm = _tc_score(g, bounds_tc)[:, 0]
    s = s_perm[pos]
    return (s[:4096], s[4096:])

# --- scband reference (transcript-rebuilt; emitter-appended) ---
"""Pipeline reference for scband-trans-e-source-full-37890201486008 (READ-ONLY COPY).

The authoritative reference and input builder live on the scoring server;
editing this copy changes nothing except your own understanding.
"""

import jax, jax.numpy as jnp
import numpy as np

NENTS = 100000
NRELS = 1000
NSRC = 4
DIM = 128
BATCH = 4096


def _normalize(x, p=2, axis=-1, eps=1e-12):
    n = jnp.linalg.norm(x, ord=p, axis=axis, keepdims=True)
    return x / jnp.maximum(n, eps)


def setup_inputs(seed: int = 0) -> dict:
    key = jax.random.key(seed)
    ks = jax.random.split(key, 20)

    def tab(k, rows):
        t = jax.random.normal(k, (rows, DIM), dtype=jnp.float32)
        return t.at[0].set(0.0)  # padding_idx=0

    inp = {}
    inp['ents'] = tab(ks[0], NENTS + 1)
    inp['rels_tab'] = tab(ks[1], NRELS + 1)
    inp['se0'] = tab(ks[2], NENTS + 1)
    inp['se1'] = tab(ks[3], NENTS + 1)
    inp['se2'] = tab(ks[4], NENTS + 1)
    inp['sr0'] = tab(ks[5], NRELS + 1)
    inp['sr1'] = tab(ks[6], NRELS + 1)
    inp['sr2'] = tab(ks[7], NRELS + 1)
    inp['heads'] = jax.random.randint(ks[8], (BATCH,), 0, NENTS)
    inp['rels'] = jax.random.randint(ks[9], (BATCH,), 0, NRELS)
    inp['tails'] = jax.random.randint(ks[10], (BATCH,), 0, NENTS)
    inp['sources'] = jax.random.randint(ks[11], (BATCH,), 0, NSRC + 1)
    inp['heads_bad'] = jax.random.randint(ks[12], (BATCH,), 0, NENTS)
    inp['rels_bad'] = jax.random.randint(ks[13], (BATCH,), 0, NRELS)
    inp['tails_bad'] = jax.random.randint(ks[14], (BATCH,), 0, NENTS)
    inp['sources_bad'] = jax.random.randint(ks[15], (BATCH,), 0, NSRC + 1)
    return inp


def reference(ents, rels_tab, se0, se1, se2, sr0, sr1, sr2,
              heads, rels, tails, sources,
              heads_bad, rels_bad, tails_bad, sources_bad):
    # normalize_weights(): in-place L2 row-normalization of every table
    ents_n = _normalize(ents)
    rels_n = _normalize(rels_tab)
    src_ents = [_normalize(t) for t in (se0, se1, se2)]
    src_rels = [_normalize(t) for t in (sr0, sr1, sr2)]

    all_heads = jnp.concatenate([heads, heads_bad])
    all_rels = jnp.concatenate([rels, rels_bad])
    all_tails = jnp.concatenate([tails, tails_bad])
    all_sources = jnp.concatenate([sources, sources_bad])

    heads_vec = jnp.take(ents_n, all_heads, axis=0)
    rels_vec = jnp.take(rels_n, all_rels, axis=0)
    tails_vec = jnp.take(ents_n, all_tails, axis=0)

    for j, src_id in enumerate(range(2, NSRC + 1)):
        mask = (all_sources == src_id).astype(all_heads.dtype)
        # indices masked to 0 hit the zeroed padding row -> add zero vector
        heads_vec = heads_vec + jnp.take(src_ents[j], all_heads * mask, axis=0)
        rels_vec = rels_vec + jnp.take(src_rels[j], all_rels * mask, axis=0)
        tails_vec = tails_vec + jnp.take(src_ents[j], all_tails * mask, axis=0)

    heads_vec = _normalize(heads_vec)
    rels_vec = _normalize(rels_vec)
    tails_vec = _normalize(tails_vec)

    scores = jnp.linalg.norm(heads_vec + rels_vec - tails_vec, ord=2, axis=1)
    n = heads.shape[0]
    scores = scores.reshape(2, n)
    return (scores[0], scores[1])

if __name__ == "__main__":
    import jax
    _d = setup_inputs()
    print(jax.jit(kernel)(*tuple(_d.values())))

</pallas_src>

<mosaic_0001>
#map = affine_map<(d0, d1) -> (0, 0)>
#map1 = affine_map<(d0, d1) -> (0)>
module attributes {stable_mosaic.version = 14 : i64} {
  func.func @k(%arg0: i32, %arg1: i32, %arg2: memref<100001x128xf32, #tpu.memory_space<hbm>>, %arg3: memref<100001x128xf32, #tpu.memory_space<hbm>>, %arg4: memref<100001x128xf32, #tpu.memory_space<hbm>>, %arg5: memref<100001x128xf32, #tpu.memory_space<hbm>>, %arg6: memref<100001x128xf32, #tpu.memory_space<hbm>>, %arg7: memref<100001x128xf32, #tpu.memory_space<hbm>>, %arg8: memref<100001x128xf32, #tpu.memory_space<hbm>>, %arg9: memref<100001x128xf32, #tpu.memory_space<hbm>>, %arg10: memref<1001x128xf32, #tpu.memory_space<hbm>>, %arg11: memref<1001x128xf32, #tpu.memory_space<hbm>>, %arg12: memref<1001x128xf32, #tpu.memory_space<hbm>>, %arg13: memref<1001x128xf32, #tpu.memory_space<hbm>>, %arg14: memref<8192xi32, #tpu.memory_space<hbm>>, %arg15: memref<8192xi32, #tpu.memory_space<hbm>>, %arg16: memref<8192xi32, #tpu.memory_space<hbm>>, %arg17: memref<16xi32, #tpu.memory_space<hbm>>, %arg18: memref<8192xi32, #tpu.memory_space<hbm>>, %arg19: memref<8192x128xf32, #tpu.memory_space<hbm>>, %arg20: memref<8192x128xf32, #tpu.memory_space<hbm>>, %arg21: memref<8192x128xf32, #tpu.memory_space<hbm>>, %arg22: memref<8192x128xf32, #tpu.memory_space<hbm>>, %arg23: memref<8192x128xf32, #tpu.memory_space<hbm>>, %arg24: memref<8192x128xf32, #tpu.memory_space<hbm>>, %arg25: memref<8192x128xf32, #tpu.memory_space<hbm>>, %arg26: memref<8192x128xf32, #tpu.memory_space<hbm>>, %arg27: memref<8192x128xf32, #tpu.memory_space<hbm>>, %arg28: memref<8192x128xf32, #tpu.memory_space<hbm>>, %arg29: memref<8192x128xf32, #tpu.memory_space<hbm>>, %arg30: memref<8192x128xf32, #tpu.memory_space<hbm>>, %arg31: memref<256xi32, #tpu.memory_space<vmem>>, %arg32: memref<256xi32, #tpu.memory_space<vmem>>, %arg33: memref<256xi32, #tpu.memory_space<vmem>>, %arg34: memref<256xi32, #tpu.memory_space<vmem>>, %arg35: memref<128x128xf32, #tpu.memory_space<vmem>>, %arg36: memref<128x128xf32, #tpu.memory_space<vmem>>, %arg37: memref<128x128xf32, #tpu.memory_space<vmem>>, %arg38: memref<128x128xf32, #tpu.memory_space<vmem>>, %arg39: memref<16xi32, #tpu.memory_space<vmem>>, %arg40: memref<!tpu.dma_semaphore, #tpu.memory_space<semaphore_mem>>, %arg41: memref<!tpu.dma_semaphore, #tpu.memory_space<semaphore_mem>>, %arg42: memref<!tpu.dma_semaphore, #tpu.memory_space<semaphore_mem>>, %arg43: memref<!tpu.dma_semaphore, #tpu.memory_space<semaphore_mem>>, %arg44: memref<!tpu.dma_semaphore, #tpu.memory_space<semaphore_mem>>, %arg45: memref<!tpu.dma_semaphore, #tpu.memory_space<semaphore_mem>>, %arg46: memref<!tpu.dma_semaphore, #tpu.memory_space<semaphore_mem>>, %arg47: memref<!tpu.dma_semaphore, #tpu.memory_space<semaphore_mem>>, %arg48: memref<!tpu.dma_semaphore, #tpu.memory_space<semaphore_mem>>) attributes {dimension_semantics = [#tpu.dimension_semantics<core_parallel>, #tpu.dimension_semantics<subcore_parallel>], iteration_bounds = array<i64: 2, 16>, scalar_prefetch = 0 : i64, scratch_operands = 18 : i64, tpu.core_type = #tpu.core_type<sc_vector_subcore>, window_params = [{transform_indices = #map}, {transform_indices = #map}, {transform_indices = #map}, {transform_indices = #map}, {transform_indices = #map}, {transform_indices = #map}, {transform_indices = #map}, {transform_indices = #map}, {transform_indices = #map}, {transform_indices = #map}, {transform_indices = #map}, {transform_indices = #map}, {transform_indices = #map1}, {transform_indices = #map1}, {transform_indices = #map1}, {transform_indices = #map1}, {transform_indices = #map1}, {transform_indices = #map}, {transform_indices = #map}, {transform_indices = #map}, {transform_indices = #map}, {transform_indices = #map}, {transform_indices = #map}, {transform_indices = #map}, {transform_indices = #map}, {transform_indices = #map}, {transform_indices = #map}, {transform_indices = #map}, {transform_indices = #map}]} {
    %mul3A = arith.constant 2 : i32
    %mul3A_0 = arith.muli %arg1, %mul3A : i32
    %add3A = arith.addi %mul3A_0, %arg0 : i32
    %mul3A_1 = arith.constant 256 : i32
    %mul3A_2 = arith.muli %add3A, %mul3A_1 : i32
    "tpu.region"() ({
      %run_scoped3A = tpu.sem_alloc : memref<!tpu.dma_semaphore, #tpu.memory_space<semaphore_mem>>
      tpu.enqueue_dma source(%arg17 : memref<16xi32, #tpu.memory_space<hbm>>) target(%arg39 : memref<16xi32, #tpu.memory_space<vmem>>) target_semaphore(%run_scoped3A : memref<!tpu.dma_semaphore, #tpu.memory_space<semaphore_mem>>)
      tpu.wait_dma2 semaphore(%run_scoped3A : memref<!tpu.dma_semaphore, #tpu.memory_space<semaphore_mem>>) src(%arg17 : memref<16xi32, #tpu.memory_space<hbm>>) dst(%arg39 : memref<16xi32, #tpu.memory_space<vmem>>)
      tpu.yield
    }) : () -> ()
    "tpu.region"() ({
      %run_scoped3A = tpu.sem_alloc : memref<!tpu.dma_semaphore, #tpu.memory_space<semaphore_mem>>
      %dma_start3A_558 = tpu.memref_slice %arg18[%mul3A_2] : memref<8192xi32, #tpu.memory_space<hbm>> -> memref<256xi32, #tpu.memory_space<hbm>>
      %dma_start3A_559 = tpu.memref_slice %arg18[%mul3A_2] : memref<8192xi32, #tpu.memory_space<hbm>> -> memref<256xi32, #tpu.memory_space<hbm>>
      tpu.enqueue_dma source(%dma_start3A_559 : memref<256xi32, #tpu.memory_space<hbm>>) target(%arg34 : memref<256xi32, #tpu.memory_space<vmem>>) target_semaphore(%run_scoped3A : memref<!tpu.dma_semaphore, #tpu.memory_space<semaphore_mem>>)
      %dma_wait3A_560 = tpu.memref_slice %arg18[%mul3A_2] : memref<8192xi32, #tpu.memory_space<hbm>> -> memref<256xi32, #tpu.memory_space<hbm>>
      %dma_wait3A_561 = tpu.memref_slice %arg18[%mul3A_2] : memref<8192xi32, #tpu.memory_space<hbm>> -> memref<256xi32, #tpu.memory_space<hbm>>
      tpu.wait_dma2 semaphore(%run_scoped3A : memref<!tpu.dma_semaphore, #tpu.memory_space<semaphore_mem>>) src(%dma_wait3A_561 : memref<256xi32, #tpu.memory_space<hbm>>) dst(%arg34 : memref<256xi32, #tpu.memory_space<vmem>>)
      tpu.yield
    }) : () -> ()
    %dma_start3A = arith.constant 0 : i32
    %dma_start3A_3 = tpu.memref_slice %arg14[%dma_start3A] : memref<8192xi32, #tpu.memory_space<hbm>> -> memref<8192xi32, #tpu.memory_space<hbm>>
    tpu.enqueue_indirect_dma source(%dma_start3A_3 : memref<8192xi32, #tpu.memory_space<hbm>>) target(%arg31 : memref<256xi32, #tpu.memory_space<vmem>>) offsets(%arg34 : memref<256xi32, #tpu.memory_space<vmem>>) semaphore(%arg40 : memref<!tpu.dma_semaphore, #tpu.memory_space<semaphore_mem>>)
    %dma_start3A_4 = arith.constant 0 : i32
    %dma_start3A_5 = tpu.memref_slice %arg15[%dma_start3A_4] : memref<8192xi32, #tpu.memory_space<hbm>> -> memref<8192xi32, #tpu.memory_space<hbm>>
    tpu.enqueue_indirect_dma source(%dma_start3A_5 : memref<8192xi32, #tpu.memory_space<hbm>>) target(%arg32 : memref<256xi32, #tpu.memory_space<vmem>>) offsets(%arg34 : memref<256xi32, #tpu.memory_space<vmem>>) semaphore(%arg40 : memref<!tpu.dma_semaphore, #tpu.memory_space<semaphore_mem>>)
    %dma_start3A_6 = arith.constant 0 : i32
    %dma_start3A_7 = tpu.memref_slice %arg16[%dma_start3A_6] : memref<8192xi32, #tpu.memory_space<hbm>> -> memref<8192xi32, #tpu.memory_space<hbm>>
    tpu.enqueue_indirect_dma source(%dma_start3A_7 : memref<8192xi32, #tpu.memory_space<hbm>>) target(%arg33 : memref<256xi32, #tpu.memory_space<vmem>>) offsets(%arg34 : memref<256xi32, #tpu.memory_space<vmem>>) semaphore(%arg40 : memref<!tpu.dma_semaphore, #tpu.memory_space<semaphore_mem>>)
    %dma_wait3A = arith.constant 0 : i32
    %dma_wait3A_8 = tpu.memref_slice %arg14[%dma_wait3A] : memref<8192xi32, #tpu.memory_space<hbm>> -> memref<8192xi32, #tpu.memory_space<hbm>>
    tpu.wait_indirect_dma semaphore(%arg40 : memref<!tpu.dma_semaphore, #tpu.memory_space<semaphore_mem>>) src(%dma_wait3A_8 : memref<8192xi32, #tpu.memory_space<hbm>>) dst(%arg31 : memref<256xi32, #tpu.memory_space<vmem>>)
    %dma_wait3A_9 = arith.constant 0 : i32
    %dma_wait3A_10 = tpu.memref_slice %arg15[%dma_wait3A_9] : memref<8192xi32, #tpu.memory_space<hbm>> -> memref<8192xi32, #tpu.memory_space<hbm>>
    tpu.wait_indirect_dma semaphore(%arg40 : memref<!tpu.dma_semaphore, #tpu.memory_space<semaphore_mem>>) src(%dma_wait3A_10 : memref<8192xi32, #tpu.memory_space<hbm>>) dst(%arg32 : memref<256xi32, #tpu.memory_space<vmem>>)
    %dma_wait3A_11 = arith.constant 0 : i32
    %dma_wait3A_12 = tpu.memref_slice %arg16[%dma_wait3A_11] : memref<8192xi32, #tpu.memory_space<hbm>> -> memref<8192xi32, #tpu.memory_space<hbm>>
    tpu.wait_indirect_dma semaphore(%arg40 : memref<!tpu.dma_semaphore, #tpu.memory_space<semaphore_mem>>) src(%dma_wait3A_12 : memref<8192xi32, #tpu.memory_space<hbm>>) dst(%arg33 : memref<256xi32, #tpu.memory_space<vmem>>)
    %get3A = arith.constant 0 : index
    %get3A_13 = tpu.vector_load %arg39[%get3A] {strides = array<i32>} : memref<16xi32, #tpu.memory_space<vmem>>, vector<16xi32>,
    %iota3A = tpu.iota {dimensions = array<i32: 0>} : vector<16xi32>
    %eq3A = arith.constant 0 : i32
    %eq3A_14 = vector.broadcast %eq3A : i32 to vector<16xi32>
    %eq3A_15 = arith.cmpi eq, %iota3A, %eq3A_14 : vector<16xi32>
    %jit3A = arith.constant 0 : i32
    %broadcast_in_dim3A = vector.broadcast %jit3A : i32 to vector<16xi32>
    %select_n3A = arith.select %eq3A_15, %get3A_13, %broadcast_in_dim3A : vector<16xi1>, vector<16xi32>
    %reduce_max3A = arith.constant true
    %reduce_max3A_16 = vector.broadcast %reduce_max3A : i1 to vector<16xi1>
    %reduce_max3A_17 = arith.constant -2147483648 : i32
    %reduce_max3A_18 = vector.broadcast %reduce_max3A_17 : i32 to vector<16xi32>
    %reduce_max3A_19 = arith.xori %select_n3A, %reduce_max3A_18 : vector<16xi32>
    %reduce_max3A_20 = tpu.scan <max>, %reduce_max3A_19 masked %reduce_max3A_16 : vector<16xi32>, vector<16xi1> -> vector<16xi32>
    %reduce_max3A_21 = arith.xori %reduce_max3A_20, %reduce_max3A_18 : vector<16xi32>
    %reduce_max3A_22 = vector.extract %reduce_max3A_21[15] : i32 from vector<16xi32>
    %eq3A_23 = arith.constant 1 : i32
    %eq3A_24 = vector.broadcast %eq3A_23 : i32 to vector<16xi32>
    %eq3A_25 = arith.cmpi eq, %iota3A, %eq3A_24 : vector<16xi32>
    %jit3A_26 = arith.constant 0 : i32
    %broadcast_in_dim3A_27 = vector.broadcast %jit3A_26 : i32 to vector<16xi32>
    %select_n3A_28 = arith.select %eq3A_25, %get3A_13, %broadcast_in_dim3A_27 : vector<16xi1>, vector<16xi32>
    %reduce_max3A_29 = arith.constant true
    %reduce_max3A_30 = vector.broadcast %reduce_max3A_29 : i1 to vector<16xi1>
    %reduce_max3A_31 = arith.constant -2147483648 : i32
    %reduce_max3A_32 = vector.broadcast %reduce_max3A_31 : i32 to vector<16xi32>
    %reduce_max3A_33 = arith.xori %select_n3A_28, %reduce_max3A_32 : vector<16xi32>
    %reduce_max3A_34 = tpu.scan <max>, %reduce_max3A_33 masked %reduce_max3A_30 : vector<16xi32>, vector<16xi1> -> vector<16xi32>
    %reduce_max3A_35 = arith.xori %reduce_max3A_34, %reduce_max3A_32 : vector<16xi32>
    %reduce_max3A_36 = vector.extract %reduce_max3A_35[15] : i32 from vector<16xi32>
    %eq3A_37 = arith.constant 2 : i32
    %eq3A_38 = vector.broadcast %eq3A_37 : i32 to vector<16xi32>
    %eq3A_39 = arith.cmpi eq, %iota3A, %eq3A_38 : vector<16xi32>
    %jit3A_40 = arith.constant 0 : i32
    %broadcast_in_dim3A_41 = vector.broadcast %jit3A_40 : i32 to vector<16xi32>
    %select_n3A_42 = arith.select %eq3A_39, %get3A_13, %broadcast_in_dim3A_41 : vector<16xi1>, vector<16xi32>
    %reduce_max3A_43 = arith.constant true
    %reduce_max3A_44 = vector.broadcast %reduce_max3A_43 : i1 to vector<16xi1>
    %reduce_max3A_45 = arith.constant -2147483648 : i32
    %reduce_max3A_46 = vector.broadcast %reduce_max3A_45 : i32 to vector<16xi32>
    %reduce_max3A_47 = arith.xori %select_n3A_42, %reduce_max3A_46 : vector<16xi32>
    %reduce_max3A_48 = tpu.scan <max>, %reduce_max3A_47 masked %reduce_max3A_44 : vector<16xi32>, vector<16xi1> -> vector<16xi32>
    %reduce_max3A_49 = arith.xori %reduce_max3A_48, %reduce_max3A_46 : vector<16xi32>
    %reduce_max3A_50 = vector.extract %reduce_max3A_49[15] : i32 from vector<16xi32>
    %eq3A_51 = arith.constant 3 : i32
    %eq3A_52 = vector.broadcast %eq3A_51 : i32 to vector<16xi32>
    %eq3A_53 = arith.cmpi eq, %iota3A, %eq3A_52 : vector<16xi32>
    %jit3A_54 = arith.constant 0 : i32
    %broadcast_in_dim3A_55 = vector.broadcast %jit3A_54 : i32 to vector<16xi32>
    %select_n3A_56 = arith.select %eq3A_53, %get3A_13, %broadcast_in_dim3A_55 : vector<16xi1>, vector<16xi32>
    %reduce_max3A_57 = arith.constant true
    %reduce_max3A_58 = vector.broadcast %reduce_max3A_57 : i1 to vector<16xi1>
    %reduce_max3A_59 = arith.constant -2147483648 : i32
    %reduce_max3A_60 = vector.broadcast %reduce_max3A_59 : i32 to vector<16xi32>
    %reduce_max3A_61 = arith.xori %select_n3A_56, %reduce_max3A_60 : vector<16xi32>
    %reduce_max3A_62 = tpu.scan <max>, %reduce_max3A_61 masked %reduce_max3A_58 : vector<16xi32>, vector<16xi1> -> vector<16xi32>
    %reduce_max3A_63 = arith.xori %reduce_max3A_62, %reduce_max3A_60 : vector<16xi32>
    %reduce_max3A_64 = vector.extract %reduce_max3A_63[15] : i32 from vector<16xi32>
    %add3A_65 = arith.constant 0 : i32
    %add3A_66 = arith.addi %mul3A_2, %add3A_65 : i32
    %lt3A = arith.cmpi slt, %add3A_66, %reduce_max3A_36 : i32
    %add3A_67 = arith.constant 128 : i32
    %add3A_68 = arith.addi %add3A_66, %add3A_67 : i32
    %gt3A = arith.cmpi sgt, %add3A_68, %reduce_max3A_22 : i32
    %and3A = arith.andi %lt3A, %gt3A : i1
    %add3A_69 = arith.constant 128 : i32
    %add3A_70 = arith.addi %mul3A_2, %add3A_69 : i32
    %lt3A_71 = arith.cmpi slt, %add3A_70, %reduce_max3A_36 : i32
    %add3A_72 = arith.constant 128 : i32
    %add3A_73 = arith.addi %add3A_70, %add3A_72 : i32
    %gt3A_74 = arith.cmpi sgt, %add3A_73, %reduce_max3A_22 : i32
    %and3A_75 = arith.andi %lt3A_71, %gt3A_74 : i1
    %add3A_76 = arith.constant 0 : i32
    %add3A_77 = arith.addi %mul3A_2, %add3A_76 : i32
    %lt3A_78 = arith.cmpi slt, %add3A_77, %reduce_max3A_50 : i32
    %add3A_79 = arith.constant 128 : i32
    %add3A_80 = arith.addi %add3A_77, %add3A_79 : i32
    %gt3A_81 = arith.cmpi sgt, %add3A_80, %reduce_max3A_36 : i32
    %and3A_82 = arith.andi %lt3A_78, %gt3A_81 : i1
    %add3A_83 = arith.constant 128 : i32
    %add3A_84 = arith.addi %mul3A_2, %add3A_83 : i32
    %lt3A_85 = arith.cmpi slt, %add3A_84, %reduce_max3A_50 : i32
    %add3A_86 = arith.constant 128 : i32
    %add3A_87 = arith.addi %add3A_84, %add3A_86 : i32
    %gt3A_88 = arith.cmpi sgt, %add3A_87, %reduce_max3A_36 : i32
    %and3A_89 = arith.andi %lt3A_85, %gt3A_88 : i1
    %add3A_90 = arith.constant 0 : i32
    %add3A_91 = arith.addi %mul3A_2, %add3A_90 : i32
    %lt3A_92 = arith.cmpi slt, %add3A_91, %reduce_max3A_64 : i32
    %add3A_93 = arith.constant 128 : i32
    %add3A_94 = arith.addi %add3A_91, %add3A_93 : i32
    %gt3A_95 = arith.cmpi sgt, %add3A_94, %reduce_max3A_50 : i32
    %and3A_96 = arith.andi %lt3A_92, %gt3A_95 : i1
    %add3A_97 = arith.constant 128 : i32
    %add3A_98 = arith.addi %mul3A_2, %add3A_97 : i32
    %lt3A_99 = arith.cmpi slt, %add3A_98, %reduce_max3A_64 : i32
    %add3A_100 = arith.constant 128 : i32
    %add3A_101 = arith.addi %add3A_98, %add3A_100 : i32
    %gt3A_102 = arith.cmpi sgt, %add3A_101, %reduce_max3A_50 : i32
    %and3A_103 = arith.andi %lt3A_99, %gt3A_102 : i1
    %add3A_104 = arith.constant 0 : i32
    %add3A_105 = arith.addi %mul3A_2, %add3A_104 : i32
    %lt3A_106 = arith.cmpi slt, %add3A_105, %reduce_max3A_36 : i32
    %add3A_107 = arith.constant 128 : i32
    %add3A_108 = arith.addi %add3A_105, %add3A_107 : i32
    %gt3A_109 = arith.cmpi sgt, %add3A_108, %reduce_max3A_22 : i32
    %and3A_110 = arith.andi %lt3A_106, %gt3A_109 : i1
    %add3A_111 = arith.constant 128 : i32
    %add3A_112 = arith.addi %mul3A_2, %add3A_111 : i32
    %lt3A_113 = arith.cmpi slt, %add3A_112, %reduce_max3A_36 : i32
    %add3A_114 = arith.constant 128 : i32
    %add3A_115 = arith.addi %add3A_112, %add3A_114 : i32
    %gt3A_116 = arith.cmpi sgt, %add3A_115, %reduce_max3A_22 : i32
    %and3A_117 = arith.andi %lt3A_113, %gt3A_116 : i1
    %add3A_118 = arith.constant 0 : i32
    %add3A_119 = arith.addi %mul3A_2, %add3A_118 : i32
    %lt3A_120 = arith.cmpi slt, %add3A_119, %reduce_max3A_50 : i32
    %add3A_121 = arith.constant 128 : i32
    %add3A_122 = arith.addi %add3A_119, %add3A_121 : i32
    %gt3A_123 = arith.cmpi sgt, %add3A_122, %reduce_max3A_36 : i32
    %and3A_124 = arith.andi %lt3A_120, %gt3A_123 : i1
    %add3A_125 = arith.constant 128 : i32
    %add3A_126 = arith.addi %mul3A_2, %add3A_125 : i32
    %lt3A_127 = arith.cmpi slt, %add3A_126, %reduce_max3A_50 : i32
    %add3A_128 = arith.constant 128 : i32
    %add3A_129 = arith.addi %add3A_126, %add3A_128 : i32
    %gt3A_130 = arith.cmpi sgt, %add3A_129, %reduce_max3A_36 : i32
    %and3A_131 = arith.andi %lt3A_127, %gt3A_130 : i1
    %add3A_132 = arith.constant 0 : i32
    %add3A_133 = arith.addi %mul3A_2, %add3A_132 : i32
    %lt3A_134 = arith.cmpi slt, %add3A_133, %reduce_max3A_64 : i32
    %add3A_135 = arith.constant 128 : i32
    %add3A_136 = arith.addi %add3A_133, %add3A_135 : i32
    %gt3A_137 = arith.cmpi sgt, %add3A_136, %reduce_max3A_50 : i32
    %and3A_138 = arith.andi %lt3A_134, %gt3A_137 : i1
    %add3A_139 = arith.constant 128 : i32
    %add3A_140 = arith.addi %mul3A_2, %add3A_139 : i32
    %lt3A_141 = arith.cmpi slt, %add3A_140, %reduce_max3A_64 : i32
    %add3A_142 = arith.constant 128 : i32
    %add3A_143 = arith.addi %add3A_140, %add3A_142 : i32
    %gt3A_144 = arith.cmpi sgt, %add3A_143, %reduce_max3A_50 : i32
    %and3A_145 = arith.andi %lt3A_141, %gt3A_144 : i1
    %add3A_146 = arith.constant 0 : i32
    %add3A_147 = arith.addi %mul3A_2, %add3A_146 : i32
    %lt3A_148 = arith.cmpi slt, %add3A_147, %reduce_max3A_36 : i32
    %add3A_149 = arith.constant 128 : i32
    %add3A_150 = arith.addi %add3A_147, %add3A_149 : i32
    %gt3A_151 = arith.cmpi sgt, %add3A_150, %reduce_max3A_22 : i32
    %and3A_152 = arith.andi %lt3A_148, %gt3A_151 : i1
    %add3A_153 = arith.constant 128 : i32
    %add3A_154 = arith.addi %mul3A_2, %add3A_153 : i32
    %lt3A_155 = arith.cmpi slt, %add3A_154, %reduce_max3A_36 : i32
    %add3A_156 = arith.constant 128 : i32
    %add3A_157 = arith.addi %add3A_154, %add3A_156 : i32
    %gt3A_158 = arith.cmpi sgt, %add3A_157, %reduce_max3A_22 : i32
    %and3A_159 = arith.andi %lt3A_155, %gt3A_158 : i1
    %add3A_160 = arith.constant 0 : i32
    %add3A_161 = arith.addi %mul3A_2, %add3A_160 : i32
    %lt3A_162 = arith.cmpi slt, %add3A_161, %reduce_max3A_50 : i32
    %add3A_163 = arith.constant 128 : i32
    %add3A_164 = arith.addi %add3A_161, %add3A_163 : i32
    %gt3A_165 = arith.cmpi sgt, %add3A_164, %reduce_max3A_36 : i32
    %and3A_166 = arith.andi %lt3A_162, %gt3A_165 : i1
    %add3A_167 = arith.constant 128 : i32
    %add3A_168 = arith.addi %mul3A_2, %add3A_167 : i32
    %lt3A_169 = arith.cmpi slt, %add3A_168, %reduce_max3A_50 : i32
    %add3A_170 = arith.constant 128 : i32
    %add3A_171 = arith.addi %add3A_168, %add3A_170 : i32
    %gt3A_172 = arith.cmpi sgt, %add3A_171, %reduce_max3A_36 : i32
    %and3A_173 = arith.andi %lt3A_169, %gt3A_172 : i1
    %add3A_174 = arith.constant 0 : i32
    %add3A_175 = arith.addi %mul3A_2, %add3A_174 : i32
    %lt3A_176 = arith.cmpi slt, %add3A_175, %reduce_max3A_64 : i32
    %add3A_177 = arith.constant 128 : i32
    %add3A_178 = arith.addi %add3A_175, %add3A_177 : i32
    %gt3A_179 = arith.cmpi sgt, %add3A_178, %reduce_max3A_50 : i32
    %and3A_180 = arith.andi %lt3A_176, %gt3A_179 : i1
    %add3A_181 = arith.constant 128 : i32
    %add3A_182 = arith.addi %mul3A_2, %add3A_181 : i32
    %lt3A_183 = arith.cmpi slt, %add3A_182, %reduce_max3A_64 : i32
    %add3A_184 = arith.constant 128 : i32
    %add3A_185 = arith.addi %add3A_182, %add3A_184 : i32
    %gt3A_186 = arith.cmpi sgt, %add3A_185, %reduce_max3A_50 : i32
    %and3A_187 = arith.andi %lt3A_183, %gt3A_186 : i1
    %dma_start3A_188 = arith.constant 0 : i32
    %dma_start3A_189 = tpu.memref_slice %arg31[%dma_start3A_188] : memref<256xi32, #tpu.memory_space<vmem>> -> memref<128xi32, #tpu.memory_space<vmem>>
    %dma_start3A_190 = arith.constant 0 : i32
    %dma_start3A_191 = arith.constant 0 : i32
    %dma_start3A_192 = tpu.memref_slice %arg2[%dma_start3A_190, %dma_start3A_191] : memref<100001x128xf32, #tpu.memory_space<hbm>> -> memref<100001x128xf32, #tpu.memory_space<hbm>>
    tpu.enqueue_indirect_dma source(%dma_start3A_192 : memref<100001x128xf32, #tpu.memory_space<hbm>>) target(%arg35 : memref<128x128xf32, #tpu.memory_space<vmem>>) offsets(%dma_start3A_189 : memref<128xi32, #tpu.memory_space<vmem>>) semaphore(%arg41 : memref<!tpu.dma_semaphore, #tpu.memory_space<semaphore_mem>>)
    %dma_start3A_193 = arith.constant 128 : i32
    %dma_start3A_194 = tpu.memref_slice %arg31[%dma_start3A_193] : memref<256xi32, #tpu.memory_space<vmem>> -> memref<128xi32, #tpu.memory_space<vmem>>
    %dma_start3A_195 = arith.constant 0 : i32
    %dma_start3A_196 = arith.constant 0 : i32
    %dma_start3A_197 = tpu.memref_slice %arg2[%dma_start3A_195, %dma_start3A_196] : memref<100001x128xf32, #tpu.memory_space<hbm>> -> memref<100001x128xf32, #tpu.memory_space<hbm>>
    tpu.enqueue_indirect_dma source(%dma_start3A_197 : memref<100001x128xf32, #tpu.memory_space<hbm>>) target(%arg36 : memref<128x128xf32, #tpu.memory_space<vmem>>) offsets(%dma_start3A_194 : memref<128xi32, #tpu.memory_space<vmem>>) semaphore(%arg42 : memref<!tpu.dma_semaphore, #tpu.memory_space<semaphore_mem>>)
    %convert_element_type3A = arith.extui %and3A : i1 to i32
    %cond3A = arith.constant 0 : i32
    %cond3A_198 = arith.cmpi ne, %convert_element_type3A, %cond3A : i32
    scf.if %cond3A_198 {
      %dma_start3A_558 = arith.constant 0 : i32
      %dma_start3A_559 = tpu.memref_slice %arg31[%dma_start3A_558] : memref<256xi32, #tpu.memory_space<vmem>> -> memref<128xi32, #tpu.memory_space<vmem>>
      %dma_start3A_560 = arith.constant 0 : i32
      %dma_start3A_561 = arith.constant 0 : i32
      %dma_start3A_562 = tpu.memref_slice %arg3[%dma_start3A_560, %dma_start3A_561] : memref<100001x128xf32, #tpu.memory_space<hbm>> -> memref<100001x128xf32, #tpu.memory_space<hbm>>
      tpu.enqueue_indirect_dma source(%dma_start3A_562 : memref<100001x128xf32, #tpu.memory_space<hbm>>) target(%arg37 : memref<128x128xf32, #tpu.memory_space<vmem>>) offsets(%dma_start3A_559 : memref<128xi32, #tpu.memory_space<vmem>>) semaphore(%arg43 : memref<!tpu.dma_semaphore, #tpu.memory_space<semaphore_mem>>)
    } else {
    }
    %convert_element_type3A_199 = arith.extui %and3A_75 : i1 to i32
    %cond3A_200 = arith.constant 0 : i32
    %cond3A_201 = arith.cmpi ne, %convert_element_type3A_199, %cond3A_200 : i32
    scf.if %cond3A_201 {
      %dma_start3A_558 = arith.constant 128 : i32
      %dma_start3A_559 = tpu.memref_slice %arg31[%dma_start3A_558] : memref<256xi32, #tpu.memory_space<vmem>> -> memref<128xi32, #tpu.memory_space<vmem>>
      %dma_start3A_560 = arith.constant 0 : i32
      %dma_start3A_561 = arith.constant 0 : i32
      %dma_start3A_562 = tpu.memref_slice %arg3[%dma_start3A_560, %dma_start3A_561] : memref<100001x128xf32, #tpu.memory_space<hbm>> -> memref<100001x128xf32, #tpu.memory_space<hbm>>
      tpu.enqueue_indirect_dma source(%dma_start3A_562 : memref<100001x128xf32, #tpu.memory_space<hbm>>) target(%arg38 : memref<128x128xf32, #tpu.memory_space<vmem>>) offsets(%dma_start3A_559 : memref<128xi32, #tpu.memory_space<vmem>>) semaphore(%arg44 : memref<!tpu.dma_semaphore, #tpu.memory_space<semaphore_mem>>)
    } else {
    }
    %dma_wait3A_202 = arith.constant 0 : i32
    %dma_wait3A_203 = tpu.memref_slice %arg31[%dma_wait3A_202] : memref<256xi32, #tpu.memory_space<vmem>> -> memref<128xi32, #tpu.memory_space<vmem>>
    %dma_wait3A_204 = arith.constant 0 : i32
    %dma_wait3A_205 = arith.constant 0 : i32
    %dma_wait3A_206 = tpu.memref_slice %arg2[%dma_wait3A_204, %dma_wait3A_205] : memref<100001x128xf32, #tpu.memory_space<hbm>> -> memref<100001x128xf32, #tpu.memory_space<hbm>>
    tpu.wait_indirect_dma semaphore(%arg41 : memref<!tpu.dma_semaphore, #tpu.memory_space<semaphore_mem>>) src(%dma_wait3A_206 : memref<100001x128xf32, #tpu.memory_space<hbm>>) dst(%arg35 : memref<128x128xf32, #tpu.memory_space<vmem>>)
    %add3A_207 = arith.constant 0 : i32
    %add3A_208 = arith.addi %mul3A_2, %add3A_207 : i32
    %dma_start3A_209 = arith.constant 0 : i32
    %dma_start3A_210 = tpu.memref_slice %arg19[%add3A_208, %dma_start3A_209] : memref<8192x128xf32, #tpu.memory_space<hbm>> -> memref<128x128xf32, #tpu.memory_space<hbm>>
    %dma_start3A_211 = arith.constant 0 : i32
    %dma_start3A_212 = tpu.memref_slice %arg19[%add3A_208, %dma_start3A_211] : memref<8192x128xf32, #tpu.memory_space<hbm>> -> memref<128x128xf32, #tpu.memory_space<hbm>>
    tpu.enqueue_dma source(%arg35 : memref<128x128xf32, #tpu.memory_space<vmem>>) target(%dma_start3A_212 : memref<128x128xf32, #tpu.memory_space<hbm>>) target_semaphore(%arg45 : memref<!tpu.dma_semaphore, #tpu.memory_space<semaphore_mem>>)
    %dma_wait3A_213 = arith.constant 0 : i32
    %dma_wait3A_214 = tpu.memref_slice %arg19[%add3A_208, %dma_wait3A_213] : memref<8192x128xf32, #tpu.memory_space<hbm>> -> memref<128x128xf32, #tpu.memory_space<hbm>>
    %dma_wait3A_215 = arith.constant 0 : i32
    %dma_wait3A_216 = tpu.memref_slice %arg19[%add3A_208, %dma_wait3A_215] : memref<8192x128xf32, #tpu.memory_space<hbm>> -> memref<128x128xf32, #tpu.memory_space<hbm>>
    tpu.wait_dma2 semaphore(%arg45 : memref<!tpu.dma_semaphore, #tpu.memory_space<semaphore_mem>>) src(%arg35 : memref<128x128xf32, #tpu.memory_space<vmem>>) dst(%dma_wait3A_216 : memref<128x128xf32, #tpu.memory_space<hbm>>)
    %convert_element_type3A_217 = arith.extui %and3A_82 : i1 to i32
    %cond3A_218 = arith.constant 0 : i32
    %cond3A_219 = arith.cmpi ne, %convert_element_type3A_217, %cond3A_218 : i32
    scf.if %cond3A_219 {
      %dma_start3A_558 = arith.constant 0 : i32
      %dma_start3A_559 = tpu.memref_slice %arg31[%dma_start3A_558] : memref<256xi32, #tpu.memory_space<vmem>> -> memref<128xi32, #tpu.memory_space<vmem>>
      %dma_start3A_560 = arith.constant 0 : i32
      %dma_start3A_561 = arith.constant 0 : i32
      %dma_start3A_562 = tpu.memref_slice %arg4[%dma_start3A_560, %dma_start3A_561] : memref<100001x128xf32, #tpu.memory_space<hbm>> -> memref<100001x128xf32, #tpu.memory_space<hbm>>
      tpu.enqueue_indirect_dma source(%dma_start3A_562 : memref<100001x128xf32, #tpu.memory_space<hbm>>) target(%arg35 : memref<128x128xf32, #tpu.memory_space<vmem>>) offsets(%dma_start3A_559 : memref<128xi32, #tpu.memory_space<vmem>>) semaphore(%arg41 : memref<!tpu.dma_semaphore, #tpu.memory_space<semaphore_mem>>)
    } else {
    }
    %dma_wait3A_220 = arith.constant 128 : i32
    %dma_wait3A_221 = tpu.memref_slice %arg31[%dma_wait3A_220] : memref<256xi32, #tpu.memory_space<vmem>> -> memref<128xi32, #tpu.memory_space<vmem>>
    %dma_wait3A_222 = arith.constant 0 : i32
    %dma_wait3A_223 = arith.constant 0 : i32
    %dma_wait3A_224 = tpu.memref_slice %arg2[%dma_wait3A_222, %dma_wait3A_223] : memref<100001x128xf32, #tpu.memory_space<hbm>> -> memref<100001x128xf32, #tpu.memory_space<hbm>>
    tpu.wait_indirect_dma semaphore(%arg42 : memref<!tpu.dma_semaphore, #tpu.memory_space<semaphore_mem>>) src(%dma_wait3A_224 : memref<100001x128xf32, #tpu.memory_space<hbm>>) dst(%arg36 : memref<128x128xf32, #tpu.memory_space<vmem>>)
    %add3A_225 = arith.constant 128 : i32
    %add3A_226 = arith.addi %mul3A_2, %add3A_225 : i32
    %dma_start3A_227 = arith.constant 0 : i32
    %dma_start3A_228 = tpu.memref_slice %arg19[%add3A_226, %dma_start3A_227] : memref<8192x128xf32, #tpu.memory_space<hbm>> -> memref<128x128xf32, #tpu.memory_space<hbm>>
    %dma_start3A_229 = arith.constant 0 : i32
    %dma_start3A_230 = tpu.memref_slice %arg19[%add3A_226, %dma_start3A_229] : memref<8192x128xf32, #tpu.memory_space<hbm>> -> memref<128x128xf32, #tpu.memory_space<hbm>>
    tpu.enqueue_dma source(%arg36 : memref<128x128xf32, #tpu.memory_space<vmem>>) target(%dma_start3A_230 : memref<128x128xf32, #tpu.memory_space<hbm>>) target_semaphore(%arg46 : memref<!tpu.dma_semaphore, #tpu.memory_space<semaphore_mem>>)
    %dma_wait3A_231 = arith.constant 0 : i32
    %dma_wait3A_232 = tpu.memref_slice %arg19[%add3A_226, %dma_wait3A_231] : memref<8192x128xf32, #tpu.memory_space<hbm>> -> memref<128x128xf32, #tpu.memory_space<hbm>>
    %dma_wait3A_233 = arith.constant 0 : i32
    %dma_wait3A_234 = tpu.memref_slice %arg19[%add3A_226, %dma_wait3A_233] : memref<8192x128xf32, #tpu.memory_space<hbm>> -> memref<128x128xf32, #tpu.memory_space<hbm>>
    tpu.wait_dma2 semaphore(%arg46 : memref<!tpu.dma_semaphore, #tpu.memory_space<semaphore_mem>>) src(%arg36 : memref<128x128xf32, #tpu.memory_space<vmem>>) dst(%dma_wait3A_234 : memref<128x128xf32, #tpu.memory_space<hbm>>)
    %convert_element_type3A_235 = arith.extui %and3A_89 : i1 to i32
    %cond3A_236 = arith.constant 0 : i32
    %cond3A_237 = arith.cmpi ne, %convert_element_type3A_235, %cond3A_236 : i32
    scf.if %cond3A_237 {
      %dma_start3A_558 = arith.constant 128 : i32
      %dma_start3A_559 = tpu.memref_slice %arg31[%dma_start3A_558] : memref<256xi32, #tpu.memory_space<vmem>> -> memref<128xi32, #tpu.memory_space<vmem>>
      %dma_start3A_560 = arith.constant 0 : i32
      %dma_start3A_561 = arith.constant 0 : i32
      %dma_start3A_562 = tpu.memref_slice %arg4[%dma_start3A_560, %dma_start3A_561] : memref<100001x128xf32, #tpu.memory_space<hbm>> -> memref<100001x128xf32, #tpu.memory_space<hbm>>
      tpu.enqueue_indirect_dma source(%dma_start3A_562 : memref<100001x128xf32, #tpu.memory_space<hbm>>) target(%arg36 : memref<128x128xf32, #tpu.memory_space<vmem>>) offsets(%dma_start3A_559 : memref<128xi32, #tpu.memory_space<vmem>>) semaphore(%arg42 : memref<!tpu.dma_semaphore, #tpu.memory_space<semaphore_mem>>)
    } else {
    }
    %convert_element_type3A_238 = arith.extui %and3A : i1 to i32
    %cond3A_239 = arith.constant 0 : i32
    %cond3A_240 = arith.cmpi ne, %convert_element_type3A_238, %cond3A_239 : i32
    scf.if %cond3A_240 {
      %dma_wait3A_558 = arith.constant 0 : i32
      %dma_wait3A_559 = tpu.memref_slice %arg31[%dma_wait3A_558] : memref<256xi32, #tpu.memory_space<vmem>> -> memref<128xi32, #tpu.memory_space<vmem>>
      %dma_wait3A_560 = arith.constant 0 : i32
      %dma_wait3A_561 = arith.constant 0 : i32
      %dma_wait3A_562 = tpu.memref_slice %arg3[%dma_wait3A_560, %dma_wait3A_561] : memref<100001x128xf32, #tpu.memory_space<hbm>> -> memref<100001x128xf32, #tpu.memory_space<hbm>>
      tpu.wait_indirect_dma semaphore(%arg43 : memref<!tpu.dma_semaphore, #tpu.memory_space<semaphore_mem>>) src(%dma_wait3A_562 : memref<100001x128xf32, #tpu.memory_space<hbm>>) dst(%arg37 : memref<128x128xf32, #tpu.memory_space<vmem>>)
    } else {
    }
    %add3A_241 = arith.constant 0 : i32
    %add3A_242 = arith.addi %mul3A_2, %add3A_241 : i32
    %convert_element_type3A_243 = arith.extui %and3A : i1 to i32
    %cond3A_244 = arith.constant 0 : i32
    %cond3A_245 = arith.cmpi ne, %convert_element_type3A_243, %cond3A_244 : i32
    scf.if %cond3A_245 {
      %dma_start3A_558 = arith.constant 0 : i32
      %dma_start3A_559 = tpu.memref_slice %arg20[%add3A_242, %dma_start3A_558] : memref<8192x128xf32, #tpu.memory_space<hbm>> -> memref<128x128xf32, #tpu.memory_space<hbm>>
      %dma_start3A_560 = arith.constant 0 : i32
      %dma_start3A_561 = tpu.memref_slice %arg20[%add3A_242, %dma_start3A_560] : memref<8192x128xf32, #tpu.memory_space<hbm>> -> memref<128x128xf32, #tpu.memory_space<hbm>>
      tpu.enqueue_dma source(%arg37 : memref<128x128xf32, #tpu.memory_space<vmem>>) target(%dma_start3A_561 : memref<128x128xf32, #tpu.memory_space<hbm>>) target_semaphore(%arg47 : memref<!tpu.dma_semaphore, #tpu.memory_space<semaphore_mem>>)
    } else {
    }
    %convert_element_type3A_246 = arith.extui %and3A : i1 to i32
    %cond3A_247 = arith.constant 0 : i32
    %cond3A_248 = arith.cmpi ne, %convert_element_type3A_246, %cond3A_247 : i32
    scf.if %cond3A_248 {
      %dma_wait3A_558 = arith.constant 0 : i32
      %dma_wait3A_559 = tpu.memref_slice %arg20[%add3A_242, %dma_wait3A_558] : memref<8192x128xf32, #tpu.memory_space<hbm>> -> memref<128x128xf32, #tpu.memory_space<hbm>>
      %dma_wait3A_560 = arith.constant 0 : i32
      %dma_wait3A_561 = tpu.memref_slice %arg20[%add3A_242, %dma_wait3A_560] : memref<8192x128xf32, #tpu.memory_space<hbm>> -> memref<128x128xf32, #tpu.memory_space<hbm>>
      tpu.wait_dma2 semaphore(%arg47 : memref<!tpu.dma_semaphore, #tpu.memory_space<semaphore_mem>>) src(%arg37 : memref<128x128xf32, #tpu.memory_space<vmem>>) dst(%dma_wait3A_561 : memref<128x128xf32, #tpu.memory_space<hbm>>)
    } else {
    }
    %convert_element_type3A_249 = arith.extui %and3A_96 : i1 to i32
    %cond3A_250 = arith.constant 0 : i32
    %cond3A_251 = arith.cmpi ne, %convert_element_type3A_249, %cond3A_250 : i32
    scf.if %cond3A_251 {
      %dma_start3A_558 = arith.constant 0 : i32
      %dma_start3A_559 = tpu.memref_slice %arg31[%dma_start3A_558] : memref<256xi32, #tpu.memory_space<vmem>> -> memref<128xi32, #tpu.memory_space<vmem>>
      %dma_start3A_560 = arith.constant 0 : i32
      %dma_start3A_561 = arith.constant 0 : i32
      %dma_start3A_562 = tpu.memref_slice %arg5[%dma_start3A_560, %dma_start3A_561] : memref<100001x128xf32, #tpu.memory_space<hbm>> -> memref<100001x128xf32, #tpu.memory_space<hbm>>
      tpu.enqueue_indirect_dma source(%dma_start3A_562 : memref<100001x128xf32, #tpu.memory_space<hbm>>) target(%arg37 : memref<128x128xf32, #tpu.memory_space<vmem>>) offsets(%dma_start3A_559 : memref<128xi32, #tpu.memory_space<vmem>>) semaphore(%arg43 : memref<!tpu.dma_semaphore, #tpu.memory_space<semaphore_mem>>)
    } else {
    }
    %convert_element_type3A_252 = arith.extui %and3A_75 : i1 to i32
    %cond3A_253 = arith.constant 0 : i32
    %cond3A_254 = arith.cmpi ne, %convert_element_type3A_252, %cond3A_253 : i32
    scf.if %cond3A_254 {
      %dma_wait3A_558 = arith.constant 128 : i32
      %dma_wait3A_559 = tpu.memref_slice %arg31[%dma_wait3A_558] : memref<256xi32, #tpu.memory_space<vmem>> -> memref<128xi32, #tpu.memory_space<vmem>>
      %dma_wait3A_560 = arith.constant 0 : i32
      %dma_wait3A_561 = arith.constant 0 : i32
      %dma_wait3A_562 = tpu.memref_slice %arg3[%dma_wait3A_560, %dma_wait3A_561] : memref<100001x128xf32, #tpu.memory_space<hbm>> -> memref<100001x128xf32, #tpu.memory_space<hbm>>
      tpu.wait_indirect_dma semaphore(%arg44 : memref<!tpu.dma_semaphore, #tpu.memory_space<semaphore_mem>>) src(%dma_wait3A_562 : memref<100001x128xf32, #tpu.memory_space<hbm>>) dst(%arg38 : memref<128x128xf32, #tpu.memory_space<vmem>>)
    } else {
    }
    %add3A_255 = arith.constant 128 : i32
    %add3A_256 = arith.addi %mul3A_2, %add3A_255 : i32
    %convert_element_type3A_257 = arith.extui %and3A_75 : i1 to i32
    %cond3A_258 = arith.constant 0 : i32
    %cond3A_259 = arith.cmpi ne, %convert_element_type3A_257, %cond3A_258 : i32
    scf.if %cond3A_259 {
      %dma_start3A_558 = arith.constant 0 : i32
      %dma_start3A_559 = tpu.memref_slice %arg20[%add3A_256, %dma_start3A_558] : memref<8192x128xf32, #tpu.memory_space<hbm>> -> memref<128x128xf32, #tpu.memory_space<hbm>>
      %dma_start3A_560 = arith.constant 0 : i32
      %dma_start3A_561 = tpu.memref_slice %arg20[%add3A_256, %dma_start3A_560] : memref<8192x128xf32, #tpu.memory_space<hbm>> -> memref<128x128xf32, #tpu.memory_space<hbm>>
      tpu.enqueue_dma source(%arg38 : memref<128x128xf32, #tpu.memory_space<vmem>>) target(%dma_start3A_561 : memref<128x128xf32, #tpu.memory_space<hbm>>) target_semaphore(%arg48 : memref<!tpu.dma_semaphore, #tpu.memory_space<semaphore_mem>>)
    } else {
    }
    %convert_element_type3A_260 = arith.extui %and3A_75 : i1 to i32
    %cond3A_261 = arith.constant 0 : i32
    %cond3A_262 = arith.cmpi ne, %convert_element_type3A_260, %cond3A_261 : i32
    scf.if %cond3A_262 {
      %dma_wait3A_558 = arith.constant 0 : i32
      %dma_wait3A_559 = tpu.memref_slice %arg20[%add3A_256, %dma_wait3A_558] : memref<8192x128xf32, #tpu.memory_space<hbm>> -> memref<128x128xf32, #tpu.memory_space<hbm>>
      %dma_wait3A_560 = arith.constant 0 : i32
      %dma_wait3A_561 = tpu.memref_slice %arg20[%add3A_256, %dma_wait3A_560] : memref<8192x128xf32, #tpu.memory_space<hbm>> -> memref<128x128xf32, #tpu.memory_space<hbm>>
      tpu.wait_dma2 semaphore(%arg48 : memref<!tpu.dma_semaphore, #tpu.memory_space<semaphore_mem>>) src(%arg38 : memref<128x128xf32, #tpu.memory_space<vmem>>) dst(%dma_wait3A_561 : memref<128x128xf32, #tpu.memory_space<hbm>>)
    } else {
    }
    %convert_element_type3A_263 = arith.extui %and3A_103 : i1 to i32
    %cond3A_264 = arith.constant 0 : i32
    %cond3A_265 = arith.cmpi ne, %convert_element_type3A_263, %cond3A_264 : i32
    scf.if %cond3A_265 {
      %dma_start3A_558 = arith.constant 128 : i32
      %dma_start3A_559 = tpu.memref_slice %arg31[%dma_start3A_558] : memref<256xi32, #tpu.memory_space<vmem>> -> memref<128xi32, #tpu.memory_space<vmem>>
      %dma_start3A_560 = arith.constant 0 : i32
      %dma_start3A_561 = arith.constant 0 : i32
      %dma_start3A_562 = tpu.memref_slice %arg5[%dma_start3A_560, %dma_start3A_561] : memref<100001x128xf32, #tpu.memory_space<hbm>> -> memref<100001x128xf32, #tpu.memory_space<hbm>>
      tpu.enqueue_indirect_dma source(%dma_start3A_562 : memref<100001x128xf32, #tpu.memory_space<hbm>>) target(%arg38 : memref<128x128xf32, #tpu.memory_space<vmem>>) offsets(%dma_start3A_559 : memref<128xi32, #tpu.memory_space<vmem>>) semaphore(%arg44 : memref<!tpu.dma_semaphore, #tpu.memory_space<semaphore_mem>>)
    } else {
    }
    %convert_element_type3A_266 = arith.extui %and3A_82 : i1 to i32
    %cond3A_267 = arith.constant 0 : i32
    %cond3A_268 = arith.cmpi ne, %convert_element_type3A_266, %cond3A_267 : i32
    scf.if %cond3A_268 {
      %dma_wait3A_558 = arith.constant 0 : i32
      %dma_wait3A_559 = tpu.memref_slice %arg31[%dma_wait3A_558] : memref<256xi32, #tpu.memory_space<vmem>> -> memref<128xi32, #tpu.memory_space<vmem>>
      %dma_wait3A_560 = arith.constant 0 : i32
      %dma_wait3A_561 = arith.constant 0 : i32
      %dma_wait3A_562 = tpu.memref_slice %arg4[%dma_wait3A_560, %dma_wait3A_561] : memref<100001x128xf32, #tpu.memory_space<hbm>> -> memref<100001x128xf32, #tpu.memory_space<hbm>>
      tpu.wait_indirect_dma semaphore(%arg41 : memref<!tpu.dma_semaphore, #tpu.memory_space<semaphore_mem>>) src(%dma_wait3A_562 : memref<100001x128xf32, #tpu.memory_space<hbm>>) dst(%arg35 : memref<128x128xf32, #tpu.memory_space<vmem>>)
    } else {
    }
    %add3A_269 = arith.constant 0 : i32
    %add3A_270 = arith.addi %mul3A_2, %add3A_269 : i32
    %convert_element_type3A_271 = arith.extui %and3A_82 : i1 to i32
    %cond3A_272 = arith.constant 0 : i32
    %cond3A_273 = arith.cmpi ne, %convert_element_type3A_271, %cond3A_272 : i32
    scf.if %cond3A_273 {
      %dma_start3A_558 = arith.constant 0 : i32
      %dma_start3A_559 = tpu.memref_slice %arg21[%add3A_270, %dma_start3A_558] : memref<8192x128xf32, #tpu.memory_space<hbm>> -> memref<128x128xf32, #tpu.memory_space<hbm>>
      %dma_start3A_560 = arith.constant 0 : i32
      %dma_start3A_561 = tpu.memref_slice %arg21[%add3A_270, %dma_start3A_560] : memref<8192x128xf32, #tpu.memory_space<hbm>> -> memref<128x128xf32, #tpu.memory_space<hbm>>
      tpu.enqueue_dma source(%arg35 : memref<128x128xf32, #tpu.memory_space<vmem>>) target(%dma_start3A_561 : memref<128x128xf32, #tpu.memory_space<hbm>>) target_semaphore(%arg45 : memref<!tpu.dma_semaphore, #tpu.memory_space<semaphore_mem>>)
    } else {
    }
    %convert_element_type3A_274 = arith.extui %and3A_82 : i1 to i32
    %cond3A_275 = arith.constant 0 : i32
    %cond3A_276 = arith.cmpi ne, %convert_element_type3A_274, %cond3A_275 : i32
    scf.if %cond3A_276 {
      %dma_wait3A_558 = arith.constant 0 : i32
      %dma_wait3A_559 = tpu.memref_slice %arg21[%add3A_270, %dma_wait3A_558] : memref<8192x128xf32, #tpu.memory_space<hbm>> -> memref<128x128xf32, #tpu.memory_space<hbm>>
      %dma_wait3A_560 = arith.constant 0 : i32
      %dma_wait3A_561 = tpu.memref_slice %arg21[%add3A_270, %dma_wait3A_560] : memref<8192x128xf32, #tpu.memory_space<hbm>> -> memref<128x128xf32, #tpu.memory_space<hbm>>
      tpu.wait_dma2 semaphore(%arg45 : memref<!tpu.dma_semaphore, #tpu.memory_space<semaphore_mem>>) src(%arg35 : memref<128x128xf32, #tpu.memory_space<vmem>>) dst(%dma_wait3A_561 : memref<128x128xf32, #tpu.memory_space<hbm>>)
    } else {
    }
    %dma_start3A_277 = arith.constant 0 : i32
    %dma_start3A_278 = tpu.memref_slice %arg32[%dma_start3A_277] : memref<256xi32, #tpu.memory_space<vmem>> -> memref<128xi32, #tpu.memory_space<vmem>>
    %dma_start3A_279 = arith.constant 0 : i32
    %dma_start3A_280 = arith.constant 0 : i32
    %dma_start3A_281 = tpu.memref_slice %arg6[%dma_start3A_279, %dma_start3A_280] : memref<100001x128xf32, #tpu.memory_space<hbm>> -> memref<100001x128xf32, #tpu.memory_space<hbm>>
    tpu.enqueue_indirect_dma source(%dma_start3A_281 : memref<100001x128xf32, #tpu.memory_space<hbm>>) target(%arg35 : memref<128x128xf32, #tpu.memory_space<vmem>>) offsets(%dma_start3A_278 : memref<128xi32, #tpu.memory_space<vmem>>) semaphore(%arg41 : memref<!tpu.dma_semaphore, #tpu.memory_space<semaphore_mem>>)
    %convert_element_type3A_282 = arith.extui %and3A_89 : i1 to i32
    %cond3A_283 = arith.constant 0 : i32
    %cond3A_284 = arith.cmpi ne, %convert_element_type3A_282, %cond3A_283 : i32
    scf.if %cond3A_284 {
      %dma_wait3A_558 = arith.constant 128 : i32
      %dma_wait3A_559 = tpu.memref_slice %arg31[%dma_wait3A_558] : memref<256xi32, #tpu.memory_space<vmem>> -> memref<128xi32, #tpu.memory_space<vmem>>
      %dma_wait3A_560 = arith.constant 0 : i32
      %dma_wait3A_561 = arith.constant 0 : i32
      %dma_wait3A_562 = tpu.memref_slice %arg4[%dma_wait3A_560, %dma_wait3A_561] : memref<100001x128xf32, #tpu.memory_space<hbm>> -> memref<100001x128xf32, #tpu.memory_space<hbm>>
      tpu.wait_indirect_dma semaphore(%arg42 : memref<!tpu.dma_semaphore, #tpu.memory_space<semaphore_mem>>) src(%dma_wait3A_562 : memref<100001x128xf32, #tpu.memory_space<hbm>>) dst(%arg36 : memref<128x128xf32, #tpu.memory_space<vmem>>)
    } else {
    }
    %add3A_285 = arith.constant 128 : i32
    %add3A_286 = arith.addi %mul3A_2, %add3A_285 : i32
    %convert_element_type3A_287 = arith.extui %and3A_89 : i1 to i32
    %cond3A_288 = arith.constant 0 : i32
    %cond3A_289 = arith.cmpi ne, %convert_element_type3A_287, %cond3A_288 : i32
    scf.if %cond3A_289 {
      %dma_start3A_558 = arith.constant 0 : i32
      %dma_start3A_559 = tpu.memref_slice %arg21[%add3A_286, %dma_start3A_558] : memref<8192x128xf32, #tpu.memory_space<hbm>> -> memref<128x128xf32, #tpu.memory_space<hbm>>
      %dma_start3A_560 = arith.constant 0 : i32
      %dma_start3A_561 = tpu.memref_slice %arg21[%add3A_286, %dma_start3A_560] : memref<8192x128xf32, #tpu.memory_space<hbm>> -> memref<128x128xf32, #tpu.memory_space<hbm>>
      tpu.enqueue_dma source(%arg36 : memref<128x128xf32, #tpu.memory_space<vmem>>) target(%dma_start3A_561 : memref<128x128xf32, #tpu.memory_space<hbm>>) target_semaphore(%arg46 : memref<!tpu.dma_semaphore, #tpu.memory_space<semaphore_mem>>)
    } else {
    }
    %convert_element_type3A_290 = arith.extui %and3A_89 : i1 to i32
    %cond3A_291 = arith.constant 0 : i32
    %cond3A_292 = arith.cmpi ne, %convert_element_type3A_290, %cond3A_291 : i32
    scf.if %cond3A_292 {
      %dma_wait3A_558 = arith.constant 0 : i32
      %dma_wait3A_559 = tpu.memref_slice %arg21[%add3A_286, %dma_wait3A_558] : memref<8192x128xf32, #tpu.memory_space<hbm>> -> memref<128x128xf32, #tpu.memory_space<hbm>>
      %dma_wait3A_560 = arith.constant 0 : i32
      %dma_wait3A_561 = tpu.memref_slice %arg21[%add3A_286, %dma_wait3A_560] : memref<8192x128xf32, #tpu.memory_space<hbm>> -> memref<128x128xf32, #tpu.memory_space<hbm>>
      tpu.wait_dma2 semaphore(%arg46 : memref<!tpu.dma_semaphore, #tpu.memory_space<semaphore_mem>>) src(%arg36 : memref<128x128xf32, #tpu.memory_space<vmem>>) dst(%dma_wait3A_561 : memref<128x128xf32, #tpu.memory_space<hbm>>)
    } else {
    }
    %dma_start3A_293 = arith.constant 128 : i32
    %dma_start3A_294 = tpu.memref_slice %arg32[%dma_start3A_293] : memref<256xi32, #tpu.memory_space<vmem>> -> memref<128xi32, #tpu.memory_space<vmem>>
    %dma_start3A_295 = arith.constant 0 : i32
    %dma_start3A_296 = arith.constant 0 : i32
    %dma_start3A_297 = tpu.memref_slice %arg6[%dma_start3A_295, %dma_start3A_296] : memref<100001x128xf32, #tpu.memory_space<hbm>> -> memref<100001x128xf32, #tpu.memory_space<hbm>>
    tpu.enqueue_indirect_dma source(%dma_start3A_297 : memref<100001x128xf32, #tpu.memory_space<hbm>>) target(%arg36 : memref<128x128xf32, #tpu.memory_space<vmem>>) offsets(%dma_start3A_294 : memref<128xi32, #tpu.memory_space<vmem>>) semaphore(%arg42 : memref<!tpu.dma_semaphore, #tpu.memory_space<semaphore_mem>>)
    %convert_element_type3A_298 = arith.extui %and3A_96 : i1 to i32
    %cond3A_299 = arith.constant 0 : i32
    %cond3A_300 = arith.cmpi ne, %convert_element_type3A_298, %cond3A_299 : i32
    scf.if %cond3A_300 {
      %dma_wait3A_558 = arith.constant 0 : i32
      %dma_wait3A_559 = tpu.memref_slice %arg31[%dma_wait3A_558] : memref<256xi32, #tpu.memory_space<vmem>> -> memref<128xi32, #tpu.memory_space<vmem>>
      %dma_wait3A_560 = arith.constant 0 : i32
      %dma_wait3A_561 = arith.constant 0 : i32
      %dma_wait3A_562 = tpu.memref_slice %arg5[%dma_wait3A_560, %dma_wait3A_561] : memref<100001x128xf32, #tpu.memory_space<hbm>> -> memref<100001x128xf32, #tpu.memory_space<hbm>>
      tpu.wait_indirect_dma semaphore(%arg43 : memref<!tpu.dma_semaphore, #tpu.memory_space<semaphore_mem>>) src(%dma_wait3A_562 : memref<100001x128xf32, #tpu.memory_space<hbm>>) dst(%arg37 : memref<128x128xf32, #tpu.memory_space<vmem>>)
    } else {
    }
    %add3A_301 = arith.constant 0 : i32
    %add3A_302 = arith.addi %mul3A_2, %add3A_301 : i32
    %convert_element_type3A_303 = arith.extui %and3A_96 : i1 to i32
    %cond3A_304 = arith.constant 0 : i32
    %cond3A_305 = arith.cmpi ne, %convert_element_type3A_303, %cond3A_304 : i32
    scf.if %cond3A_305 {
      %dma_start3A_558 = arith.constant 0 : i32
      %dma_start3A_559 = tpu.memref_slice %arg22[%add3A_302, %dma_start3A_558] : memref<8192x128xf32, #tpu.memory_space<hbm>> -> memref<128x128xf32, #tpu.memory_space<hbm>>
      %dma_start3A_560 = arith.constant 0 : i32
      %dma_start3A_561 = tpu.memref_slice %arg22[%add3A_302, %dma_start3A_560] : memref<8192x128xf32, #tpu.memory_space<hbm>> -> memref<128x128xf32, #tpu.memory_space<hbm>>
      tpu.enqueue_dma source(%arg37 : memref<128x128xf32, #tpu.memory_space<vmem>>) target(%dma_start3A_561 : memref<128x128xf32, #tpu.memory_space<hbm>>) target_semaphore(%arg47 : memref<!tpu.dma_semaphore, #tpu.memory_space<semaphore_mem>>)
    } else {
    }
    %convert_element_type3A_306 = arith.extui %and3A_96 : i1 to i32
    %cond3A_307 = arith.constant 0 : i32
    %cond3A_308 = arith.cmpi ne, %convert_element_type3A_306, %cond3A_307 : i32
    scf.if %cond3A_308 {
      %dma_wait3A_558 = arith.constant 0 : i32
      %dma_wait3A_559 = tpu.memref_slice %arg22[%add3A_302, %dma_wait3A_558] : memref<8192x128xf32, #tpu.memory_space<hbm>> -> memref<128x128xf32, #tpu.memory_space<hbm>>
      %dma_wait3A_560 = arith.constant 0 : i32
      %dma_wait3A_561 = tpu.memref_slice %arg22[%add3A_302, %dma_wait3A_560] : memref<8192x128xf32, #tpu.memory_space<hbm>> -> memref<128x128xf32, #tpu.memory_space<hbm>>
      tpu.wait_dma2 semaphore(%arg47 : memref<!tpu.dma_semaphore, #tpu.memory_space<semaphore_mem>>) src(%arg37 : memref<128x128xf32, #tpu.memory_space<vmem>>) dst(%dma_wait3A_561 : memref<128x128xf32, #tpu.memory_space<hbm>>)
    } else {
    }
    %convert_element_type3A_309 = arith.extui %and3A_110 : i1 to i32
    %cond3A_310 = arith.constant 0 : i32
    %cond3A_311 = arith.cmpi ne, %convert_element_type3A_309, %cond3A_310 : i32
    scf.if %cond3A_311 {
      %dma_start3A_558 = arith.constant 0 : i32
      %dma_start3A_559 = tpu.memref_slice %arg32[%dma_start3A_558] : memref<256xi32, #tpu.memory_space<vmem>> -> memref<128xi32, #tpu.memory_space<vmem>>
      %dma_start3A_560 = arith.constant 0 : i32
      %dma_start3A_561 = arith.constant 0 : i32
      %dma_start3A_562 = tpu.memref_slice %arg7[%dma_start3A_560, %dma_start3A_561] : memref<100001x128xf32, #tpu.memory_space<hbm>> -> memref<100001x128xf32, #tpu.memory_space<hbm>>
      tpu.enqueue_indirect_dma source(%dma_start3A_562 : memref<100001x128xf32, #tpu.memory_space<hbm>>) target(%arg37 : memref<128x128xf32, #tpu.memory_space<vmem>>) offsets(%dma_start3A_559 : memref<128xi32, #tpu.memory_space<vmem>>) semaphore(%arg43 : memref<!tpu.dma_semaphore, #tpu.memory_space<semaphore_mem>>)
    } else {
    }
    %convert_element_type3A_312 = arith.extui %and3A_103 : i1 to i32
    %cond3A_313 = arith.constant 0 : i32
    %cond3A_314 = arith.cmpi ne, %convert_element_type3A_312, %cond3A_313 : i32
    scf.if %cond3A_314 {
      %dma_wait3A_558 = arith.constant 128 : i32
      %dma_wait3A_559 = tpu.memref_slice %arg31[%dma_wait3A_558] : memref<256xi32, #tpu.memory_space<vmem>> -> memref<128xi32, #tpu.memory_space<vmem>>
      %dma_wait3A_560 = arith.constant 0 : i32
      %dma_wait3A_561 = arith.constant 0 : i32
      %dma_wait3A_562 = tpu.memref_slice %arg5[%dma_wait3A_560, %dma_wait3A_561] : memref<100001x128xf32, #tpu.memory_space<hbm>> -> memref<100001x128xf32, #tpu.memory_space<hbm>>
      tpu.wait_indirect_dma semaphore(%arg44 : memref<!tpu.dma_semaphore, #tpu.memory_space<semaphore_mem>>) src(%dma_wait3A_562 : memref<100001x128xf32, #tpu.memory_space<hbm>>) dst(%arg38 : memref<128x128xf32, #tpu.memory_space<vmem>>)
    } else {
    }
    %add3A_315 = arith.constant 128 : i32
    %add3A_316 = arith.addi %mul3A_2, %add3A_315 : i32
    %convert_element_type3A_317 = arith.extui %and3A_103 : i1 to i32
    %cond3A_318 = arith.constant 0 : i32
    %cond3A_319 = arith.cmpi ne, %convert_element_type3A_317, %cond3A_318 : i32
    scf.if %cond3A_319 {
      %dma_start3A_558 = arith.constant 0 : i32
      %dma_start3A_559 = tpu.memref_slice %arg22[%add3A_316, %dma_start3A_558] : memref<8192x128xf32, #tpu.memory_space<hbm>> -> memref<128x128xf32, #tpu.memory_space<hbm>>
      %dma_start3A_560 = arith.constant 0 : i32
      %dma_start3A_561 = tpu.memref_slice %arg22[%add3A_316, %dma_start3A_560] : memref<8192x128xf32, #tpu.memory_space<hbm>> -> memref<128x128xf32, #tpu.memory_space<hbm>>
      tpu.enqueue_dma source(%arg38 : memref<128x128xf32, #tpu.memory_space<vmem>>) target(%dma_start3A_561 : memref<128x128xf32, #tpu.memory_space<hbm>>) target_semaphore(%arg48 : memref<!tpu.dma_semaphore, #tpu.memory_space<semaphore_mem>>)
    } else {
    }
    %convert_element_type3A_320 = arith.extui %and3A_103 : i1 to i32
    %cond3A_321 = arith.constant 0 : i32
    %cond3A_322 = arith.cmpi ne, %convert_element_type3A_320, %cond3A_321 : i32
    scf.if %cond3A_322 {
      %dma_wait3A_558 = arith.constant 0 : i32
      %dma_wait3A_559 = tpu.memref_slice %arg22[%add3A_316, %dma_wait3A_558] : memref<8192x128xf32, #tpu.memory_space<hbm>> -> memref<128x128xf32, #tpu.memory_space<hbm>>
      %dma_wait3A_560 = arith.constant 0 : i32
      %dma_wait3A_561 = tpu.memref_slice %arg22[%add3A_316, %dma_wait3A_560] : memref<8192x128xf32, #tpu.memory_space<hbm>> -> memref<128x128xf32, #tpu.memory_space<hbm>>
      tpu.wait_dma2 semaphore(%arg48 : memref<!tpu.dma_semaphore, #tpu.memory_space<semaphore_mem>>) src(%arg38 : memref<128x128xf32, #tpu.memory_space<vmem>>) dst(%dma_wait3A_561 : memref<128x128xf32, #tpu.memory_space<hbm>>)
    } else {
    }
    %convert_element_type3A_323 = arith.extui %and3A_117 : i1 to i32
    %cond3A_324 = arith.constant 0 : i32
    %cond3A_325 = arith.cmpi ne, %convert_element_type3A_323, %cond3A_324 : i32
    scf.if %cond3A_325 {
      %dma_start3A_558 = arith.constant 128 : i32
      %dma_start3A_559 = tpu.memref_slice %arg32[%dma_start3A_558] : memref<256xi32, #tpu.memory_space<vmem>> -> memref<128xi32, #tpu.memory_space<vmem>>
      %dma_start3A_560 = arith.constant 0 : i32
      %dma_start3A_561 = arith.constant 0 : i32
      %dma_start3A_562 = tpu.memref_slice %arg7[%dma_start3A_560, %dma_start3A_561] : memref<100001x128xf32, #tpu.memory_space<hbm>> -> memref<100001x128xf32, #tpu.memory_space<hbm>>
      tpu.enqueue_indirect_dma source(%dma_start3A_562 : memref<100001x128xf32, #tpu.memory_space<hbm>>) target(%arg38 : memref<128x128xf32, #tpu.memory_space<vmem>>) offsets(%dma_start3A_559 : memref<128xi32, #tpu.memory_space<vmem>>) semaphore(%arg44 : memref<!tpu.dma_semaphore, #tpu.memory_space<semaphore_mem>>)
    } else {
    }
    %dma_wait3A_326 = arith.constant 0 : i32
    %dma_wait3A_327 = tpu.memref_slice %arg32[%dma_wait3A_326] : memref<256xi32, #tpu.memory_space<vmem>> -> memref<128xi32, #tpu.memory_space<vmem>>
    %dma_wait3A_328 = arith.constant 0 : i32
    %dma_wait3A_329 = arith.constant 0 : i32
    %dma_wait3A_330 = tpu.memref_slice %arg6[%dma_wait3A_328, %dma_wait3A_329] : memref<100001x128xf32, #tpu.memory_space<hbm>> -> memref<100001x128xf32, #tpu.memory_space<hbm>>
    tpu.wait_indirect_dma semaphore(%arg41 : memref<!tpu.dma_semaphore, #tpu.memory_space<semaphore_mem>>) src(%dma_wait3A_330 : memref<100001x128xf32, #tpu.memory_space<hbm>>) dst(%arg35 : memref<128x128xf32, #tpu.memory_space<vmem>>)
    %add3A_331 = arith.constant 0 : i32
    %add3A_332 = arith.addi %mul3A_2, %add3A_331 : i32
    %dma_start3A_333 = arith.constant 0 : i32
    %dma_start3A_334 = tpu.memref_slice %arg23[%add3A_332, %dma_start3A_333] : memref<8192x128xf32, #tpu.memory_space<hbm>> -> memref<128x128xf32, #tpu.memory_space<hbm>>
    %dma_start3A_335 = arith.constant 0 : i32
    %dma_start3A_336 = tpu.memref_slice %arg23[%add3A_332, %dma_start3A_335] : memref<8192x128xf32, #tpu.memory_space<hbm>> -> memref<128x128xf32, #tpu.memory_space<hbm>>
    tpu.enqueue_dma source(%arg35 : memref<128x128xf32, #tpu.memory_space<vmem>>) target(%dma_start3A_336 : memref<128x128xf32, #tpu.memory_space<hbm>>) target_semaphore(%arg45 : memref<!tpu.dma_semaphore, #tpu.memory_space<semaphore_mem>>)
    %dma_wait3A_337 = arith.constant 0 : i32
    %dma_wait3A_338 = tpu.memref_slice %arg23[%add3A_332, %dma_wait3A_337] : memref<8192x128xf32, #tpu.memory_space<hbm>> -> memref<128x128xf32, #tpu.memory_space<hbm>>
    %dma_wait3A_339 = arith.constant 0 : i32
    %dma_wait3A_340 = tpu.memref_slice %arg23[%add3A_332, %dma_wait3A_339] : memref<8192x128xf32, #tpu.memory_space<hbm>> -> memref<128x128xf32, #tpu.memory_space<hbm>>
    tpu.wait_dma2 semaphore(%arg45 : memref<!tpu.dma_semaphore, #tpu.memory_space<semaphore_mem>>) src(%arg35 : memref<128x128xf32, #tpu.memory_space<vmem>>) dst(%dma_wait3A_340 : memref<128x128xf32, #tpu.memory_space<hbm>>)
    %convert_element_type3A_341 = arith.extui %and3A_124 : i1 to i32
    %cond3A_342 = arith.constant 0 : i32
    %cond3A_343 = arith.cmpi ne, %convert_element_type3A_341, %cond3A_342 : i32
    scf.if %cond3A_343 {
      %dma_start3A_558 = arith.constant 0 : i32
      %dma_start3A_559 = tpu.memref_slice %arg32[%dma_start3A_558] : memref<256xi32, #tpu.memory_space<vmem>> -> memref<128xi32, #tpu.memory_space<vmem>>
      %dma_start3A_560 = arith.constant 0 : i32
      %dma_start3A_561 = arith.constant 0 : i32
      %dma_start3A_562 = tpu.memref_slice %arg8[%dma_start3A_560, %dma_start3A_561] : memref<100001x128xf32, #tpu.memory_space<hbm>> -> memref<100001x128xf32, #tpu.memory_space<hbm>>
      tpu.enqueue_indirect_dma source(%dma_start3A_562 : memref<100001x128xf32, #tpu.memory_space<hbm>>) target(%arg35 : memref<128x128xf32, #tpu.memory_space<vmem>>) offsets(%dma_start3A_559 : memref<128xi32, #tpu.memory_space<vmem>>) semaphore(%arg41 : memref<!tpu.dma_semaphore, #tpu.memory_space<semaphore_mem>>)
    } else {
    }
    %dma_wait3A_344 = arith.constant 128 : i32
    %dma_wait3A_345 = tpu.memref_slice %arg32[%dma_wait3A_344] : memref<256xi32, #tpu.memory_space<vmem>> -> memref<128xi32, #tpu.memory_space<vmem>>
    %dma_wait3A_346 = arith.constant 0 : i32
    %dma_wait3A_347 = arith.constant 0 : i32
    %dma_wait3A_348 = tpu.memref_slice %arg6[%dma_wait3A_346, %dma_wait3A_347] : memref<100001x128xf32, #tpu.memory_space<hbm>> -> memref<100001x128xf32, #tpu.memory_space<hbm>>
    tpu.wait_indirect_dma semaphore(%arg42 : memref<!tpu.dma_semaphore, #tpu.memory_space<semaphore_mem>>) src(%dma_wait3A_348 : memref<100001x128xf32, #tpu.memory_space<hbm>>) dst(%arg36 : memref<128x128xf32, #tpu.memory_space<vmem>>)
    %add3A_349 = arith.constant 128 : i32
    %add3A_350 = arith.addi %mul3A_2, %add3A_349 : i32
    %dma_start3A_351 = arith.constant 0 : i32
    %dma_start3A_352 = tpu.memref_slice %arg23[%add3A_350, %dma_start3A_351] : memref<8192x128xf32, #tpu.memory_space<hbm>> -> memref<128x128xf32, #tpu.memory_space<hbm>>
    %dma_start3A_353 = arith.constant 0 : i32
    %dma_start3A_354 = tpu.memref_slice %arg23[%add3A_350, %dma_start3A_353] : memref<8192x128xf32, #tpu.memory_space<hbm>> -> memref<128x128xf32, #tpu.memory_space<hbm>>
    tpu.enqueue_dma source(%arg36 : memref<128x128xf32, #tpu.memory_space<vmem>>) target(%dma_start3A_354 : memref<128x128xf32, #tpu.memory_space<hbm>>) target_semaphore(%arg46 : memref<!tpu.dma_semaphore, #tpu.memory_space<semaphore_mem>>)
    %dma_wait3A_355 = arith.constant 0 : i32
    %dma_wait3A_356 = tpu.memref_slice %arg23[%add3A_350, %dma_wait3A_355] : memref<8192x128xf32, #tpu.memory_space<hbm>> -> memref<128x128xf32, #tpu.memory_space<hbm>>
    %dma_wait3A_357 = arith.constant 0 : i32
    %dma_wait3A_358 = tpu.memref_slice %arg23[%add3A_350, %dma_wait3A_357] : memref<8192x128xf32, #tpu.memory_space<hbm>> -> memref<128x128xf32, #tpu.memory_space<hbm>>
    tpu.wait_dma2 semaphore(%arg46 : memref<!tpu.dma_semaphore, #tpu.memory_space<semaphore_mem>>) src(%arg36 : memref<128x128xf32, #tpu.memory_space<vmem>>) dst(%dma_wait3A_358 : memref<128x128xf32, #tpu.memory_space<hbm>>)
    %convert_element_type3A_359 = arith.extui %and3A_131 : i1 to i32
    %cond3A_360 = arith.constant 0 : i32
    %cond3A_361 = arith.cmpi ne, %convert_element_type3A_359, %cond3A_360 : i32
    scf.if %cond3A_361 {
      %dma_start3A_558 = arith.constant 128 : i32
      %dma_start3A_559 = tpu.memref_slice %arg32[%dma_start3A_558] : memref<256xi32, #tpu.memory_space<vmem>> -> memref<128xi32, #tpu.memory_space<vmem>>
      %dma_start3A_560 = arith.constant 0 : i32
      %dma_start3A_561 = arith.constant 0 : i32
      %dma_start3A_562 = tpu.memref_slice %arg8[%dma_start3A_560, %dma_start3A_561] : memref<100001x128xf32, #tpu.memory_space<hbm>> -> memref<100001x128xf32, #tpu.memory_space<hbm>>
      tpu.enqueue_indirect_dma source(%dma_start3A_562 : memref<100001x128xf32, #tpu.memory_space<hbm>>) target(%arg36 : memref<128x128xf32, #tpu.memory_space<vmem>>) offsets(%dma_start3A_559 : memref<128xi32, #tpu.memory_space<vmem>>) semaphore(%arg42 : memref<!tpu.dma_semaphore, #tpu.memory_space<semaphore_mem>>)
    } else {
    }
    %convert_element_type3A_362 = arith.extui %and3A_110 : i1 to i32
    %cond3A_363 = arith.constant 0 : i32
    %cond3A_364 = arith.cmpi ne, %convert_element_type3A_362, %cond3A_363 : i32
    scf.if %cond3A_364 {
      %dma_wait3A_558 = arith.constant 0 : i32
      %dma_wait3A_559 = tpu.memref_slice %arg32[%dma_wait3A_558] : memref<256xi32, #tpu.memory_space<vmem>> -> memref<128xi32, #tpu.memory_space<vmem>>
      %dma_wait3A_560 = arith.constant 0 : i32
      %dma_wait3A_561 = arith.constant 0 : i32
      %dma_wait3A_562 = tpu.memref_slice %arg7[%dma_wait3A_560, %dma_wait3A_561] : memref<100001x128xf32, #tpu.memory_space<hbm>> -> memref<100001x128xf32, #tpu.memory_space<hbm>>
      tpu.wait_indirect_dma semaphore(%arg43 : memref<!tpu.dma_semaphore, #tpu.memory_space<semaphore_mem>>) src(%dma_wait3A_562 : memref<100001x128xf32, #tpu.memory_space<hbm>>) dst(%arg37 : memref<128x128xf32, #tpu.memory_space<vmem>>)
    } else {
    }
    %add3A_365 = arith.constant 0 : i32
    %add3A_366 = arith.addi %mul3A_2, %add3A_365 : i32
    %convert_element_type3A_367 = arith.extui %and3A_110 : i1 to i32
    %cond3A_368 = arith.constant 0 : i32
    %cond3A_369 = arith.cmpi ne, %convert_element_type3A_367, %cond3A_368 : i32
    scf.if %cond3A_369 {
      %dma_start3A_558 = arith.constant 0 : i32
      %dma_start3A_559 = tpu.memref_slice %arg24[%add3A_366, %dma_start3A_558] : memref<8192x128xf32, #tpu.memory_space<hbm>> -> memref<128x128xf32, #tpu.memory_space<hbm>>
      %dma_start3A_560 = arith.constant 0 : i32
      %dma_start3A_561 = tpu.memref_slice %arg24[%add3A_366, %dma_start3A_560] : memref<8192x128xf32, #tpu.memory_space<hbm>> -> memref<128x128xf32, #tpu.memory_space<hbm>>
      tpu.enqueue_dma source(%arg37 : memref<128x128xf32, #tpu.memory_space<vmem>>) target(%dma_start3A_561 : memref<128x128xf32, #tpu.memory_space<hbm>>) target_semaphore(%arg47 : memref<!tpu.dma_semaphore, #tpu.memory_space<semaphore_mem>>)
    } else {
    }
    %convert_element_type3A_370 = arith.extui %and3A_110 : i1 to i32
    %cond3A_371 = arith.constant 0 : i32
    %cond3A_372 = arith.cmpi ne, %convert_element_type3A_370, %cond3A_371 : i32
    scf.if %cond3A_372 {
      %dma_wait3A_558 = arith.constant 0 : i32
      %dma_wait3A_559 = tpu.memref_slice %arg24[%add3A_366, %dma_wait3A_558] : memref<8192x128xf32, #tpu.memory_space<hbm>> -> memref<128x128xf32, #tpu.memory_space<hbm>>
      %dma_wait3A_560 = arith.constant 0 : i32
      %dma_wait3A_561 = tpu.memref_slice %arg24[%add3A_366, %dma_wait3A_560] : memref<8192x128xf32, #tpu.memory_space<hbm>> -> memref<128x128xf32, #tpu.memory_space<hbm>>
      tpu.wait_dma2 semaphore(%arg47 : memref<!tpu.dma_semaphore, #tpu.memory_space<semaphore_mem>>) src(%arg37 : memref<128x128xf32, #tpu.memory_space<vmem>>) dst(%dma_wait3A_561 : memref<128x128xf32, #tpu.memory_space<hbm>>)
    } else {
    }
    %convert_element_type3A_373 = arith.extui %and3A_138 : i1 to i32
    %cond3A_374 = arith.constant 0 : i32
    %cond3A_375 = arith.cmpi ne, %convert_element_type3A_373, %cond3A_374 : i32
    scf.if %cond3A_375 {
      %dma_start3A_558 = arith.constant 0 : i32
      %dma_start3A_559 = tpu.memref_slice %arg32[%dma_start3A_558] : memref<256xi32, #tpu.memory_space<vmem>> -> memref<128xi32, #tpu.memory_space<vmem>>
      %dma_start3A_560 = arith.constant 0 : i32
      %dma_start3A_561 = arith.constant 0 : i32
      %dma_start3A_562 = tpu.memref_slice %arg9[%dma_start3A_560, %dma_start3A_561] : memref<100001x128xf32, #tpu.memory_space<hbm>> -> memref<100001x128xf32, #tpu.memory_space<hbm>>
      tpu.enqueue_indirect_dma source(%dma_start3A_562 : memref<100001x128xf32, #tpu.memory_space<hbm>>) target(%arg37 : memref<128x128xf32, #tpu.memory_space<vmem>>) offsets(%dma_start3A_559 : memref<128xi32, #tpu.memory_space<vmem>>) semaphore(%arg43 : memref<!tpu.dma_semaphore, #tpu.memory_space<semaphore_mem>>)
    } else {
    }
    %convert_element_type3A_376 = arith.extui %and3A_117 : i1 to i32
    %cond3A_377 = arith.constant 0 : i32
    %cond3A_378 = arith.cmpi ne, %convert_element_type3A_376, %cond3A_377 : i32
    scf.if %cond3A_378 {
      %dma_wait3A_558 = arith.constant 128 : i32
      %dma_wait3A_559 = tpu.memref_slice %arg32[%dma_wait3A_558] : memref<256xi32, #tpu.memory_space<vmem>> -> memref<128xi32, #tpu.memory_space<vmem>>
      %dma_wait3A_560 = arith.constant 0 : i32
      %dma_wait3A_561 = arith.constant 0 : i32
      %dma_wait3A_562 = tpu.memref_slice %arg7[%dma_wait3A_560, %dma_wait3A_561] : memref<100001x128xf32, #tpu.memory_space<hbm>> -> memref<100001x128xf32, #tpu.memory_space<hbm>>
      tpu.wait_indirect_dma semaphore(%arg44 : memref<!tpu.dma_semaphore, #tpu.memory_space<semaphore_mem>>) src(%dma_wait3A_562 : memref<100001x128xf32, #tpu.memory_space<hbm>>) dst(%arg38 : memref<128x128xf32, #tpu.memory_space<vmem>>)
    } else {
    }
    %add3A_379 = arith.constant 128 : i32
    %add3A_380 = arith.addi %mul3A_2, %add3A_379 : i32
    %convert_element_type3A_381 = arith.extui %and3A_117 : i1 to i32
    %cond3A_382 = arith.constant 0 : i32
    %cond3A_383 = arith.cmpi ne, %convert_element_type3A_381, %cond3A_382 : i32
    scf.if %cond3A_383 {
      %dma_start3A_558 = arith.constant 0 : i32
      %dma_start3A_559 = tpu.memref_slice %arg24[%add3A_380, %dma_start3A_558] : memref<8192x128xf32, #tpu.memory_space<hbm>> -> memref<128x128xf32, #tpu.memory_space<hbm>>
      %dma_start3A_560 = arith.constant 0 : i32
      %dma_start3A_561 = tpu.memref_slice %arg24[%add3A_380, %dma_start3A_560] : memref<8192x128xf32, #tpu.memory_space<hbm>> -> memref<128x128xf32, #tpu.memory_space<hbm>>
      tpu.enqueue_dma source(%arg38 : memref<128x128xf32, #tpu.memory_space<vmem>>) target(%dma_start3A_561 : memref<128x128xf32, #tpu.memory_space<hbm>>) target_semaphore(%arg48 : memref<!tpu.dma_semaphore, #tpu.memory_space<semaphore_mem>>)
    } else {
    }
    %convert_element_type3A_384 = arith.extui %and3A_117 : i1 to i32
    %cond3A_385 = arith.constant 0 : i32
    %cond3A_386 = arith.cmpi ne, %convert_element_type3A_384, %cond3A_385 : i32
    scf.if %cond3A_386 {
      %dma_wait3A_558 = arith.constant 0 : i32
      %dma_wait3A_559 = tpu.memref_slice %arg24[%add3A_380, %dma_wait3A_558] : memref<8192x128xf32, #tpu.memory_space<hbm>> -> memref<128x128xf32, #tpu.memory_space<hbm>>
      %dma_wait3A_560 = arith.constant 0 : i32
      %dma_wait3A_561 = tpu.memref_slice %arg24[%add3A_380, %dma_wait3A_560] : memref<8192x128xf32, #tpu.memory_space<hbm>> -> memref<128x128xf32, #tpu.memory_space<hbm>>
      tpu.wait_dma2 semaphore(%arg48 : memref<!tpu.dma_semaphore, #tpu.memory_space<semaphore_mem>>) src(%arg38 : memref<128x128xf32, #tpu.memory_space<vmem>>) dst(%dma_wait3A_561 : memref<128x128xf32, #tpu.memory_space<hbm>>)
    } else {
    }
    %convert_element_type3A_387 = arith.extui %and3A_145 : i1 to i32
    %cond3A_388 = arith.constant 0 : i32
    %cond3A_389 = arith.cmpi ne, %convert_element_type3A_387, %cond3A_388 : i32
    scf.if %cond3A_389 {
      %dma_start3A_558 = arith.constant 128 : i32
      %dma_start3A_559 = tpu.memref_slice %arg32[%dma_start3A_558] : memref<256xi32, #tpu.memory_space<vmem>> -> memref<128xi32, #tpu.memory_space<vmem>>
      %dma_start3A_560 = arith.constant 0 : i32
      %dma_start3A_561 = arith.constant 0 : i32
      %dma_start3A_562 = tpu.memref_slice %arg9[%dma_start3A_560, %dma_start3A_561] : memref<100001x128xf32, #tpu.memory_space<hbm>> -> memref<100001x128xf32, #tpu.memory_space<hbm>>
      tpu.enqueue_indirect_dma source(%dma_start3A_562 : memref<100001x128xf32, #tpu.memory_space<hbm>>) target(%arg38 : memref<128x128xf32, #tpu.memory_space<vmem>>) offsets(%dma_start3A_559 : memref<128xi32, #tpu.memory_space<vmem>>) semaphore(%arg44 : memref<!tpu.dma_semaphore, #tpu.memory_space<semaphore_mem>>)
    } else {
    }
    %convert_element_type3A_390 = arith.extui %and3A_124 : i1 to i32
    %cond3A_391 = arith.constant 0 : i32
    %cond3A_392 = arith.cmpi ne, %convert_element_type3A_390, %cond3A_391 : i32
    scf.if %cond3A_392 {
      %dma_wait3A_558 = arith.constant 0 : i32
      %dma_wait3A_559 = tpu.memref_slice %arg32[%dma_wait3A_558] : memref<256xi32, #tpu.memory_space<vmem>> -> memref<128xi32, #tpu.memory_space<vmem>>
      %dma_wait3A_560 = arith.constant 0 : i32
      %dma_wait3A_561 = arith.constant 0 : i32
      %dma_wait3A_562 = tpu.memref_slice %arg8[%dma_wait3A_560, %dma_wait3A_561] : memref<100001x128xf32, #tpu.memory_space<hbm>> -> memref<100001x128xf32, #tpu.memory_space<hbm>>
      tpu.wait_indirect_dma semaphore(%arg41 : memref<!tpu.dma_semaphore, #tpu.memory_space<semaphore_mem>>) src(%dma_wait3A_562 : memref<100001x128xf32, #tpu.memory_space<hbm>>) dst(%arg35 : memref<128x128xf32, #tpu.memory_space<vmem>>)
    } else {
    }
    %add3A_393 = arith.constant 0 : i32
    %add3A_394 = arith.addi %mul3A_2, %add3A_393 : i32
    %convert_element_type3A_395 = arith.extui %and3A_124 : i1 to i32
    %cond3A_396 = arith.constant 0 : i32
    %cond3A_397 = arith.cmpi ne, %convert_element_type3A_395, %cond3A_396 : i32
    scf.if %cond3A_397 {
      %dma_start3A_558 = arith.constant 0 : i32
      %dma_start3A_559 = tpu.memref_slice %arg25[%add3A_394, %dma_start3A_558] : memref<8192x128xf32, #tpu.memory_space<hbm>> -> memref<128x128xf32, #tpu.memory_space<hbm>>
      %dma_start3A_560 = arith.constant 0 : i32
      %dma_start3A_561 = tpu.memref_slice %arg25[%add3A_394, %dma_start3A_560] : memref<8192x128xf32, #tpu.memory_space<hbm>> -> memref<128x128xf32, #tpu.memory_space<hbm>>
      tpu.enqueue_dma source(%arg35 : memref<128x128xf32, #tpu.memory_space<vmem>>) target(%dma_start3A_561 : memref<128x128xf32, #tpu.memory_space<hbm>>) target_semaphore(%arg45 : memref<!tpu.dma_semaphore, #tpu.memory_space<semaphore_mem>>)
    } else {
    }
    %convert_element_type3A_398 = arith.extui %and3A_124 : i1 to i32
    %cond3A_399 = arith.constant 0 : i32
    %cond3A_400 = arith.cmpi ne, %convert_element_type3A_398, %cond3A_399 : i32
    scf.if %cond3A_400 {
      %dma_wait3A_558 = arith.constant 0 : i32
      %dma_wait3A_559 = tpu.memref_slice %arg25[%add3A_394, %dma_wait3A_558] : memref<8192x128xf32, #tpu.memory_space<hbm>> -> memref<128x128xf32, #tpu.memory_space<hbm>>
      %dma_wait3A_560 = arith.constant 0 : i32
      %dma_wait3A_561 = tpu.memref_slice %arg25[%add3A_394, %dma_wait3A_560] : memref<8192x128xf32, #tpu.memory_space<hbm>> -> memref<128x128xf32, #tpu.memory_space<hbm>>
      tpu.wait_dma2 semaphore(%arg45 : memref<!tpu.dma_semaphore, #tpu.memory_space<semaphore_mem>>) src(%arg35 : memref<128x128xf32, #tpu.memory_space<vmem>>) dst(%dma_wait3A_561 : memref<128x128xf32, #tpu.memory_space<hbm>>)
    } else {
    }
    %dma_start3A_401 = arith.constant 0 : i32
    %dma_start3A_402 = tpu.memref_slice %arg33[%dma_start3A_401] : memref<256xi32, #tpu.memory_space<vmem>> -> memref<128xi32, #tpu.memory_space<vmem>>
    %dma_start3A_403 = arith.constant 0 : i32
    %dma_start3A_404 = arith.constant 0 : i32
    %dma_start3A_405 = tpu.memref_slice %arg10[%dma_start3A_403, %dma_start3A_404] : memref<1001x128xf32, #tpu.memory_space<hbm>> -> memref<1001x128xf32, #tpu.memory_space<hbm>>
    tpu.enqueue_indirect_dma source(%dma_start3A_405 : memref<1001x128xf32, #tpu.memory_space<hbm>>) target(%arg35 : memref<128x128xf32, #tpu.memory_space<vmem>>) offsets(%dma_start3A_402 : memref<128xi32, #tpu.memory_space<vmem>>) semaphore(%arg41 : memref<!tpu.dma_semaphore, #tpu.memory_space<semaphore_mem>>)
    %convert_element_type3A_406 = arith.extui %and3A_131 : i1 to i32
    %cond3A_407 = arith.constant 0 : i32
    %cond3A_408 = arith.cmpi ne, %convert_element_type3A_406, %cond3A_407 : i32
    scf.if %cond3A_408 {
      %dma_wait3A_558 = arith.constant 128 : i32
      %dma_wait3A_559 = tpu.memref_slice %arg32[%dma_wait3A_558] : memref<256xi32, #tpu.memory_space<vmem>> -> memref<128xi32, #tpu.memory_space<vmem>>
      %dma_wait3A_560 = arith.constant 0 : i32
      %dma_wait3A_561 = arith.constant 0 : i32
      %dma_wait3A_562 = tpu.memref_slice %arg8[%dma_wait3A_560, %dma_wait3A_561] : memref<100001x128xf32, #tpu.memory_space<hbm>> -> memref<100001x128xf32, #tpu.memory_space<hbm>>
      tpu.wait_indirect_dma semaphore(%arg42 : memref<!tpu.dma_semaphore, #tpu.memory_space<semaphore_mem>>) src(%dma_wait3A_562 : memref<100001x128xf32, #tpu.memory_space<hbm>>) dst(%arg36 : memref<128x128xf32, #tpu.memory_space<vmem>>)
    } else {
    }
    %add3A_409 = arith.constant 128 : i32
    %add3A_410 = arith.addi %mul3A_2, %add3A_409 : i32
    %convert_element_type3A_411 = arith.extui %and3A_131 : i1 to i32
    %cond3A_412 = arith.constant 0 : i32
    %cond3A_413 = arith.cmpi ne, %convert_element_type3A_411, %cond3A_412 : i32
    scf.if %cond3A_413 {
      %dma_start3A_558 = arith.constant 0 : i32
      %dma_start3A_559 = tpu.memref_slice %arg25[%add3A_410, %dma_start3A_558] : memref<8192x128xf32, #tpu.memory_space<hbm>> -> memref<128x128xf32, #tpu.memory_space<hbm>>
      %dma_start3A_560 = arith.constant 0 : i32
      %dma_start3A_561 = tpu.memref_slice %arg25[%add3A_410, %dma_start3A_560] : memref<8192x128xf32, #tpu.memory_space<hbm>> -> memref<128x128xf32, #tpu.memory_space<hbm>>
      tpu.enqueue_dma source(%arg36 : memref<128x128xf32, #tpu.memory_space<vmem>>) target(%dma_start3A_561 : memref<128x128xf32, #tpu.memory_space<hbm>>) target_semaphore(%arg46 : memref<!tpu.dma_semaphore, #tpu.memory_space<semaphore_mem>>)
    } else {
    }
    %convert_element_type3A_414 = arith.extui %and3A_131 : i1 to i32
    %cond3A_415 = arith.constant 0 : i32
    %cond3A_416 = arith.cmpi ne, %convert_element_type3A_414, %cond3A_415 : i32
    scf.if %cond3A_416 {
      %dma_wait3A_558 = arith.constant 0 : i32
      %dma_wait3A_559 = tpu.memref_slice %arg25[%add3A_410, %dma_wait3A_558] : memref<8192x128xf32, #tpu.memory_space<hbm>> -> memref<128x128xf32, #tpu.memory_space<hbm>>
      %dma_wait3A_560 = arith.constant 0 : i32
      %dma_wait3A_561 = tpu.memref_slice %arg25[%add3A_410, %dma_wait3A_560] : memref<8192x128xf32, #tpu.memory_space<hbm>> -> memref<128x128xf32, #tpu.memory_space<hbm>>
      tpu.wait_dma2 semaphore(%arg46 : memref<!tpu.dma_semaphore, #tpu.memory_space<semaphore_mem>>) src(%arg36 : memref<128x128xf32, #tpu.memory_space<vmem>>) dst(%dma_wait3A_561 : memref<128x128xf32, #tpu.memory_space<hbm>>)
    } else {
    }
    %dma_start3A_417 = arith.constant 128 : i32
    %dma_start3A_418 = tpu.memref_slice %arg33[%dma_start3A_417] : memref<256xi32, #tpu.memory_space<vmem>> -> memref<128xi32, #tpu.memory_space<vmem>>
    %dma_start3A_419 = arith.constant 0 : i32
    %dma_start3A_420 = arith.constant 0 : i32
    %dma_start3A_421 = tpu.memref_slice %arg10[%dma_start3A_419, %dma_start3A_420] : memref<1001x128xf32, #tpu.memory_space<hbm>> -> memref<1001x128xf32, #tpu.memory_space<hbm>>
    tpu.enqueue_indirect_dma source(%dma_start3A_421 : memref<1001x128xf32, #tpu.memory_space<hbm>>) target(%arg36 : memref<128x128xf32, #tpu.memory_space<vmem>>) offsets(%dma_start3A_418 : memref<128xi32, #tpu.memory_space<vmem>>) semaphore(%arg42 : memref<!tpu.dma_semaphore, #tpu.memory_space<semaphore_mem>>)
    %convert_element_type3A_422 = arith.extui %and3A_138 : i1 to i32
    %cond3A_423 = arith.constant 0 : i32
    %cond3A_424 = arith.cmpi ne, %convert_element_type3A_422, %cond3A_423 : i32
    scf.if %cond3A_424 {
      %dma_wait3A_558 = arith.constant 0 : i32
      %dma_wait3A_559 = tpu.memref_slice %arg32[%dma_wait3A_558] : memref<256xi32, #tpu.memory_space<vmem>> -> memref<128xi32, #tpu.memory_space<vmem>>
      %dma_wait3A_560 = arith.constant 0 : i32
      %dma_wait3A_561 = arith.constant 0 : i32
      %dma_wait3A_562 = tpu.memref_slice %arg9[%dma_wait3A_560, %dma_wait3A_561] : memref<100001x128xf32, #tpu.memory_space<hbm>> -> memref<100001x128xf32, #tpu.memory_space<hbm>>
      tpu.wait_indirect_dma semaphore(%arg43 : memref<!tpu.dma_semaphore, #tpu.memory_space<semaphore_mem>>) src(%dma_wait3A_562 : memref<100001x128xf32, #tpu.memory_space<hbm>>) dst(%arg37 : memref<128x128xf32, #tpu.memory_space<vmem>>)
    } else {
    }
    %add3A_425 = arith.constant 0 : i32
    %add3A_426 = arith.addi %mul3A_2, %add3A_425 : i32
    %convert_element_type3A_427 = arith.extui %and3A_138 : i1 to i32
    %cond3A_428 = arith.constant 0 : i32
    %cond3A_429 = arith.cmpi ne, %convert_element_type3A_427, %cond3A_428 : i32
    scf.if %cond3A_429 {
      %dma_start3A_558 = arith.constant 0 : i32
      %dma_start3A_559 = tpu.memref_slice %arg26[%add3A_426, %dma_start3A_558] : memref<8192x128xf32, #tpu.memory_space<hbm>> -> memref<128x128xf32, #tpu.memory_space<hbm>>
      %dma_start3A_560 = arith.constant 0 : i32
      %dma_start3A_561 = tpu.memref_slice %arg26[%add3A_426, %dma_start3A_560] : memref<8192x128xf32, #tpu.memory_space<hbm>> -> memref<128x128xf32, #tpu.memory_space<hbm>>
      tpu.enqueue_dma source(%arg37 : memref<128x128xf32, #tpu.memory_space<vmem>>) target(%dma_start3A_561 : memref<128x128xf32, #tpu.memory_space<hbm>>) target_semaphore(%arg47 : memref<!tpu.dma_semaphore, #tpu.memory_space<semaphore_mem>>)
    } else {
    }
    %convert_element_type3A_430 = arith.extui %and3A_138 : i1 to i32
    %cond3A_431 = arith.constant 0 : i32
    %cond3A_432 = arith.cmpi ne, %convert_element_type3A_430, %cond3A_431 : i32
    scf.if %cond3A_432 {
      %dma_wait3A_558 = arith.constant 0 : i32
      %dma_wait3A_559 = tpu.memref_slice %arg26[%add3A_426, %dma_wait3A_558] : memref<8192x128xf32, #tpu.memory_space<hbm>> -> memref<128x128xf32, #tpu.memory_space<hbm>>
      %dma_wait3A_560 = arith.constant 0 : i32
      %dma_wait3A_561 = tpu.memref_slice %arg26[%add3A_426, %dma_wait3A_560] : memref<8192x128xf32, #tpu.memory_space<hbm>> -> memref<128x128xf32, #tpu.memory_space<hbm>>
      tpu.wait_dma2 semaphore(%arg47 : memref<!tpu.dma_semaphore, #tpu.memory_space<semaphore_mem>>) src(%arg37 : memref<128x128xf32, #tpu.memory_space<vmem>>) dst(%dma_wait3A_561 : memref<128x128xf32, #tpu.memory_space<hbm>>)
    } else {
    }
    %convert_element_type3A_433 = arith.extui %and3A_152 : i1 to i32
    %cond3A_434 = arith.constant 0 : i32
    %cond3A_435 = arith.cmpi ne, %convert_element_type3A_433, %cond3A_434 : i32
    scf.if %cond3A_435 {
      %dma_start3A_558 = arith.constant 0 : i32
      %dma_start3A_559 = tpu.memref_slice %arg33[%dma_start3A_558] : memref<256xi32, #tpu.memory_space<vmem>> -> memref<128xi32, #tpu.memory_space<vmem>>
      %dma_start3A_560 = arith.constant 0 : i32
      %dma_start3A_561 = arith.constant 0 : i32
      %dma_start3A_562 = tpu.memref_slice %arg11[%dma_start3A_560, %dma_start3A_561] : memref<1001x128xf32, #tpu.memory_space<hbm>> -> memref<1001x128xf32, #tpu.memory_space<hbm>>
      tpu.enqueue_indirect_dma source(%dma_start3A_562 : memref<1001x128xf32, #tpu.memory_space<hbm>>) target(%arg37 : memref<128x128xf32, #tpu.memory_space<vmem>>) offsets(%dma_start3A_559 : memref<128xi32, #tpu.memory_space<vmem>>) semaphore(%arg43 : memref<!tpu.dma_semaphore, #tpu.memory_space<semaphore_mem>>)
    } else {
    }
    %convert_element_type3A_436 = arith.extui %and3A_145 : i1 to i32
    %cond3A_437 = arith.constant 0 : i32
    %cond3A_438 = arith.cmpi ne, %convert_element_type3A_436, %cond3A_437 : i32
    scf.if %cond3A_438 {
      %dma_wait3A_558 = arith.constant 128 : i32
      %dma_wait3A_559 = tpu.memref_slice %arg32[%dma_wait3A_558] : memref<256xi32, #tpu.memory_space<vmem>> -> memref<128xi32, #tpu.memory_space<vmem>>
      %dma_wait3A_560 = arith.constant 0 : i32
      %dma_wait3A_561 = arith.constant 0 : i32
      %dma_wait3A_562 = tpu.memref_slice %arg9[%dma_wait3A_560, %dma_wait3A_561] : memref<100001x128xf32, #tpu.memory_space<hbm>> -> memref<100001x128xf32, #tpu.memory_space<hbm>>
      tpu.wait_indirect_dma semaphore(%arg44 : memref<!tpu.dma_semaphore, #tpu.memory_space<semaphore_mem>>) src(%dma_wait3A_562 : memref<100001x128xf32, #tpu.memory_space<hbm>>) dst(%arg38 : memref<128x128xf32, #tpu.memory_space<vmem>>)
    } else {
    }
    %add3A_439 = arith.constant 128 : i32
    %add3A_440 = arith.addi %mul3A_2, %add3A_439 : i32
    %convert_element_type3A_441 = arith.extui %and3A_145 : i1 to i32
    %cond3A_442 = arith.constant 0 : i32
    %cond3A_443 = arith.cmpi ne, %convert_element_type3A_441, %cond3A_442 : i32
    scf.if %cond3A_443 {
      %dma_start3A_558 = arith.constant 0 : i32
      %dma_start3A_559 = tpu.memref_slice %arg26[%add3A_440, %dma_start3A_558] : memref<8192x128xf32, #tpu.memory_space<hbm>> -> memref<128x128xf32, #tpu.memory_space<hbm>>
      %dma_start3A_560 = arith.constant 0 : i32
      %dma_start3A_561 = tpu.memref_slice %arg26[%add3A_440, %dma_start3A_560] : memref<8192x128xf32, #tpu.memory_space<hbm>> -> memref<128x128xf32, #tpu.memory_space<hbm>>
      tpu.enqueue_dma source(%arg38 : memref<128x128xf32, #tpu.memory_space<vmem>>) target(%dma_start3A_561 : memref<128x128xf32, #tpu.memory_space<hbm>>) target_semaphore(%arg48 : memref<!tpu.dma_semaphore, #tpu.memory_space<semaphore_mem>>)
    } else {
    }
    %convert_element_type3A_444 = arith.extui %and3A_145 : i1 to i32
    %cond3A_445 = arith.constant 0 : i32
    %cond3A_446 = arith.cmpi ne, %convert_element_type3A_444, %cond3A_445 : i32
    scf.if %cond3A_446 {
      %dma_wait3A_558 = arith.constant 0 : i32
      %dma_wait3A_559 = tpu.memref_slice %arg26[%add3A_440, %dma_wait3A_558] : memref<8192x128xf32, #tpu.memory_space<hbm>> -> memref<128x128xf32, #tpu.memory_space<hbm>>
      %dma_wait3A_560 = arith.constant 0 : i32
      %dma_wait3A_561 = tpu.memref_slice %arg26[%add3A_440, %dma_wait3A_560] : memref<8192x128xf32, #tpu.memory_space<hbm>> -> memref<128x128xf32, #tpu.memory_space<hbm>>
      tpu.wait_dma2 semaphore(%arg48 : memref<!tpu.dma_semaphore, #tpu.memory_space<semaphore_mem>>) src(%arg38 : memref<128x128xf32, #tpu.memory_space<vmem>>) dst(%dma_wait3A_561 : memref<128x128xf32, #tpu.memory_space<hbm>>)
    } else {
    }
    %convert_element_type3A_447 = arith.extui %and3A_159 : i1 to i32
    %cond3A_448 = arith.constant 0 : i32
    %cond3A_449 = arith.cmpi ne, %convert_element_type3A_447, %cond3A_448 : i32
    scf.if %cond3A_449 {
      %dma_start3A_558 = arith.constant 128 : i32
      %dma_start3A_559 = tpu.memref_slice %arg33[%dma_start3A_558] : memref<256xi32, #tpu.memory_space<vmem>> -> memref<128xi32, #tpu.memory_space<vmem>>
      %dma_start3A_560 = arith.constant 0 : i32
      %dma_start3A_561 = arith.constant 0 : i32
      %dma_start3A_562 = tpu.memref_slice %arg11[%dma_start3A_560, %dma_start3A_561] : memref<1001x128xf32, #tpu.memory_space<hbm>> -> memref<1001x128xf32, #tpu.memory_space<hbm>>
      tpu.enqueue_indirect_dma source(%dma_start3A_562 : memref<1001x128xf32, #tpu.memory_space<hbm>>) target(%arg38 : memref<128x128xf32, #tpu.memory_space<vmem>>) offsets(%dma_start3A_559 : memref<128xi32, #tpu.memory_space<vmem>>) semaphore(%arg44 : memref<!tpu.dma_semaphore, #tpu.memory_space<semaphore_mem>>)
    } else {
    }
    %dma_wait3A_450 = arith.constant 0 : i32
    %dma_wait3A_451 = tpu.memref_slice %arg33[%dma_wait3A_450] : memref<256xi32, #tpu.memory_space<vmem>> -> memref<128xi32, #tpu.memory_space<vmem>>
    %dma_wait3A_452 = arith.constant 0 : i32
    %dma_wait3A_453 = arith.constant 0 : i32
    %dma_wait3A_454 = tpu.memref_slice %arg10[%dma_wait3A_452, %dma_wait3A_453] : memref<1001x128xf32, #tpu.memory_space<hbm>> -> memref<1001x128xf32, #tpu.memory_space<hbm>>
    tpu.wait_indirect_dma semaphore(%arg41 : memref<!tpu.dma_semaphore, #tpu.memory_space<semaphore_mem>>) src(%dma_wait3A_454 : memref<1001x128xf32, #tpu.memory_space<hbm>>) dst(%arg35 : memref<128x128xf32, #tpu.memory_space<vmem>>)
    %add3A_455 = arith.constant 0 : i32
    %add3A_456 = arith.addi %mul3A_2, %add3A_455 : i32
    %dma_start3A_457 = arith.constant 0 : i32
    %dma_start3A_458 = tpu.memref_slice %arg27[%add3A_456, %dma_start3A_457] : memref<8192x128xf32, #tpu.memory_space<hbm>> -> memref<128x128xf32, #tpu.memory_space<hbm>>
    %dma_start3A_459 = arith.constant 0 : i32
    %dma_start3A_460 = tpu.memref_slice %arg27[%add3A_456, %dma_start3A_459] : memref<8192x128xf32, #tpu.memory_space<hbm>> -> memref<128x128xf32, #tpu.memory_space<hbm>>
    tpu.enqueue_dma source(%arg35 : memref<128x128xf32, #tpu.memory_space<vmem>>) target(%dma_start3A_460 : memref<128x128xf32, #tpu.memory_space<hbm>>) target_semaphore(%arg45 : memref<!tpu.dma_semaphore, #tpu.memory_space<semaphore_mem>>)
    %dma_wait3A_461 = arith.constant 0 : i32
    %dma_wait3A_462 = tpu.memref_slice %arg27[%add3A_456, %dma_wait3A_461] : memref<8192x128xf32, #tpu.memory_space<hbm>> -> memref<128x128xf32, #tpu.memory_space<hbm>>
    %dma_wait3A_463 = arith.constant 0 : i32
    %dma_wait3A_464 = tpu.memref_slice %arg27[%add3A_456, %dma_wait3A_463] : memref<8192x128xf32, #tpu.memory_space<hbm>> -> memref<128x128xf32, #tpu.memory_space<hbm>>
    tpu.wait_dma2 semaphore(%arg45 : memref<!tpu.dma_semaphore, #tpu.memory_space<semaphore_mem>>) src(%arg35 : memref<128x128xf32, #tpu.memory_space<vmem>>) dst(%dma_wait3A_464 : memref<128x128xf32, #tpu.memory_space<hbm>>)
    %convert_element_type3A_465 = arith.extui %and3A_166 : i1 to i32
    %cond3A_466 = arith.constant 0 : i32
    %cond3A_467 = arith.cmpi ne, %convert_element_type3A_465, %cond3A_466 : i32
    scf.if %cond3A_467 {
      %dma_start3A_558 = arith.constant 0 : i32
      %dma_start3A_559 = tpu.memref_slice %arg33[%dma_start3A_558] : memref<256xi32, #tpu.memory_space<vmem>> -> memref<128xi32, #tpu.memory_space<vmem>>
      %dma_start3A_560 = arith.constant 0 : i32
      %dma_start3A_561 = arith.constant 0 : i32
      %dma_start3A_562 = tpu.memref_slice %arg12[%dma_start3A_560, %dma_start3A_561] : memref<1001x128xf32, #tpu.memory_space<hbm>> -> memref<1001x128xf32, #tpu.memory_space<hbm>>
      tpu.enqueue_indirect_dma source(%dma_start3A_562 : memref<1001x128xf32, #tpu.memory_space<hbm>>) target(%arg35 : memref<128x128xf32, #tpu.memory_space<vmem>>) offsets(%dma_start3A_559 : memref<128xi32, #tpu.memory_space<vmem>>) semaphore(%arg41 : memref<!tpu.dma_semaphore, #tpu.memory_space<semaphore_mem>>)
    } else {
    }
    %dma_wait3A_468 = arith.constant 128 : i32
    %dma_wait3A_469 = tpu.memref_slice %arg33[%dma_wait3A_468] : memref<256xi32, #tpu.memory_space<vmem>> -> memref<128xi32, #tpu.memory_space<vmem>>
    %dma_wait3A_470 = arith.constant 0 : i32
    %dma_wait3A_471 = arith.constant 0 : i32
    %dma_wait3A_472 = tpu.memref_slice %arg10[%dma_wait3A_470, %dma_wait3A_471] : memref<1001x128xf32, #tpu.memory_space<hbm>> -> memref<1001x128xf32, #tpu.memory_space<hbm>>
    tpu.wait_indirect_dma semaphore(%arg42 : memref<!tpu.dma_semaphore, #tpu.memory_space<semaphore_mem>>) src(%dma_wait3A_472 : memref<1001x128xf32, #tpu.memory_space<hbm>>) dst(%arg36 : memref<128x128xf32, #tpu.memory_space<vmem>>)
    %add3A_473 = arith.constant 128 : i32
    %add3A_474 = arith.addi %mul3A_2, %add3A_473 : i32
    %dma_start3A_475 = arith.constant 0 : i32
    %dma_start3A_476 = tpu.memref_slice %arg27[%add3A_474, %dma_start3A_475] : memref<8192x128xf32, #tpu.memory_space<hbm>> -> memref<128x128xf32, #tpu.memory_space<hbm>>
    %dma_start3A_477 = arith.constant 0 : i32
    %dma_start3A_478 = tpu.memref_slice %arg27[%add3A_474, %dma_start3A_477] : memref<8192x128xf32, #tpu.memory_space<hbm>> -> memref<128x128xf32, #tpu.memory_space<hbm>>
    tpu.enqueue_dma source(%arg36 : memref<128x128xf32, #tpu.memory_space<vmem>>) target(%dma_start3A_478 : memref<128x128xf32, #tpu.memory_space<hbm>>) target_semaphore(%arg46 : memref<!tpu.dma_semaphore, #tpu.memory_space<semaphore_mem>>)
    %dma_wait3A_479 = arith.constant 0 : i32
    %dma_wait3A_480 = tpu.memref_slice %arg27[%add3A_474, %dma_wait3A_479] : memref<8192x128xf32, #tpu.memory_space<hbm>> -> memref<128x128xf32, #tpu.memory_space<hbm>>
    %dma_wait3A_481 = arith.constant 0 : i32
    %dma_wait3A_482 = tpu.memref_slice %arg27[%add3A_474, %dma_wait3A_481] : memref<8192x128xf32, #tpu.memory_space<hbm>> -> memref<128x128xf32, #tpu.memory_space<hbm>>
    tpu.wait_dma2 semaphore(%arg46 : memref<!tpu.dma_semaphore, #tpu.memory_space<semaphore_mem>>) src(%arg36 : memref<128x128xf32, #tpu.memory_space<vmem>>) dst(%dma_wait3A_482 : memref<128x128xf32, #tpu.memory_space<hbm>>)
    %convert_element_type3A_483 = arith.extui %and3A_173 : i1 to i32
    %cond3A_484 = arith.constant 0 : i32
    %cond3A_485 = arith.cmpi ne, %convert_element_type3A_483, %cond3A_484 : i32
    scf.if %cond3A_485 {
      %dma_start3A_558 = arith.constant 128 : i32
      %dma_start3A_559 = tpu.memref_slice %arg33[%dma_start3A_558] : memref<256xi32, #tpu.memory_space<vmem>> -> memref<128xi32, #tpu.memory_space<vmem>>
      %dma_start3A_560 = arith.constant 0 : i32
      %dma_start3A_561 = arith.constant 0 : i32
      %dma_start3A_562 = tpu.memref_slice %arg12[%dma_start3A_560, %dma_start3A_561] : memref<1001x128xf32, #tpu.memory_space<hbm>> -> memref<1001x128xf32, #tpu.memory_space<hbm>>
      tpu.enqueue_indirect_dma source(%dma_start3A_562 : memref<1001x128xf32, #tpu.memory_space<hbm>>) target(%arg36 : memref<128x128xf32, #tpu.memory_space<vmem>>) offsets(%dma_start3A_559 : memref<128xi32, #tpu.memory_space<vmem>>) semaphore(%arg42 : memref<!tpu.dma_semaphore, #tpu.memory_space<semaphore_mem>>)
    } else {
    }
    %convert_element_type3A_486 = arith.extui %and3A_152 : i1 to i32
    %cond3A_487 = arith.constant 0 : i32
    %cond3A_488 = arith.cmpi ne, %convert_element_type3A_486, %cond3A_487 : i32
    scf.if %cond3A_488 {
      %dma_wait3A_558 = arith.constant 0 : i32
      %dma_wait3A_559 = tpu.memref_slice %arg33[%dma_wait3A_558] : memref<256xi32, #tpu.memory_space<vmem>> -> memref<128xi32, #tpu.memory_space<vmem>>
      %dma_wait3A_560 = arith.constant 0 : i32
      %dma_wait3A_561 = arith.constant 0 : i32
      %dma_wait3A_562 = tpu.memref_slice %arg11[%dma_wait3A_560, %dma_wait3A_561] : memref<1001x128xf32, #tpu.memory_space<hbm>> -> memref<1001x128xf32, #tpu.memory_space<hbm>>
      tpu.wait_indirect_dma semaphore(%arg43 : memref<!tpu.dma_semaphore, #tpu.memory_space<semaphore_mem>>) src(%dma_wait3A_562 : memref<1001x128xf32, #tpu.memory_space<hbm>>) dst(%arg37 : memref<128x128xf32, #tpu.memory_space<vmem>>)
    } else {
    }
    %add3A_489 = arith.constant 0 : i32
    %add3A_490 = arith.addi %mul3A_2, %add3A_489 : i32
    %convert_element_type3A_491 = arith.extui %and3A_152 : i1 to i32
    %cond3A_492 = arith.constant 0 : i32
    %cond3A_493 = arith.cmpi ne, %convert_element_type3A_491, %cond3A_492 : i32
    scf.if %cond3A_493 {
      %dma_start3A_558 = arith.constant 0 : i32
      %dma_start3A_559 = tpu.memref_slice %arg28[%add3A_490, %dma_start3A_558] : memref<8192x128xf32, #tpu.memory_space<hbm>> -> memref<128x128xf32, #tpu.memory_space<hbm>>
      %dma_start3A_560 = arith.constant 0 : i32
      %dma_start3A_561 = tpu.memref_slice %arg28[%add3A_490, %dma_start3A_560] : memref<8192x128xf32, #tpu.memory_space<hbm>> -> memref<128x128xf32, #tpu.memory_space<hbm>>
      tpu.enqueue_dma source(%arg37 : memref<128x128xf32, #tpu.memory_space<vmem>>) target(%dma_start3A_561 : memref<128x128xf32, #tpu.memory_space<hbm>>) target_semaphore(%arg47 : memref<!tpu.dma_semaphore, #tpu.memory_space<semaphore_mem>>)
    } else {
    }
    %convert_element_type3A_494 = arith.extui %and3A_152 : i1 to i32
    %cond3A_495 = arith.constant 0 : i32
    %cond3A_496 = arith.cmpi ne, %convert_element_type3A_494, %cond3A_495 : i32
    scf.if %cond3A_496 {
      %dma_wait3A_558 = arith.constant 0 : i32
      %dma_wait3A_559 = tpu.memref_slice %arg28[%add3A_490, %dma_wait3A_558] : memref<8192x128xf32, #tpu.memory_space<hbm>> -> memref<128x128xf32, #tpu.memory_space<hbm>>
      %dma_wait3A_560 = arith.constant 0 : i32
      %dma_wait3A_561 = tpu.memref_slice %arg28[%add3A_490, %dma_wait3A_560] : memref<8192x128xf32, #tpu.memory_space<hbm>> -> memref<128x128xf32, #tpu.memory_space<hbm>>
      tpu.wait_dma2 semaphore(%arg47 : memref<!tpu.dma_semaphore, #tpu.memory_space<semaphore_mem>>) src(%arg37 : memref<128x128xf32, #tpu.memory_space<vmem>>) dst(%dma_wait3A_561 : memref<128x128xf32, #tpu.memory_space<hbm>>)
    } else {
    }
    %convert_element_type3A_497 = arith.extui %and3A_180 : i1 to i32
    %cond3A_498 = arith.constant 0 : i32
    %cond3A_499 = arith.cmpi ne, %convert_element_type3A_497, %cond3A_498 : i32
    scf.if %cond3A_499 {
      %dma_start3A_558 = arith.constant 0 : i32
      %dma_start3A_559 = tpu.memref_slice %arg33[%dma_start3A_558] : memref<256xi32, #tpu.memory_space<vmem>> -> memref<128xi32, #tpu.memory_space<vmem>>
      %dma_start3A_560 = arith.constant 0 : i32
      %dma_start3A_561 = arith.constant 0 : i32
      %dma_start3A_562 = tpu.memref_slice %arg13[%dma_start3A_560, %dma_start3A_561] : memref<1001x128xf32, #tpu.memory_space<hbm>> -> memref<1001x128xf32, #tpu.memory_space<hbm>>
      tpu.enqueue_indirect_dma source(%dma_start3A_562 : memref<1001x128xf32, #tpu.memory_space<hbm>>) target(%arg37 : memref<128x128xf32, #tpu.memory_space<vmem>>) offsets(%dma_start3A_559 : memref<128xi32, #tpu.memory_space<vmem>>) semaphore(%arg43 : memref<!tpu.dma_semaphore, #tpu.memory_space<semaphore_mem>>)
    } else {
    }
    %convert_element_type3A_500 = arith.extui %and3A_159 : i1 to i32
    %cond3A_501 = arith.constant 0 : i32
    %cond3A_502 = arith.cmpi ne, %convert_element_type3A_500, %cond3A_501 : i32
    scf.if %cond3A_502 {
      %dma_wait3A_558 = arith.constant 128 : i32
      %dma_wait3A_559 = tpu.memref_slice %arg33[%dma_wait3A_558] : memref<256xi32, #tpu.memory_space<vmem>> -> memref<128xi32, #tpu.memory_space<vmem>>
      %dma_wait3A_560 = arith.constant 0 : i32
      %dma_wait3A_561 = arith.constant 0 : i32
      %dma_wait3A_562 = tpu.memref_slice %arg11[%dma_wait3A_560, %dma_wait3A_561] : memref<1001x128xf32, #tpu.memory_space<hbm>> -> memref<1001x128xf32, #tpu.memory_space<hbm>>
      tpu.wait_indirect_dma semaphore(%arg44 : memref<!tpu.dma_semaphore, #tpu.memory_space<semaphore_mem>>) src(%dma_wait3A_562 : memref<1001x128xf32, #tpu.memory_space<hbm>>) dst(%arg38 : memref<128x128xf32, #tpu.memory_space<vmem>>)
    } else {
    }
    %add3A_503 = arith.constant 128 : i32
    %add3A_504 = arith.addi %mul3A_2, %add3A_503 : i32
    %convert_element_type3A_505 = arith.extui %and3A_159 : i1 to i32
    %cond3A_506 = arith.constant 0 : i32
    %cond3A_507 = arith.cmpi ne, %convert_element_type3A_505, %cond3A_506 : i32
    scf.if %cond3A_507 {
      %dma_start3A_558 = arith.constant 0 : i32
      %dma_start3A_559 = tpu.memref_slice %arg28[%add3A_504, %dma_start3A_558] : memref<8192x128xf32, #tpu.memory_space<hbm>> -> memref<128x128xf32, #tpu.memory_space<hbm>>
      %dma_start3A_560 = arith.constant 0 : i32
      %dma_start3A_561 = tpu.memref_slice %arg28[%add3A_504, %dma_start3A_560] : memref<8192x128xf32, #tpu.memory_space<hbm>> -> memref<128x128xf32, #tpu.memory_space<hbm>>
      tpu.enqueue_dma source(%arg38 : memref<128x128xf32, #tpu.memory_space<vmem>>) target(%dma_start3A_561 : memref<128x128xf32, #tpu.memory_space<hbm>>) target_semaphore(%arg48 : memref<!tpu.dma_semaphore, #tpu.memory_space<semaphore_mem>>)
    } else {
    }
    %convert_element_type3A_508 = arith.extui %and3A_159 : i1 to i32
    %cond3A_509 = arith.constant 0 : i32
    %cond3A_510 = arith.cmpi ne, %convert_element_type3A_508, %cond3A_509 : i32
    scf.if %cond3A_510 {
      %dma_wait3A_558 = arith.constant 0 : i32
      %dma_wait3A_559 = tpu.memref_slice %arg28[%add3A_504, %dma_wait3A_558] : memref<8192x128xf32, #tpu.memory_space<hbm>> -> memref<128x128xf32, #tpu.memory_space<hbm>>
      %dma_wait3A_560 = arith.constant 0 : i32
      %dma_wait3A_561 = tpu.memref_slice %arg28[%add3A_504, %dma_wait3A_560] : memref<8192x128xf32, #tpu.memory_space<hbm>> -> memref<128x128xf32, #tpu.memory_space<hbm>>
      tpu.wait_dma2 semaphore(%arg48 : memref<!tpu.dma_semaphore, #tpu.memory_space<semaphore_mem>>) src(%arg38 : memref<128x128xf32, #tpu.memory_space<vmem>>) dst(%dma_wait3A_561 : memref<128x128xf32, #tpu.memory_space<hbm>>)
    } else {
    }
    %convert_element_type3A_511 = arith.extui %and3A_187 : i1 to i32
    %cond3A_512 = arith.constant 0 : i32
    %cond3A_513 = arith.cmpi ne, %convert_element_type3A_511, %cond3A_512 : i32
    scf.if %cond3A_513 {
      %dma_start3A_558 = arith.constant 128 : i32
      %dma_start3A_559 = tpu.memref_slice %arg33[%dma_start3A_558] : memref<256xi32, #tpu.memory_space<vmem>> -> memref<128xi32, #tpu.memory_space<vmem>>
      %dma_start3A_560 = arith.constant 0 : i32
      %dma_start3A_561 = arith.constant 0 : i32
      %dma_start3A_562 = tpu.memref_slice %arg13[%dma_start3A_560, %dma_start3A_561] : memref<1001x128xf32, #tpu.memory_space<hbm>> -> memref<1001x128xf32, #tpu.memory_space<hbm>>
      tpu.enqueue_indirect_dma source(%dma_start3A_562 : memref<1001x128xf32, #tpu.memory_space<hbm>>) target(%arg38 : memref<128x128xf32, #tpu.memory_space<vmem>>) offsets(%dma_start3A_559 : memref<128xi32, #tpu.memory_space<vmem>>) semaphore(%arg44 : memref<!tpu.dma_semaphore, #tpu.memory_space<semaphore_mem>>)
    } else {
    }
    %convert_element_type3A_514 = arith.extui %and3A_166 : i1 to i32
    %cond3A_515 = arith.constant 0 : i32
    %cond3A_516 = arith.cmpi ne, %convert_element_type3A_514, %cond3A_515 : i32
    scf.if %cond3A_516 {
      %dma_wait3A_558 = arith.constant 0 : i32
      %dma_wait3A_559 = tpu.memref_slice %arg33[%dma_wait3A_558] : memref<256xi32, #tpu.memory_space<vmem>> -> memref<128xi32, #tpu.memory_space<vmem>>
      %dma_wait3A_560 = arith.constant 0 : i32
      %dma_wait3A_561 = arith.constant 0 : i32
      %dma_wait3A_562 = tpu.memref_slice %arg12[%dma_wait3A_560, %dma_wait3A_561] : memref<1001x128xf32, #tpu.memory_space<hbm>> -> memref<1001x128xf32, #tpu.memory_space<hbm>>
      tpu.wait_indirect_dma semaphore(%arg41 : memref<!tpu.dma_semaphore, #tpu.memory_space<semaphore_mem>>) src(%dma_wait3A_562 : memref<1001x128xf32, #tpu.memory_space<hbm>>) dst(%arg35 : memref<128x128xf32, #tpu.memory_space<vmem>>)
    } else {
    }
    %add3A_517 = arith.constant 0 : i32
    %add3A_518 = arith.addi %mul3A_2, %add3A_517 : i32
    %convert_element_type3A_519 = arith.extui %and3A_166 : i1 to i32
    %cond3A_520 = arith.constant 0 : i32
    %cond3A_521 = arith.cmpi ne, %convert_element_type3A_519, %cond3A_520 : i32
    scf.if %cond3A_521 {
      %dma_start3A_558 = arith.constant 0 : i32
      %dma_start3A_559 = tpu.memref_slice %arg29[%add3A_518, %dma_start3A_558] : memref<8192x128xf32, #tpu.memory_space<hbm>> -> memref<128x128xf32, #tpu.memory_space<hbm>>
      %dma_start3A_560 = arith.constant 0 : i32
      %dma_start3A_561 = tpu.memref_slice %arg29[%add3A_518, %dma_start3A_560] : memref<8192x128xf32, #tpu.memory_space<hbm>> -> memref<128x128xf32, #tpu.memory_space<hbm>>
      tpu.enqueue_dma source(%arg35 : memref<128x128xf32, #tpu.memory_space<vmem>>) target(%dma_start3A_561 : memref<128x128xf32, #tpu.memory_space<hbm>>) target_semaphore(%arg45 : memref<!tpu.dma_semaphore, #tpu.memory_space<semaphore_mem>>)
    } else {
    }
    %convert_element_type3A_522 = arith.extui %and3A_173 : i1 to i32
    %cond3A_523 = arith.constant 0 : i32
    %cond3A_524 = arith.cmpi ne, %convert_element_type3A_522, %cond3A_523 : i32
    scf.if %cond3A_524 {
      %dma_wait3A_558 = arith.constant 128 : i32
      %dma_wait3A_559 = tpu.memref_slice %arg33[%dma_wait3A_558] : memref<256xi32, #tpu.memory_space<vmem>> -> memref<128xi32, #tpu.memory_space<vmem>>
      %dma_wait3A_560 = arith.constant 0 : i32
      %dma_wait3A_561 = arith.constant 0 : i32
      %dma_wait3A_562 = tpu.memref_slice %arg12[%dma_wait3A_560, %dma_wait3A_561] : memref<1001x128xf32, #tpu.memory_space<hbm>> -> memref<1001x128xf32, #tpu.memory_space<hbm>>
      tpu.wait_indirect_dma semaphore(%arg42 : memref<!tpu.dma_semaphore, #tpu.memory_space<semaphore_mem>>) src(%dma_wait3A_562 : memref<1001x128xf32, #tpu.memory_space<hbm>>) dst(%arg36 : memref<128x128xf32, #tpu.memory_space<vmem>>)
    } else {
    }
    %add3A_525 = arith.constant 128 : i32
    %add3A_526 = arith.addi %mul3A_2, %add3A_525 : i32
    %convert_element_type3A_527 = arith.extui %and3A_173 : i1 to i32
    %cond3A_528 = arith.constant 0 : i32
    %cond3A_529 = arith.cmpi ne, %convert_element_type3A_527, %cond3A_528 : i32
    scf.if %cond3A_529 {
      %dma_start3A_558 = arith.constant 0 : i32
      %dma_start3A_559 = tpu.memref_slice %arg29[%add3A_526, %dma_start3A_558] : memref<8192x128xf32, #tpu.memory_space<hbm>> -> memref<128x128xf32, #tpu.memory_space<hbm>>
      %dma_start3A_560 = arith.constant 0 : i32
      %dma_start3A_561 = tpu.memref_slice %arg29[%add3A_526, %dma_start3A_560] : memref<8192x128xf32, #tpu.memory_space<hbm>> -> memref<128x128xf32, #tpu.memory_space<hbm>>
      tpu.enqueue_dma source(%arg36 : memref<128x128xf32, #tpu.memory_space<vmem>>) target(%dma_start3A_561 : memref<128x128xf32, #tpu.memory_space<hbm>>) target_semaphore(%arg46 : memref<!tpu.dma_semaphore, #tpu.memory_space<semaphore_mem>>)
    } else {
    }
    %convert_element_type3A_530 = arith.extui %and3A_180 : i1 to i32
    %cond3A_531 = arith.constant 0 : i32
    %cond3A_532 = arith.cmpi ne, %convert_element_type3A_530, %cond3A_531 : i32
    scf.if %cond3A_532 {
      %dma_wait3A_558 = arith.constant 0 : i32
      %dma_wait3A_559 = tpu.memref_slice %arg33[%dma_wait3A_558] : memref<256xi32, #tpu.memory_space<vmem>> -> memref<128xi32, #tpu.memory_space<vmem>>
      %dma_wait3A_560 = arith.constant 0 : i32
      %dma_wait3A_561 = arith.constant 0 : i32
      %dma_wait3A_562 = tpu.memref_slice %arg13[%dma_wait3A_560, %dma_wait3A_561] : memref<1001x128xf32, #tpu.memory_space<hbm>> -> memref<1001x128xf32, #tpu.memory_space<hbm>>
      tpu.wait_indirect_dma semaphore(%arg43 : memref<!tpu.dma_semaphore, #tpu.memory_space<semaphore_mem>>) src(%dma_wait3A_562 : memref<1001x128xf32, #tpu.memory_space<hbm>>) dst(%arg37 : memref<128x128xf32, #tpu.memory_space<vmem>>)
    } else {
    }
    %add3A_533 = arith.constant 0 : i32
    %add3A_534 = arith.addi %mul3A_2, %add3A_533 : i32
    %convert_element_type3A_535 = arith.extui %and3A_180 : i1 to i32
    %cond3A_536 = arith.constant 0 : i32
    %cond3A_537 = arith.cmpi ne, %convert_element_type3A_535, %cond3A_536 : i32
    scf.if %cond3A_537 {
      %dma_start3A_558 = arith.constant 0 : i32
      %dma_start3A_559 = tpu.memref_slice %arg30[%add3A_534, %dma_start3A_558] : memref<8192x128xf32, #tpu.memory_space<hbm>> -> memref<128x128xf32, #tpu.memory_space<hbm>>
      %dma_start3A_560 = arith.constant 0 : i32
      %dma_start3A_561 = tpu.memref_slice %arg30[%add3A_534, %dma_start3A_560] : memref<8192x128xf32, #tpu.memory_space<hbm>> -> memref<128x128xf32, #tpu.memory_space<hbm>>
      tpu.enqueue_dma source(%arg37 : memref<128x128xf32, #tpu.memory_space<vmem>>) target(%dma_start3A_561 : memref<128x128xf32, #tpu.memory_space<hbm>>) target_semaphore(%arg47 : memref<!tpu.dma_semaphore, #tpu.memory_space<semaphore_mem>>)
    } else {
    }
    %convert_element_type3A_538 = arith.extui %and3A_187 : i1 to i32
    %cond3A_539 = arith.constant 0 : i32
    %cond3A_540 = arith.cmpi ne, %convert_element_type3A_538, %cond3A_539 : i32
    scf.if %cond3A_540 {
      %dma_wait3A_558 = arith.constant 128 : i32
      %dma_wait3A_559 = tpu.memref_slice %arg33[%dma_wait3A_558] : memref<256xi32, #tpu.memory_space<vmem>> -> memref<128xi32, #tpu.memory_space<vmem>>
      %dma_wait3A_560 = arith.constant 0 : i32
      %dma_wait3A_561 = arith.constant 0 : i32
      %dma_wait3A_562 = tpu.memref_slice %arg13[%dma_wait3A_560, %dma_wait3A_561] : memref<1001x128xf32, #tpu.memory_space<hbm>> -> memref<1001x128xf32, #tpu.memory_space<hbm>>
      tpu.wait_indirect_dma semaphore(%arg44 : memref<!tpu.dma_semaphore, #tpu.memory_space<semaphore_mem>>) src(%dma_wait3A_562 : memref<1001x128xf32, #tpu.memory_space<hbm>>) dst(%arg38 : memref<128x128xf32, #tpu.memory_space<vmem>>)
    } else {
    }
    %add3A_541 = arith.constant 128 : i32
    %add3A_542 = arith.addi %mul3A_2, %add3A_541 : i32
    %convert_element_type3A_543 = arith.extui %and3A_187 : i1 to i32
    %cond3A_544 = arith.constant 0 : i32
    %cond3A_545 = arith.cmpi ne, %convert_element_type3A_543, %cond3A_544 : i32
    scf.if %cond3A_545 {
      %dma_start3A_558 = arith.constant 0 : i32
      %dma_start3A_559 = tpu.memref_slice %arg30[%add3A_542, %dma_start3A_558] : memref<8192x128xf32, #tpu.memory_space<hbm>> -> memref<128x128xf32, #tpu.memory_space<hbm>>
      %dma_start3A_560 = arith.constant 0 : i32
      %dma_start3A_561 = tpu.memref_slice %arg30[%add3A_542, %dma_start3A_560] : memref<8192x128xf32, #tpu.memory_space<hbm>> -> memref<128x128xf32, #tpu.memory_space<hbm>>
      tpu.enqueue_dma source(%arg38 : memref<128x128xf32, #tpu.memory_space<vmem>>) target(%dma_start3A_561 : memref<128x128xf32, #tpu.memory_space<hbm>>) target_semaphore(%arg48 : memref<!tpu.dma_semaphore, #tpu.memory_space<semaphore_mem>>)
    } else {
    }
    %convert_element_type3A_546 = arith.extui %and3A_166 : i1 to i32
    %cond3A_547 = arith.constant 0 : i32
    %cond3A_548 = arith.cmpi ne, %convert_element_type3A_546, %cond3A_547 : i32
    scf.if %cond3A_548 {
      %dma_wait3A_558 = arith.constant 0 : i32
      %dma_wait3A_559 = tpu.memref_slice %arg29[%add3A_518, %dma_wait3A_558] : memref<8192x128xf32, #tpu.memory_space<hbm>> -> memref<128x128xf32, #tpu.memory_space<hbm>>
      %dma_wait3A_560 = arith.constant 0 : i32
      %dma_wait3A_561 = tpu.memref_slice %arg29[%add3A_518, %dma_wait3A_560] : memref<8192x128xf32, #tpu.memory_space<hbm>> -> memref<128x128xf32, #tpu.memory_space<hbm>>
      tpu.wait_dma2 semaphore(%arg45 : memref<!tpu.dma_semaphore, #tpu.memory_space<semaphore_mem>>) src(%arg35 : memref<128x128xf32, #tpu.memory_space<vmem>>) dst(%dma_wait3A_561 : memref<128x128xf32, #tpu.memory_space<hbm>>)
    } else {
    }
    %convert_element_type3A_549 = arith.extui %and3A_173 : i1 to i32
    %cond3A_550 = arith.constant 0 : i32
    %cond3A_551 = arith.cmpi ne, %convert_element_type3A_549, %cond3A_550 : i32
    scf.if %cond3A_551 {
      %dma_wait3A_558 = arith.constant 0 : i32
      %dma_wait3A_559 = tpu.memref_slice %arg29[%add3A_526, %dma_wait3A_558] : memref<8192x128xf32, #tpu.memory_space<hbm>> -> memref<128x128xf32, #tpu.memory_space<hbm>>
      %dma_wait3A_560 = arith.constant 0 : i32
      %dma_wait3A_561 = tpu.memref_slice %arg29[%add3A_526, %dma_wait3A_560] : memref<8192x128xf32, #tpu.memory_space<hbm>> -> memref<128x128xf32, #tpu.memory_space<hbm>>
      tpu.wait_dma2 semaphore(%arg46 : memref<!tpu.dma_semaphore, #tpu.memory_space<semaphore_mem>>) src(%arg36 : memref<128x128xf32, #tpu.memory_space<vmem>>) dst(%dma_wait3A_561 : memref<128x128xf32, #tpu.memory_space<hbm>>)
    } else {
    }
    %convert_element_type3A_552 = arith.extui %and3A_180 : i1 to i32
    %cond3A_553 = arith.constant 0 : i32
    %cond3A_554 = arith.cmpi ne, %convert_element_type3A_552, %cond3A_553 : i32
    scf.if %cond3A_554 {
      %dma_wait3A_558 = arith.constant 0 : i32
      %dma_wait3A_559 = tpu.memref_slice %arg30[%add3A_534, %dma_wait3A_558] : memref<8192x128xf32, #tpu.memory_space<hbm>> -> memref<128x128xf32, #tpu.memory_space<hbm>>
      %dma_wait3A_560 = arith.constant 0 : i32
      %dma_wait3A_561 = tpu.memref_slice %arg30[%add3A_534, %dma_wait3A_560] : memref<8192x128xf32, #tpu.memory_space<hbm>> -> memref<128x128xf32, #tpu.memory_space<hbm>>
      tpu.wait_dma2 semaphore(%arg47 : memref<!tpu.dma_semaphore, #tpu.memory_space<semaphore_mem>>) src(%arg37 : memref<128x128xf32, #tpu.memory_space<vmem>>) dst(%dma_wait3A_561 : memref<128x128xf32, #tpu.memory_space<hbm>>)
    } else {
    }
    %convert_element_type3A_555 = arith.extui %and3A_187 : i1 to i32
    %cond3A_556 = arith.constant 0 : i32
    %cond3A_557 = arith.cmpi ne, %convert_element_type3A_555, %cond3A_556 : i32
    scf.if %cond3A_557 {
      %dma_wait3A_558 = arith.constant 0 : i32
      %dma_wait3A_559 = tpu.memref_slice %arg30[%add3A_542, %dma_wait3A_558] : memref<8192x128xf32, #tpu.memory_space<hbm>> -> memref<128x128xf32, #tpu.memory_space<hbm>>
      %dma_wait3A_560 = arith.constant 0 : i32
      %dma_wait3A_561 = tpu.memref_slice %arg30[%add3A_542, %dma_wait3A_560] : memref<8192x128xf32, #tpu.memory_space<hbm>> -> memref<128x128xf32, #tpu.memory_space<hbm>>
      tpu.wait_dma2 semaphore(%arg48 : memref<!tpu.dma_semaphore, #tpu.memory_space<semaphore_mem>>) src(%arg38 : memref<128x128xf32, #tpu.memory_space<vmem>>) dst(%dma_wait3A_561 : memref<128x128xf32, #tpu.memory_space<hbm>>)
    } else {
    }
    return
  }
}

module attributes {stable_mosaic.version = 14 : i64} {
  func.func @body(%arg0: i32, %arg1: memref<1x128xi32, #tpu.memory_space<vmem>>, %arg2: memref<1024x128xf32, #tpu.memory_space<vmem>>, %arg3: memref<1024x128xf32, #tpu.memory_space<vmem>>, %arg4: memref<1024x128xf32, #tpu.memory_space<vmem>>, %arg5: memref<1024x128xf32, #tpu.memory_space<vmem>>, %arg6: memref<1024x128xf32, #tpu.memory_space<vmem>>, %arg7: memref<1024x128xf32, #tpu.memory_space<vmem>>, %arg8: memref<1024x128xf32, #tpu.memory_space<vmem>>, %arg9: memref<1024x128xf32, #tpu.memory_space<vmem>>, %arg10: memref<1024x128xf32, #tpu.memory_space<vmem>>, %arg11: memref<1024x128xf32, #tpu.memory_space<vmem>>, %arg12: memref<1024x128xf32, #tpu.memory_space<vmem>>, %arg13: memref<1024x128xf32, #tpu.memory_space<vmem>>, %arg14: memref<1024x1xf32, #tpu.memory_space<vmem>>) attributes {dimension_semantics = [#tpu.dimension_semantics<arbitrary>], iteration_bounds = array<i64: 8>, scalar_prefetch = 0 : i64, scratch_operands = 0 : i64, tpu.core_type = #tpu.core_type<tc>, window_params = [{pipeline_mode = #tpu.pipeline_mode<synchronous>, transform_indices = @transform_0, window_bounds = array<i64: 1, 128>}, {transform_indices = @transform_1, window_bounds = array<i64: 1024, 128>}, {transform_indices = @transform_2, window_bounds = array<i64: 1024, 128>}, {transform_indices = @transform_3, window_bounds = array<i64: 1024, 128>}, {transform_indices = @transform_4, window_bounds = array<i64: 1024, 128>}, {transform_indices = @transform_5, window_bounds = array<i64: 1024, 128>}, {transform_indices = @transform_6, window_bounds = array<i64: 1024, 128>}, {transform_indices = @transform_7, window_bounds = array<i64: 1024, 128>}, {transform_indices = @transform_8, window_bounds = array<i64: 1024, 128>}, {transform_indices = @transform_9, window_bounds = array<i64: 1024, 128>}, {transform_indices = @transform_10, window_bounds = array<i64: 1024, 128>}, {transform_indices = @transform_11, window_bounds = array<i64: 1024, 128>}, {transform_indices = @transform_12, window_bounds = array<i64: 1024, 128>}, {transform_indices = @transform_13, window_bounds = array<i64: 1024, 1>}]} {
    %mul3A = arith.constant 1024 : i32
    %mul3A_0 = arith.muli %arg0, %mul3A : i32
    %iota3A = tpu.iota {dimensions = array<i32: 0>} : vector<1024x1xi32>
    %add3A = vector.broadcast %mul3A_0 : i32 to vector<1024x1xi32>
    %add3A_1 = arith.addi %add3A, %iota3A : vector<1024x1xi32>
    %get3A = arith.constant 0 : index
    %get3A_2 = arith.constant 0 : index
    %get3A_3 = vector.load %arg1[%get3A, %get3A_2] : memref<1x128xi32, #tpu.memory_space<vmem>>, vector<1x1xi32>
    %get3A_4 = vector.extract %get3A_3[0, 0] : i32 from vector<1x1xi32>
    %ge3A = vector.broadcast %get3A_4 : i32 to vector<1024x1xi32>
    %ge3A_5 = arith.cmpi sge, %add3A_1, %ge3A : vector<1024x1xi32>
    %get3A_6 = arith.constant 0 : index
    %get3A_7 = arith.constant 1 : index
    %get3A_8 = vector.load %arg1[%get3A_6, %get3A_7] : memref<1x128xi32, #tpu.memory_space<vmem>>, vector<1x1xi32>
    %get3A_9 = vector.extract %get3A_8[0, 0] : i32 from vector<1x1xi32>
    %lt3A = vector.broadcast %get3A_9 : i32 to vector<1024x1xi32>
    %lt3A_10 = arith.cmpi slt, %add3A_1, %lt3A : vector<1024x1xi32>
    %and3A = arith.andi %ge3A_5, %lt3A_10 : vector<1024x1xi1>
    %get3A_11 = arith.constant 0 : index
    %get3A_12 = arith.constant 1 : index
    %get3A_13 = vector.load %arg1[%get3A_11, %get3A_12] : memref<1x128xi32, #tpu.memory_space<vmem>>, vector<1x1xi32>
    %get3A_14 = vector.extract %get3A_13[0, 0] : i32 from vector<1x1xi32>
    %ge3A_15 = vector.broadcast %get3A_14 : i32 to vector<1024x1xi32>
    %ge3A_16 = arith.cmpi sge, %add3A_1, %ge3A_15 : vector<1024x1xi32>
    %get3A_17 = arith.constant 0 : index
    %get3A_18 = arith.constant 2 : index
    %get3A_19 = vector.load %arg1[%get3A_17, %get3A_18] : memref<1x128xi32, #tpu.memory_space<vmem>>, vector<1x1xi32>
    %get3A_20 = vector.extract %get3A_19[0, 0] : i32 from vector<1x1xi32>
    %lt3A_21 = vector.broadcast %get3A_20 : i32 to vector<1024x1xi32>
    %lt3A_22 = arith.cmpi slt, %add3A_1, %lt3A_21 : vector<1024x1xi32>
    %and3A_23 = arith.andi %ge3A_16, %lt3A_22 : vector<1024x1xi1>
    %get3A_24 = arith.constant 0 : index
    %get3A_25 = arith.constant 2 : index
    %get3A_26 = vector.load %arg1[%get3A_24, %get3A_25] : memref<1x128xi32, #tpu.memory_space<vmem>>, vector<1x1xi32>
    %get3A_27 = vector.extract %get3A_26[0, 0] : i32 from vector<1x1xi32>
    %ge3A_28 = vector.broadcast %get3A_27 : i32 to vector<1024x1xi32>
    %ge3A_29 = arith.cmpi sge, %add3A_1, %ge3A_28 : vector<1024x1xi32>
    %get3A_30 = arith.constant 0 : index
    %get3A_31 = arith.constant 3 : index
    %get3A_32 = vector.load %arg1[%get3A_30, %get3A_31] : memref<1x128xi32, #tpu.memory_space<vmem>>, vector<1x1xi32>
    %get3A_33 = vector.extract %get3A_32[0, 0] : i32 from vector<1x1xi32>
    %lt3A_34 = vector.broadcast %get3A_33 : i32 to vector<1024x1xi32>
    %lt3A_35 = arith.cmpi slt, %add3A_1, %lt3A_34 : vector<1024x1xi32>
    %and3A_36 = arith.andi %ge3A_29, %lt3A_35 : vector<1024x1xi1>
    %get3A_37 = arith.constant 0 : index
    %get3A_38 = arith.constant 0 : index
    %get3A_39 = vector.load %arg2[%get3A_37, %get3A_38] : memref<1024x128xf32, #tpu.memory_space<vmem>>, vector<1024x128xf32>
    %mul3A_40 = arith.mulf %get3A_39, %get3A_39 : vector<1024x128xf32>
    %reduce_sum3A = arith.constant dense<0.000000e+00> : vector<1024xf32>
    %reduce_sum3A_41 = vector.multi_reduction <add>, %mul3A_40, %reduce_sum3A [1] : vector<1024x128xf32> to vector<1024xf32>
    %broadcast_in_dim3A = vector.shape_cast %reduce_sum3A_41 : vector<1024xf32> to vector<1024x1xf32>
    %max3A = arith.constant 1.000000e-24 : f32
    %max3A_42 = vector.broadcast %max3A : f32 to vector<1024x1xf32>
    %max3A_43 = arith.maximumf %broadcast_in_dim3A, %max3A_42 : vector<1024x1xf32>
    %rsqrt3A = math.rsqrt %max3A_43 : vector<1024x1xf32>
    %mul3A_44 = vector.broadcast %rsqrt3A : vector<1024x1xf32> to vector<1024x128xf32>
    %mul3A_45 = arith.mulf %get3A_39, %mul3A_44 : vector<1024x128xf32>
    %broadcast_in_dim3A_46 = arith.constant 0.000000e+00 : f32
    %broadcast_in_dim3A_47 = vector.broadcast %broadcast_in_dim3A_46 : f32 to vector<1024x128xf32>
    %get3A_48 = arith.constant 0 : index
    %get3A_49 = arith.constant 0 : index
    %get3A_50 = vector.load %arg3[%get3A_48, %get3A_49] : memref<1024x128xf32, #tpu.memory_space<vmem>>, vector<1024x128xf32>
    %get3A_51 = arith.constant 0 : index
    %get3A_52 = arith.constant 0 : index
    %get3A_53 = vector.load %arg4[%get3A_51, %get3A_52] : memref<1024x128xf32, #tpu.memory_space<vmem>>, vector<1024x128xf32>
    %get3A_54 = arith.constant 0 : index
    %get3A_55 = arith.constant 0 : index
    %get3A_56 = vector.load %arg5[%get3A_54, %get3A_55] : memref<1024x128xf32, #tpu.memory_space<vmem>>, vector<1024x128xf32>
    %broadcast_in_dim3A_57 = vector.shape_cast %and3A_36 : vector<1024x1xi1> to vector<1024x1xi1>
    %broadcast_in_dim3A_58 = vector.broadcast %broadcast_in_dim3A_57 : vector<1024x1xi1> to vector<1024x128xi1>
    %select_n3A = arith.select %broadcast_in_dim3A_58, %get3A_56, %broadcast_in_dim3A_47 : vector<1024x128xi1>, vector<1024x128xf32>
    %broadcast_in_dim3A_59 = vector.shape_cast %and3A_23 : vector<1024x1xi1> to vector<1024x1xi1>
    %broadcast_in_dim3A_60 = vector.broadcast %broadcast_in_dim3A_59 : vector<1024x1xi1> to vector<1024x128xi1>
    %select_n3A_61 = arith.select %broadcast_in_dim3A_60, %get3A_53, %select_n3A : vector<1024x128xi1>, vector<1024x128xf32>
    %broadcast_in_dim3A_62 = vector.shape_cast %and3A : vector<1024x1xi1> to vector<1024x1xi1>
    %broadcast_in_dim3A_63 = vector.broadcast %broadcast_in_dim3A_62 : vector<1024x1xi1> to vector<1024x128xi1>
    %select_n3A_64 = arith.select %broadcast_in_dim3A_63, %get3A_50, %select_n3A_61 : vector<1024x128xi1>, vector<1024x128xf32>
    %mul3A_65 = arith.mulf %select_n3A_64, %select_n3A_64 : vector<1024x128xf32>
    %reduce_sum3A_66 = arith.constant dense<0.000000e+00> : vector<1024xf32>
    %reduce_sum3A_67 = vector.multi_reduction <add>, %mul3A_65, %reduce_sum3A_66 [1] : vector<1024x128xf32> to vector<1024xf32>
    %broadcast_in_dim3A_68 = vector.shape_cast %reduce_sum3A_67 : vector<1024xf32> to vector<1024x1xf32>
    %max3A_69 = arith.constant 1.000000e-24 : f32
    %max3A_70 = vector.broadcast %max3A_69 : f32 to vector<1024x1xf32>
    %max3A_71 = arith.maximumf %broadcast_in_dim3A_68, %max3A_70 : vector<1024x1xf32>
    %rsqrt3A_72 = math.rsqrt %max3A_71 : vector<1024x1xf32>
    %mul3A_73 = vector.broadcast %rsqrt3A_72 : vector<1024x1xf32> to vector<1024x128xf32>
    %mul3A_74 = arith.mulf %select_n3A_64, %mul3A_73 : vector<1024x128xf32>
    %add3A_75 = arith.addf %mul3A_45, %mul3A_74 : vector<1024x128xf32>
    %get3A_76 = arith.constant 0 : index
    %get3A_77 = arith.constant 0 : index
    %get3A_78 = vector.load %arg6[%get3A_76, %get3A_77] : memref<1024x128xf32, #tpu.memory_space<vmem>>, vector<1024x128xf32>
    %mul3A_79 = arith.mulf %get3A_78, %get3A_78 : vector<1024x128xf32>
    %reduce_sum3A_80 = arith.constant dense<0.000000e+00> : vector<1024xf32>
    %reduce_sum3A_81 = vector.multi_reduction <add>, %mul3A_79, %reduce_sum3A_80 [1] : vector<1024x128xf32> to vector<1024xf32>
    %broadcast_in_dim3A_82 = vector.shape_cast %reduce_sum3A_81 : vector<1024xf32> to vector<1024x1xf32>
    %max3A_83 = arith.constant 1.000000e-24 : f32
    %max3A_84 = vector.broadcast %max3A_83 : f32 to vector<1024x1xf32>
    %max3A_85 = arith.maximumf %broadcast_in_dim3A_82, %max3A_84 : vector<1024x1xf32>
    %rsqrt3A_86 = math.rsqrt %max3A_85 : vector<1024x1xf32>
    %mul3A_87 = vector.broadcast %rsqrt3A_86 : vector<1024x1xf32> to vector<1024x128xf32>
    %mul3A_88 = arith.mulf %get3A_78, %mul3A_87 : vector<1024x128xf32>
    %broadcast_in_dim3A_89 = arith.constant 0.000000e+00 : f32
    %broadcast_in_dim3A_90 = vector.broadcast %broadcast_in_dim3A_89 : f32 to vector<1024x128xf32>
    %get3A_91 = arith.constant 0 : index
    %get3A_92 = arith.constant 0 : index
    %get3A_93 = vector.load %arg7[%get3A_91, %get3A_92] : memref<1024x128xf32, #tpu.memory_space<vmem>>, vector<1024x128xf32>
    %get3A_94 = arith.constant 0 : index
    %get3A_95 = arith.constant 0 : index
    %get3A_96 = vector.load %arg8[%get3A_94, %get3A_95] : memref<1024x128xf32, #tpu.memory_space<vmem>>, vector<1024x128xf32>
    %get3A_97 = arith.constant 0 : index
    %get3A_98 = arith.constant 0 : index
    %get3A_99 = vector.load %arg9[%get3A_97, %get3A_98] : memref<1024x128xf32, #tpu.memory_space<vmem>>, vector<1024x128xf32>
    %broadcast_in_dim3A_100 = vector.shape_cast %and3A_36 : vector<1024x1xi1> to vector<1024x1xi1>
    %broadcast_in_dim3A_101 = vector.broadcast %broadcast_in_dim3A_100 : vector<1024x1xi1> to vector<1024x128xi1>
    %select_n3A_102 = arith.select %broadcast_in_dim3A_101, %get3A_99, %broadcast_in_dim3A_90 : vector<1024x128xi1>, vector<1024x128xf32>
    %broadcast_in_dim3A_103 = vector.shape_cast %and3A_23 : vector<1024x1xi1> to vector<1024x1xi1>
    %broadcast_in_dim3A_104 = vector.broadcast %broadcast_in_dim3A_103 : vector<1024x1xi1> to vector<1024x128xi1>
    %select_n3A_105 = arith.select %broadcast_in_dim3A_104, %get3A_96, %select_n3A_102 : vector<1024x128xi1>, vector<1024x128xf32>
    %broadcast_in_dim3A_106 = vector.shape_cast %and3A : vector<1024x1xi1> to vector<1024x1xi1>
    %broadcast_in_dim3A_107 = vector.broadcast %broadcast_in_dim3A_106 : vector<1024x1xi1> to vector<1024x128xi1>
    %select_n3A_108 = arith.select %broadcast_in_dim3A_107, %get3A_93, %select_n3A_105 : vector<1024x128xi1>, vector<1024x128xf32>
    %mul3A_109 = arith.mulf %select_n3A_108, %select_n3A_108 : vector<1024x128xf32>
    %reduce_sum3A_110 = arith.constant dense<0.000000e+00> : vector<1024xf32>
    %reduce_sum3A_111 = vector.multi_reduction <add>, %mul3A_109, %reduce_sum3A_110 [1] : vector<1024x128xf32> to vector<1024xf32>
    %broadcast_in_dim3A_112 = vector.shape_cast %reduce_sum3A_111 : vector<1024xf32> to vector<1024x1xf32>
    %max3A_113 = arith.constant 1.000000e-24 : f32
    %max3A_114 = vector.broadcast %max3A_113 : f32 to vector<1024x1xf32>
    %max3A_115 = arith.maximumf %broadcast_in_dim3A_112, %max3A_114 : vector<1024x1xf32>
    %rsqrt3A_116 = math.rsqrt %max3A_115 : vector<1024x1xf32>
    %mul3A_117 = vector.broadcast %rsqrt3A_116 : vector<1024x1xf32> to vector<1024x128xf32>
    %mul3A_118 = arith.mulf %select_n3A_108, %mul3A_117 : vector<1024x128xf32>
    %add3A_119 = arith.addf %mul3A_88, %mul3A_118 : vector<1024x128xf32>
    %get3A_120 = arith.constant 0 : index
    %get3A_121 = arith.constant 0 : index
    %get3A_122 = vector.load %arg10[%get3A_120, %get3A_121] : memref<1024x128xf32, #tpu.memory_space<vmem>>, vector<1024x128xf32>
    %mul3A_123 = arith.mulf %get3A_122, %get3A_122 : vector<1024x128xf32>
    %reduce_sum3A_124 = arith.constant dense<0.000000e+00> : vector<1024xf32>
    %reduce_sum3A_125 = vector.multi_reduction <add>, %mul3A_123, %reduce_sum3A_124 [1] : vector<1024x128xf32> to vector<1024xf32>
    %broadcast_in_dim3A_126 = vector.shape_cast %reduce_sum3A_125 : vector<1024xf32> to vector<1024x1xf32>
    %max3A_127 = arith.constant 1.000000e-24 : f32
    %max3A_128 = vector.broadcast %max3A_127 : f32 to vector<1024x1xf32>
    %max3A_129 = arith.maximumf %broadcast_in_dim3A_126, %max3A_128 : vector<1024x1xf32>
    %rsqrt3A_130 = math.rsqrt %max3A_129 : vector<1024x1xf32>
    %mul3A_131 = vector.broadcast %rsqrt3A_130 : vector<1024x1xf32> to vector<1024x128xf32>
    %mul3A_132 = arith.mulf %get3A_122, %mul3A_131 : vector<1024x128xf32>
    %broadcast_in_dim3A_133 = arith.constant 0.000000e+00 : f32
    %broadcast_in_dim3A_134 = vector.broadcast %broadcast_in_dim3A_133 : f32 to vector<1024x128xf32>
    %get3A_135 = arith.constant 0 : index
    %get3A_136 = arith.constant 0 : index
    %get3A_137 = vector.load %arg11[%get3A_135, %get3A_136] : memref<1024x128xf32, #tpu.memory_space<vmem>>, vector<1024x128xf32>
    %get3A_138 = arith.constant 0 : index
    %get3A_139 = arith.constant 0 : index
    %get3A_140 = vector.load %arg12[%get3A_138, %get3A_139] : memref<1024x128xf32, #tpu.memory_space<vmem>>, vector<1024x128xf32>
    %get3A_141 = arith.constant 0 : index
    %get3A_142 = arith.constant 0 : index
    %get3A_143 = vector.load %arg13[%get3A_141, %get3A_142] : memref<1024x128xf32, #tpu.memory_space<vmem>>, vector<1024x128xf32>
    %broadcast_in_dim3A_144 = vector.shape_cast %and3A_36 : vector<1024x1xi1> to vector<1024x1xi1>
    %broadcast_in_dim3A_145 = vector.broadcast %broadcast_in_dim3A_144 : vector<1024x1xi1> to vector<1024x128xi1>
    %select_n3A_146 = arith.select %broadcast_in_dim3A_145, %get3A_143, %broadcast_in_dim3A_134 : vector<1024x128xi1>, vector<1024x128xf32>
    %broadcast_in_dim3A_147 = vector.shape_cast %and3A_23 : vector<1024x1xi1> to vector<1024x1xi1>
    %broadcast_in_dim3A_148 = vector.broadcast %broadcast_in_dim3A_147 : vector<1024x1xi1> to vector<1024x128xi1>
    %select_n3A_149 = arith.select %broadcast_in_dim3A_148, %get3A_140, %select_n3A_146 : vector<1024x128xi1>, vector<1024x128xf32>
    %broadcast_in_dim3A_150 = vector.shape_cast %and3A : vector<1024x1xi1> to vector<1024x1xi1>
    %broadcast_in_dim3A_151 = vector.broadcast %broadcast_in_dim3A_150 : vector<1024x1xi1> to vector<1024x128xi1>
    %select_n3A_152 = arith.select %broadcast_in_dim3A_151, %get3A_137, %select_n3A_149 : vector<1024x128xi1>, vector<1024x128xf32>
    %mul3A_153 = arith.mulf %select_n3A_152, %select_n3A_152 : vector<1024x128xf32>
    %reduce_sum3A_154 = arith.constant dense<0.000000e+00> : vector<1024xf32>
    %reduce_sum3A_155 = vector.multi_reduction <add>, %mul3A_153, %reduce_sum3A_154 [1] : vector<1024x128xf32> to vector<1024xf32>
    %broadcast_in_dim3A_156 = vector.shape_cast %reduce_sum3A_155 : vector<1024xf32> to vector<1024x1xf32>
    %max3A_157 = arith.constant 1.000000e-24 : f32
    %max3A_158 = vector.broadcast %max3A_157 : f32 to vector<1024x1xf32>
    %max3A_159 = arith.maximumf %broadcast_in_dim3A_156, %max3A_158 : vector<1024x1xf32>
    %rsqrt3A_160 = math.rsqrt %max3A_159 : vector<1024x1xf32>
    %mul3A_161 = vector.broadcast %rsqrt3A_160 : vector<1024x1xf32> to vector<1024x128xf32>
    %mul3A_162 = arith.mulf %select_n3A_152, %mul3A_161 : vector<1024x128xf32>
    %add3A_163 = arith.addf %mul3A_132, %mul3A_162 : vector<1024x128xf32>
    %mul3A_164 = arith.mulf %add3A_75, %add3A_75 : vector<1024x128xf32>
    %reduce_sum3A_165 = arith.constant dense<0.000000e+00> : vector<1024xf32>
    %reduce_sum3A_166 = vector.multi_reduction <add>, %mul3A_164, %reduce_sum3A_165 [1] : vector<1024x128xf32> to vector<1024xf32>
    %broadcast_in_dim3A_167 = vector.shape_cast %reduce_sum3A_166 : vector<1024xf32> to vector<1024x1xf32>
    %max3A_168 = arith.constant 1.000000e-24 : f32
    %max3A_169 = vector.broadcast %max3A_168 : f32 to vector<1024x1xf32>
    %max3A_170 = arith.maximumf %broadcast_in_dim3A_167, %max3A_169 : vector<1024x1xf32>
    %rsqrt3A_171 = math.rsqrt %max3A_170 : vector<1024x1xf32>
    %mul3A_172 = vector.broadcast %rsqrt3A_171 : vector<1024x1xf32> to vector<1024x128xf32>
    %mul3A_173 = arith.mulf %add3A_75, %mul3A_172 : vector<1024x128xf32>
    %mul3A_174 = arith.mulf %add3A_163, %add3A_163 : vector<1024x128xf32>
    %reduce_sum3A_175 = arith.constant dense<0.000000e+00> : vector<1024xf32>
    %reduce_sum3A_176 = vector.multi_reduction <add>, %mul3A_174, %reduce_sum3A_175 [1] : vector<1024x128xf32> to vector<1024xf32>
    %broadcast_in_dim3A_177 = vector.shape_cast %reduce_sum3A_176 : vector<1024xf32> to vector<1024x1xf32>
    %max3A_178 = arith.constant 1.000000e-24 : f32
    %max3A_179 = vector.broadcast %max3A_178 : f32 to vector<1024x1xf32>
    %max3A_180 = arith.maximumf %broadcast_in_dim3A_177, %max3A_179 : vector<1024x1xf32>
    %rsqrt3A_181 = math.rsqrt %max3A_180 : vector<1024x1xf32>
    %mul3A_182 = vector.broadcast %rsqrt3A_181 : vector<1024x1xf32> to vector<1024x128xf32>
    %mul3A_183 = arith.mulf %add3A_163, %mul3A_182 : vector<1024x128xf32>
    %add3A_184 = arith.addf %mul3A_173, %mul3A_183 : vector<1024x128xf32>
    %mul3A_185 = arith.mulf %add3A_119, %add3A_119 : vector<1024x128xf32>
    %reduce_sum3A_186 = arith.constant dense<0.000000e+00> : vector<1024xf32>
    %reduce_sum3A_187 = vector.multi_reduction <add>, %mul3A_185, %reduce_sum3A_186 [1] : vector<1024x128xf32> to vector<1024xf32>
    %broadcast_in_dim3A_188 = vector.shape_cast %reduce_sum3A_187 : vector<1024xf32> to vector<1024x1xf32>
    %max3A_189 = arith.constant 1.000000e-24 : f32
    %max3A_190 = vector.broadcast %max3A_189 : f32 to vector<1024x1xf32>
    %max3A_191 = arith.maximumf %broadcast_in_dim3A_188, %max3A_190 : vector<1024x1xf32>
    %rsqrt3A_192 = math.rsqrt %max3A_191 : vector<1024x1xf32>
    %mul3A_193 = vector.broadcast %rsqrt3A_192 : vector<1024x1xf32> to vector<1024x128xf32>
    %mul3A_194 = arith.mulf %add3A_119, %mul3A_193 : vector<1024x128xf32>
    %sub3A = arith.subf %add3A_184, %mul3A_194 : vector<1024x128xf32>
    %mul3A_195 = arith.mulf %sub3A, %sub3A : vector<1024x128xf32>
    %reduce_sum3A_196 = arith.constant dense<0.000000e+00> : vector<1024xf32>
    %reduce_sum3A_197 = vector.multi_reduction <add>, %mul3A_195, %reduce_sum3A_196 [1] : vector<1024x128xf32> to vector<1024xf32>
    %broadcast_in_dim3A_198 = vector.shape_cast %reduce_sum3A_197 : vector<1024xf32> to vector<1024x1xf32>
    %sqrt3A = math.sqrt %broadcast_in_dim3A_198 : vector<1024x1xf32>
    %swap3A = arith.constant 0 : index
    %swap3A_199 = arith.constant 0 : index
    %swap3A_200 = vector.load %arg14[%swap3A, %swap3A_199] : memref<1024x1xf32, #tpu.memory_space<vmem>>, vector<1024x1xf32>
    tpu.vector_store %arg14[%swap3A, %swap3A_199], %sqrt3A {strides = array<i32>} : memref<1024x1xf32, #tpu.memory_space<vmem>>, vector<1024x1xf32>,
    return
  }
  func.func @transform_0(%arg0: i32) -> (i32, i32) {
    %c0_i32 = arith.constant 0 : i32
    %c0_i32_0 = arith.constant 0 : i32
    %c0_i32_1 = arith.constant 0 : i32
    return %c0_i32, %c0_i32_0 : i32, i32
  }
  func.func @transform_1(%arg0: i32) -> (i32, i32) {
    %c0_i32 = arith.constant 0 : i32
    %c0_i32_0 = arith.constant 0 : i32
    return %arg0, %c0_i32 : i32, i32
  }
  func.func @transform_2(%arg0: i32) -> (i32, i32) {
    %c0_i32 = arith.constant 0 : i32
    %c0_i32_0 = arith.constant 0 : i32
    return %arg0, %c0_i32 : i32, i32
  }
  func.func @transform_3(%arg0: i32) -> (i32, i32) {
    %c0_i32 = arith.constant 0 : i32
    %c0_i32_0 = arith.constant 0 : i32
    return %arg0, %c0_i32 : i32, i32
  }
  func.func @transform_4(%arg0: i32) -> (i32, i32) {
    %c0_i32 = arith.constant 0 : i32
    %c0_i32_0 = arith.constant 0 : i32
    return %arg0, %c0_i32 : i32, i32
  }
  func.func @transform_5(%arg0: i32) -> (i32, i32) {
    %c0_i32 = arith.constant 0 : i32
    %c0_i32_0 = arith.constant 0 : i32
    return %arg0, %c0_i32 : i32, i32
  }
  func.func @transform_6(%arg0: i32) -> (i32, i32) {
    %c0_i32 = arith.constant 0 : i32
    %c0_i32_0 = arith.constant 0 : i32
    return %arg0, %c0_i32 : i32, i32
  }
  func.func @transform_7(%arg0: i32) -> (i32, i32) {
    %c0_i32 = arith.constant 0 : i32
    %c0_i32_0 = arith.constant 0 : i32
    return %arg0, %c0_i32 : i32, i32
  }
  func.func @transform_8(%arg0: i32) -> (i32, i32) {
    %c0_i32 = arith.constant 0 : i32
    %c0_i32_0 = arith.constant 0 : i32
    return %arg0, %c0_i32 : i32, i32
  }
  func.func @transform_9(%arg0: i32) -> (i32, i32) {
    %c0_i32 = arith.constant 0 : i32
    %c0_i32_0 = arith.constant 0 : i32
    return %arg0, %c0_i32 : i32, i32
  }
  func.func @transform_10(%arg0: i32) -> (i32, i32) {
    %c0_i32 = arith.constant 0 : i32
    %c0_i32_0 = arith.constant 0 : i32
    return %arg0, %c0_i32 : i32, i32
  }
  func.func @transform_11(%arg0: i32) -> (i32, i32) {
    %c0_i32 = arith.constant 0 : i32
    %c0_i32_0 = arith.constant 0 : i32
    return %arg0, %c0_i32 : i32, i32
  }
  func.func @transform_12(%arg0: i32) -> (i32, i32) {
    %c0_i32 = arith.constant 0 : i32
    %c0_i32_0 = arith.constant 0 : i32
    return %arg0, %c0_i32 : i32, i32
  }
  func.func @transform_13(%arg0: i32) -> (i32, i32) {
    %c0_i32 = arith.constant 0 : i32
    %c0_i32_0 = arith.constant 0 : i32
    return %arg0, %c0_i32 : i32, i32
  }
}

</mosaic_0001>

<sc_bundles>
// kernel: gather_offload_async_start
scs
__scs_entry_jumppad:
0x0: {  	(pc) =	sbr.rel $0x88, $3  }
0x1: {  	(tag) =	ssettag $0x0;
	lr =	simm.s32 $0x1  }
0x2: {  	[smem:$0x3F91] =	sst lr;
	_ =	strace $0xD0000000  }
0x3: {  	_ = 	snop  }
0x4: {  	_ = 	snop  }
0x5: {  	_ = 	snop  }
0x6: {  	_ = 	snop  }
0x7: {  	_ = 	snop  }
__scs_overlays_trampoline_lowered:
0x8: {  	[smem:$0x3FA0] =	sst s0  }
0x9: {  	[smem:$0x3FA1] =	sst s1  }
0xa: {  	[smem:$0x3FA2] =	sst s2  }
0xb: {  	[smem:$0x3FA3] =	sst s3  }
0xc: {  	[smem:$0x3FA4] =	sst s4  }
0xd: {  	[smem:$0x3FA5] =	sst s5  }
0xe: {  	[smem:$0x3FA6] =	sst s6  }
0xf: {  	[smem:$0x3FA7] =	sst s7  }
0x10: {  	[smem:$0x3FA8] =	sst s8  }
0x11: {  	[smem:$0x3FA9] =	sst s9;
	s0 =	simm.s32 @!p0 $0x0  }
0x12: {  	s1 =	sld [smem:$0x3F8F];
	s0 =	simm.s32 @p0 $0x1  }
0x13: {  	[smem:$0x3FAA] =	sst s0;
	s0 =	simm.s32 @!p1 $0x0  }
0x14: {  	s2 =	sld [smem:$0x3F8E];
	s0 =	simm.s32 @p1 $0x1  }
0x15: {  	[smem:$0x3FAB] =	sst s0;
	s0 =	simm.s32 @!p2 $0x0  }
0x16: {  	s3 =	sld [smem:$0x3FDB];
	s0 =	simm.s32 @p2 $0x1  }
0x17: {  	s4 =	simm.s32 $0x1BF5;
	[smem:$0x3FAD] =	sst s0  }
0x18: {  	s0 =	sld [smem:$0x3F90];
	_ =	swait.ge [sflag:s4], $0x0  }
0x19: {  	s7 =	sld [smem:$0x3F91]  }
0x1a: {  	s8 =	sadd.s32 $0xFFFFE003, lr  }
0x1b: {  	s9 =	sadd.s32 $0xFFFFFEF7, lr;
	s5 =	simm.s32 $0xFFFFFFFF;
	p2 =	slt.u32 s8, $0xFFFFF086  }
0x1c: {  	p1 =	slt.u32 s9, $0xF7A;
	s5 =	simm.s32 @!p2 $0x0  }
0x1d: {  	s5 =	simm.s32 @p1 $0x1;
	p0 =	seq.s32 s7, s2  }
0x1e: {  	s7 =	smul.u32 @!p0 $0xF7A, s2;
	p2 =	seq.s32 @!p0 s5, $0x0  }
0x1f: {  	s9 =	smul.u32 $0xF7A, s1;
	s8 =	simm.s32 @!p0 $0x1BF5;
	p2 =	por !p2, p0  }
0x20: {  	[sflag:s8] =	ssyncset.s32 @!p0 $0xFFFFF086;
	s6 =	sadd.s32 @!p0 s3, s7;
	s7 =	simm.s32 @!p0 $0x108  }
0x21: {  	s3 =	sadd.s32 s3, s9;
	s6 =	sadd.s32 @!p0 $0x88, s6;
	s7 =	simm.s32 @p2 $0x1082  }
0x22: {  	[simem:s7], [sflag:s8] =	dma.local @!p0 [hbm:s6], $0xF7A  }
0x23: {  	s9 =	sor.u32 $0xD0000000, s2;
	s6 =	simm.s32 $0x108;
	_ =	swait.ge @!p0 [sflag:s8], $0x0  }
0x24: {  	s3 =	sadd.s32 $0x88, s3;
	s6 =	simm.s32 @!p1 $0x1082;
	[sflag:s4] =	ssyncset.s32 $0xFFFFF086  }
0x25: {  	[simem:s6], [sflag:s4] =	dma.local [hbm:s3], $0xF7A  }
0x26: {  	[smem:$0x3F91] =	sst s1;
	(tag) =	ssettag s2;
	_ =	strace s9  }
0x27: {  	s1 =	sld [smem:$0x3FA1]  }
0x28: {  	s2 =	sld [smem:$0x3FA2]  }
0x29: {  	s4 =	sld [smem:$0x3FA4]  }
0x2a: {  	p0 =	seq.s32 s5, $0x0;
	s5 =	sld [smem:$0x3FA5]  }
0x2b: {  	s6 =	sld [smem:$0x3FA6]  }
0x2c: {  	s7 =	sld [smem:$0x3FA7]  }
0x2d: {  	s3 =	simm.s32 $0x108;
	s8 =	sld [smem:$0x3FA8]  }
0x2e: {  	s3 =	simm.s32 @!p0 $0x1082;
	s9 =	sld [smem:$0x3FA9]  }
0x2f: {  	lr =	sadd.s32 s0, s3;
	s0 =	sld [smem:$0x3FA0]  }
0x30: {  	s3 =	sld [smem:$0x3FA3]  }
0x31: {  	[smem:$0x3FAC] =	sst s10  }
0x32: {  	s10 =	sld [smem:$0x3FAA];
	_ =	sdelay $0x3  }
0x33: {  	p0 =	seq.s32 s10, $0x1;
	s10 =	sld [smem:$0x3FAC];
	_ =	sdelay $0x3  }
0x34: {  	[smem:$0x3FAC] =	sst s10  }
0x35: {  	s10 =	sld [smem:$0x3FAB];
	_ =	sdelay $0x3  }
0x36: {  	p1 =	seq.s32 s10, $0x1;
	s10 =	sld [smem:$0x3FAC];
	_ =	sdelay $0x3  }
0x37: {  	[smem:$0x3FAC] =	sst s10  }
0x38: {  	s10 =	sld [smem:$0x3FAD]  }
0x39: {  	_ = 	snop;
	(pc) =	sbr.ind lr, $3  }
0x3a: {  	_ = 	snop  }
0x3b: {  	_ = 	snop  }
0x3c: {  	p2 =	seq.s32 s10, $0x1;
	s10 =	sld [smem:$0x3FAC]  }
0x3d: {  	_ =	shalt  }
0x3e: {  	_ =	shalt  }
0x3f: {  	_ =	shalt  }
0x40: {  	_ =	shalt  }
0x41: {  	_ =	shalt  }
0x42: {  	_ =	shalt  }
0x43: {  	_ =	shalt  }
0x44: {  	_ =	shalt  }
0x45: {  	_ =	shalt  }
0x46: {  	_ =	shalt  }
0x47: {  	_ =	shalt  }
0x48: {  	_ =	shalt  }
0x49: {  	_ =	shalt  }
0x4a: {  	_ =	shalt  }
0x4b: {  	_ =	shalt  }
0x4c: {  	_ =	shalt  }
0x4d: {  	_ =	shalt  }
0x4e: {  	_ =	shalt  }
0x4f: {  	_ =	shalt  }
0x50: {  	_ =	shalt  }
0x51: {  	_ =	shalt  }
0x52: {  	_ =	shalt  }
0x53: {  	_ =	shalt  }
0x54: {  	_ =	shalt  }
0x55: {  	_ =	shalt  }
0x56: {  	_ =	shalt  }
0x57: {  	_ =	shalt  }
0x58: {  	_ =	shalt  }
0x59: {  	_ =	shalt  }
0x5a: {  	_ =	shalt  }
0x5b: {  	_ =	shalt  }
0x5c: {  	_ =	shalt  }
0x5d: {  	_ =	shalt  }
0x5e: {  	_ =	shalt  }
0x5f: {  	_ =	shalt  }
0x60: {  	_ =	shalt  }
0x61: {  	_ =	shalt  }
0x62: {  	_ =	shalt  }
0x63: {  	_ =	shalt  }
0x64: {  	_ =	shalt  }
0x65: {  	_ =	shalt  }
0x66: {  	_ =	shalt  }
0x67: {  	_ =	shalt  }
0x68: {  	_ =	shalt  }
0x69: {  	_ =	shalt  }
0x6a: {  	_ =	shalt  }
0x6b: {  	_ =	shalt  }
0x6c: {  	_ =	shalt  }
0x6d: {  	_ =	shalt  }
0x6e: {  	_ =	shalt  }
0x6f: {  	_ =	shalt  }
0x70: {  	_ =	shalt  }
0x71: {  	_ =	shalt  }
0x72: {  	_ =	shalt  }
0x73: {  	_ =	shalt  }
0x74: {  	_ =	shalt  }
0x75: {  	_ =	shalt  }
0x76: {  	_ =	shalt  }
0x77: {  	_ =	shalt  }
0x78: {  	_ =	shalt  }
0x79: {  	_ =	shalt  }
0x7a: {  	_ =	shalt  }
0x7b: {  	_ =	shalt  }
0x7c: {  	_ =	shalt  }
0x7d: {  	_ =	shalt  }
0x7e: {  	_ =	shalt  }
0x7f: {  	_ =	shalt  }
0x80: {  	_ =	shalt  }
0x81: {  	_ =	shalt  }
0x82: {  	_ =	shalt  }
0x83: {  	_ =	shalt  }
0x84: {  	_ =	shalt  }
0x85: {  	_ =	shalt  }
0x86: {  	_ =	shalt  }
0x87: {  	_ =	shalt  }
.Lfunc_end0:
.L_simem_size_0:
called_computation_lowered:
.L_overlay_start_0:
0x88: {  	s2 =	sld [smem:$0x3FD9]  }
0x89: {  	s3 =	sld [smem:$0x3FFE];
	_ =	sdelay $0x1  }
0x8a: {  	s1 =	srdreg.scid  }
0x8b: {  	s0 =	sand.u32 $0x1, s1  }
0x8c: {  	s16 =	sshll.u32 s0, $0xA;
	s2 =	sadd.s32 s3, s2  }
0x8d: {  	s2 =	sadd.s32 s2, s16  }
0x8e: {  	[smem:$0x3FB8] =	sst s2  }
0x8f: {  	_ = 	snop  }
0x90: {  	(tm) =	ssettm $0x1  }
0x91: {  	s17 =	sld [smem:$0x3FFB];
	_ =	sdelay $0x3  }
0x92: {  	_ =	strace s17  }
0x93: {  	s2 =	sld [smem:$0x3FFC];
	_ =	sdelay $0x3  }
0x94: {  	_ =	strace s2  }
0x95: {  	s2 =	sld [smem:$0x3FFD];
	_ =	sdelay $0x3  }
0x96: {  	_ =	strace s2  }
0x97: {  	_ =	strace $0x8FFFFFFF  }
0x98: {  	s18 =	sld [smem:$0x3FDB];
	_ =	sdelay $0x1  }
0x99: {  	s19 =	simm.s32 $_scs_section_size  }
0x9a: {  	s4 =	simm.s32 $_size__tile_overlayer_lowered;
	s5 =	simm.s32 $_tile_overlayer_lowered  }
0x9b: {  	s22 =	simm.s32 $0x1BFF;
	s21 =	sshll.u32 s5, $0x1;
	s2 =	sadd.s32 s19, s18  }
0x9c: {  	s6 =	simm.s32 $0x0;
	s20 =	sshll.u32 s4, $0x1;
	s4 =	sadd.s32 s21, s2  }
0x9d: {  	[timem:s6], [sflag:s22] =	dma.local [hbm:s4], s20  }
0x9e: {  	_ =	swait.ge [sflag:s22], s20  }
0x9f: {  	s3 =	ssub.s32 $0x0, s20;
	[sflag:s22] =	ssyncset.done $0x0  }
0xa0: {  	[sflag:s22] =	ssyncadd.s32 s3;
	_ =	sdelay $0x1  }
0xa1: {  	s23 =	simm.s32 $0x1B8B  }
0xa2: {  	_ =	swait.ge [sflag:s23], $0x1  }
0xa3: {  	[sflag:s23] =	ssyncset.done $0x0  }
0xa4: {  	s25 =	simm.s32 $0x1B8E;
	s24 =	sld [smem:$0x3FFE];
	[sflag:s23] =	ssyncadd.s32 $0xFFFFFFFF  }
0xa5: {  	s26 =	simm.s32 $execute0_lowered;
	[smem:$0x3FD2] =	sst s25  }
0xa6: {  	s4 =	sshll.u32 s26, $0x1;
	_ =	strace $0x80000049;
	[dreg:$0x1] =	wrdreg $0xFFFFFFFF  }
0xa7: {  	s28 =	simm.s32 $_size_execute0_lowered;
	s2 =	sadd.s32 s2, s4;
	[dreg:$0x0] =	wrdreg $0x0  }
0xa8: {  	s4 =	sshll.u32 s28, $0x1;
	[dreg:$0x2] =	wrdreg s2  }
0xa9: {  	[dreg:$0x3] =	wrdreg s4  }
0xaa: {  	[dreg:$0x4] =	wrdreg $0xC0  }
0xab: {  	_ =	task [dreg:s6], $0x5FFFF  }
0xac: {  	[dreg:$0x1] =	wrdreg $0xFFFFFFFF  }
0xad: {  	[dreg:$0x0] =	wrdreg $0x60  }
0xae: {  	[dreg:$0x2] =	wrdreg s24  }
0xaf: {  	[dreg:$0x3] =	wrdreg $0x9  }
0xb0: {  	_ =	task.clear_ibuf [dreg:s6], $0x4FFFF;
	_ =	strace $0x90000049  }
0xb1: {  	s29 =	simm.s32 $0x9;
	_ =	strace $0x8000004B  }
0xb2: {  	_ =	swait.ge [sflag:s29], $0x1  }
0xb3: {  	[sflag:s29] =	ssyncadd.s32 $0xFFFFFFFF  }
0xb4: {  	_ =	strace $0x9000004B  }
0xb5: {  	_ =	sfence  }
0xb6: {  	s30 =	sld [smem:$0x0];
	_ =	sdelay $0x2  }
0xb7: {  	s31 =	sshll.u32 s1, $0xD;
	s1 =	sshrl.u32 s1, $0x2  }
0xb8: {  	s3 =	sand.u32 $0x4000, s31;
	s1 =	sadd.s32 s1, s30  }
0xb9: {  	s0 =	sor.u32 s3, s0;
	s1 =	sshll.u32 s1, $0x11  }
0xba: {  	s0 =	sor.u32 s1, s0  }
0xbb: {  	s0 =	sadd.s32 $0x8F2B, s0  }
0xbc: {  	[sflag:s0] =	ssyncadd.remote.s32 $0x1  }
0xbd: {  	_ =	sfence.sel $0xFFFF  }
0xbe: {  	[dreg:$0x0] =	wrdreg $0xFFFFFFFF;
	(pc) =	sbr.abs _section_cstart, $3  }
0xbf: {  	[dreg:$0x1] =	wrdreg $0xFFFFFFFF  }
0xc0: {  	_ =	task.clear_ibuf [dreg:s6], $0x2FFFF;
	_ =	strace $0x9FFFFFFF  }
0xc1: {  	(tm) =	ssettm $0x7FFFFFFF  }
tec
execute0_lowered:
.L_overlay_start_1:
0x0: {  	(tag) =	ssettag $0x1  }
0x1: {  	s0 =	srdreg.scid  }
0x2: {  	s2 =	rddreg [dreg:$0x0];
	s1 =	stileid.u32;
	s6 =	simm.s32 $0x1  }
0x3: {  	s9 =	simm.s32 $0x1;
	s10 =	simm.s32 $0x3;
	s3 =	sshll.u32 s0, $0x7  }
0x4: {  	s13 =	simm.s32 $0x0;
	s4 =	sshll.u32 s1, $0x8;
	s3 =	sand.u32 $0x80, s3  }
0x5: {  	s12 =	simm.s32 $0x0;
	s0 =	rddreg [dreg:$0x1];
	s3 =	sor.u32 s4, s3  }
0x6: {  	_ =	strace $0x8000004A;
	s5 =	sadd.s32 $0x400, s2;
	s8 =	ssub.s32 $0x2000, s3  }
.Ltmp0:
0x7: {  	[sflag:s6] =	ssyncpa.u1 $0x0;
	s7 =	sand.u32 $0xF80, s8;
	(pc) =	sbr.rel .LBB2_1-.Ltmp0, $4  }
0x8: {  	s4 =	sadd.s32 $0x181A00, s2;
	s11 =	smov.u32 s3;
	p0 =	sne.s32 s7, $0x0  }
0x9: {  	s8 =	sshrl.u32 s8, $0xC;
	s7 =	simm.s32 $0x2;
	s9 =	simm.s32 @!p0 $0x0  }
0xa: {  	[sflag:s7] =	ssyncpa.u1 $0x0;
	p0 =	por $0x0, $0x0;
	s8 =	sadd.s32 s9, s8  }
0xb: {  	vm0 =	vmmov $0xffff;
	[sflag:s10] =	ssyncpa.u1 $0x0;
	s10 =	simm.s32 $0x0;
	s9 =	sadd.s32 $0x1, s8  }
.LBB2_4:
0xc: {  	v2 =	vnsel vm1, $0x0, v2  }
0xd: {  	vm1 =	vgt.s32 v0, $0x0;
	v2 =	vmin.u32 v2, $0x1FFF  }
0xe: {  	v0 =	vnsel vm1, $0x0, v0  }
0xf: {  	v0 =	vmin.u32 v0, $0x1FFF  }
0x10: {  	[tilespmem:s15], [sflag:$0x1] =	stream.indirect_vreg.gather [hbm4b:s2+s10], $0x1, v1, vm0, $0x4038;
	[tilespmem:$0x200] =	vst v63  }
0x11: {  	(ifvalue) =	ssetifvalue $0x7FFFFFFF  }
0x12: {  	[tilespmem:s16], [sflag:$0x1] =	stream.indirect_vreg.gather [hbm4b:s2+s10], $0x1, v2, vm0, $0x4038;
	[tilespmem:$0x200] =	vst v63  }
0x13: {  	s29 =	sadd.s32 $0x10, s16;
	(ifvalue) =	ssetifvalue $0x7FFFFFFF  }
0x14: {  	[tilespmem:s29], [sflag:$0x1] =	stream.indirect_vreg.gather [hbm4b:s2+s10], $0x1, v0, vm0, $0x4038;
	[tilespmem:$0x200] =	vst v63  }
0x15: {  	_ =	swait.ge [sflag:s6], $0x80  }
0x16: {  	s30 =	sshrl.u32 s13, $0x3;
	[sflag:s6] =	ssyncset.done $0x0  }
0x17: {  	s31 =	sand.u32 $0x7, s13;
	s15 =	sadd.s32 s5, s30;
	[sflag:s6] =	ssyncadd.s32 $0xFFFFFF80  }
0x18: {  	[hbm4b:s15+s31] =	stream.linear.scatter [tilespmem:s14], [sflag:$0x3], $0x80, $0x38;
	[tilespmem:$0x200] =	vst v63  }
.LBB2_5:
0x19: {  	s15 =	sadd.s32 $0x1000, s11  }
0x1a: {  	p2 =	sgt.s32 s15, $0x1FFF  }
0x1b: {  	s15 =	smov.u32 @p2 s3;
	p2 =	sne.s32 s12, s9  }
.Ltmp1:
0x1c: {  	p1 =	slt.u32 s12, $0x2;
	(pc) =	sbr.rel @!p2 .LBB2_6-.Ltmp1, $4  }
0x1d: {  	s14 =	simm.s32 @!p1 $0x3  }
0x1e: {  	s16 =	sadd.s32 $0x1, s12;
	_ =	swait.ge @!p1 [sflag:s14], $0x80  }
0x1f: {  	s13 =	smov.u32 s11;
	p0 =	por !p0, !p0;
	[sflag:s14] =	ssyncset.done @!p1 $0x0  }
0x20: {  	s12 =	smov.u32 s16;
	s11 =	smov.u32 s15;
	[sflag:s14] =	ssyncadd.s32 @!p1 $0xFFFFFF80  }
.LBB2_1:
0x21: {  	p1 =	sge.u32 s12, s8  }
0x22: {  	s14 =	sxor.u32 @!p1 $0xFFFFFFFF, s12  }
0x23: {  	s31 =	sadd.s32 $0xFFFFFFFF, s12;
	s15 =	sshrl.u32 @!p1 s11, $0x3;
	s14 =	sshll.u32 @!p1 s14, $0x7  }
0x24: {  	s16 =	sand.u32 @!p1 $0x7, s11;
	s15 =	sadd.s32 @!p1 s4, s15;
	s14 =	sand.u32 @!p1 $0x80, s14  }
0x25: {  	[tilespmem:s14], [sflag:$0x2] =	stream.linear.gather @!p1 [hbm4b:s15+s16], $0x80, $0x38;
	[tilespmem:$0x200] =	vst v63  }
0x26: {  	p1 =	sge.u32 s31, s8  }
.Ltmp2:
0x27: {  	_ = 	snop;
	(pc) =	sbr.rel @p1 .LBB2_5-.Ltmp2, $1  }
0x28: {  	_ =	sdelay $0x3  }
0x29: {  	s14 =	simm.s32 $0x1  }
0x2a: {  	_ =	swait.ge [sflag:s7], $0x80;
	s14 =	simm.s32 @!p0 $0x0  }
0x2b: {  	[sflag:s7] =	ssyncset.done $0x0;
	s14 =	sshll.u32 s14, $0x7  }
0x2c: {  	[sflag:s7] =	ssyncadd.s32 $0xFFFFFF80;
	(ifvalue) =	ssetifvalue $0x7FFFFFFF;
	v0 =	vld.msk [tilespmem:s14+$0x0 ss:$0x1], $0xffff;
	_ =	sdelay $0x4  }
0x2d: {  	s15 =	sadd.s32 $0x10, s14;
	vm1 =	vgt.s32 v0, $0x0  }
0x2e: {  	v2 =	vld.msk [tilespmem:s15+$0x0 ss:$0x1], $0xffff;
	v1 =	vnsel vm1, $0x0, v0  }
0x2f: {  	v1 =	vmin.u32 v1, $0x1FFF;
	_ =	sdelay $0x1  }
0x30: {  	s16 =	sshll.u32 s12, $0x7;
	s18 =	simm.s32 $0x20  }
0x31: {  	s16 =	sand.u32 $0x80, s16;
	s17 =	sadd.s32 $0x10, s15;
	s15 =	sor.u32 $0x100, s14  }
0x32: {  	s14 =	sor.u32 $0x100, s16;
	s16 =	sadd.s32 $0x10, s15;
	v0 =	vld.msk [tilespmem:s17+$0x0 ss:$0x1], $0xffff;
	vm1 =	vgt.s32 v2, $0x0;
	(ifvalue) =	ssetifvalue $0x7FFFFFFF  }
.LBB2_3:
0x33: {  	[tilespmem:s15], [sflag:$0x1] =	stream.indirect_vreg.gather [hbm4b:s2+s10], $0x1, v1, vm0, $0x4038;
	[tilespmem:$0x200] =	vst v63  }
0x34: {  	s18 =	sadd.s32 $0x10, s18  }
0x35: {  	v2 =	vnsel vm1, $0x0, v2;
	p1 =	slt.u32 s18, $0x70  }
.Ltmp3:
0x36: {  	s15 =	smov.u32 s16;
	v1 =	vmin.u32 v2, $0x1FFF;
	(pc) =	sbr.rel @p1 .LBB2_3-.Ltmp3, $3  }
0x37: {  	_ =	sdelay $0x1  }
0x38: {  	s17 =	sadd.s32 $0x10, s17  }
0x39: {  	vm1 =	vgt.s32 v0, $0x0;
	s16 =	sadd.s32 $0x10, s16;
	v2 =	vmov v0;
	(ifvalue) =	ssetifvalue $0x7FFFFFFF;
	v0 =	vld.msk [tilespmem:s17+$0x0 ss:$0x1], $0xffff  }
.Ltmp4:
0x3a: {  	_ = 	snop;
	(pc) =	sbr.rel .LBB2_4-.Ltmp4, $1  }
0x3b: {  	_ =	sdelay $0x3  }
.LBB2_6:
0x3c: {  	_ =	sfence.sel $0x180000  }
0x3d: {  	s2 =	simm.s32 $0x2;
	[bflag:$0x0] =	sbarrier.arrive $0xFFFF  }
0x3e: {  	s30 =	simm.s32 $0x3;
	[sflag:s2] =	ssyncpa.u1 $0x1  }
0x3f: {  	s31 =	simm.s32 $0x1;
	[sflag:s30] =	ssyncpa.u1 $0x1  }
0x40: {  	[sflag:s31] =	ssyncpa.u1 $0x1  }
0x41: {  	p0 =	sne.s32 s1, $0x0;
	_ =	strace $0x9000004A  }
0x42: {  	s0 =	sadd.s32 @!p0 $0x100000, s0;
	[bflag:$0x2] =	sbarrier.arrive $0xFFFF  }
0x43: {  	[sflag:s0] =	ssyncadd.tile.s32 @!p0 $0x1;
	_ =	shalt  }
.Lfunc_end2:
_tile_overlayer_lowered:
.L_overlay_start_2:
0x44: {  	(tag) =	ssettag $0x2  }
0x45: {  	s0 =	rddreg [dreg:$0x0];
	s2 =	stileid.u32  }
0x46: {  	s1 =	rddreg [dreg:$0x1];
	p0 =	sne.s32 s2, $0x0  }
0x47: {  	s3 =	rddreg [dreg:$0x2];
	[bflag:$0x3] =	sbarrier.arrive $0xFFFF;
	s2 =	simm.s32 @!p0 $0x1C01  }
0x48: {  	[timem:s3], [sflag:s2] =	dma.local @!p0 [hbm:s0], s1  }
0x49: {  	s0 =	simm.s32 @!p0 $0x1  }
0x4a: {  	_ =	swait.ge @!p0 [sflag:s0], s1  }
0x4b: {  	s1 =	ssub.s32 @!p0 $0x0, s1;
	[sflag:s0] =	ssyncset.done @!p0 $0x0  }
0x4c: {  	[sflag:s0] =	ssyncadd.s32 @!p0 s1  }
0x4d: {  	[bflag:$0x3] =	sbarrier.arrive $0xFFFF  }
0x4e: {  	_ =	shalt  }

// kernel: kernel.4.cloned.1.call-start
scs
__scs_entry_jumppad:
0x0: {  	(pc) =	sbr.rel $0x88, $3  }
0x1: {  	(tag) =	ssettag $0x0;
	lr =	simm.s32 $0x1  }
0x2: {  	[smem:$0x3F91] =	sst lr;
	_ =	strace $0xD0000000  }
0x3: {  	_ = 	snop  }
0x4: {  	_ = 	snop  }
0x5: {  	_ = 	snop  }
0x6: {  	_ = 	snop  }
0x7: {  	_ = 	snop  }
__scs_overlays_trampoline_lowered:
0x8: {  	[smem:$0x3FA0] =	sst s0  }
0x9: {  	[smem:$0x3FA1] =	sst s1  }
0xa: {  	[smem:$0x3FA2] =	sst s2  }
0xb: {  	[smem:$0x3FA3] =	sst s3  }
0xc: {  	[smem:$0x3FA4] =	sst s4  }
0xd: {  	[smem:$0x3FA5] =	sst s5  }
0xe: {  	[smem:$0x3FA6] =	sst s6  }
0xf: {  	[smem:$0x3FA7] =	sst s7  }
0x10: {  	[smem:$0x3FA8] =	sst s8  }
0x11: {  	[smem:$0x3FA9] =	sst s9;
	s0 =	simm.s32 @!p0 $0x0  }
0x12: {  	s1 =	sld [smem:$0x3F8F];
	s0 =	simm.s32 @p0 $0x1  }
0x13: {  	[smem:$0x3FAA] =	sst s0;
	s0 =	simm.s32 @!p1 $0x0  }
0x14: {  	s2 =	sld [smem:$0x3F8E];
	s0 =	simm.s32 @p1 $0x1  }
0x15: {  	[smem:$0x3FAB] =	sst s0;
	s0 =	simm.s32 @!p2 $0x0  }
0x16: {  	s3 =	sld [smem:$0x3FDB];
	s0 =	simm.s32 @p2 $0x1  }
0x17: {  	s4 =	simm.s32 $0x1BF5;
	[smem:$0x3FAD] =	sst s0  }
0x18: {  	s0 =	sld [smem:$0x3F90];
	_ =	swait.ge [sflag:s4], $0x0  }
0x19: {  	s7 =	sld [smem:$0x3F91]  }
0x1a: {  	s8 =	sadd.s32 $0xFFFFE003, lr  }
0x1b: {  	s9 =	sadd.s32 $0xFFFFFEF7, lr;
	s5 =	simm.s32 $0xFFFFFFFF;
	p2 =	slt.u32 s8, $0xFFFFF086  }
0x1c: {  	p1 =	slt.u32 s9, $0xF7A;
	s5 =	simm.s32 @!p2 $0x0  }
0x1d: {  	s5 =	simm.s32 @p1 $0x1;
	p0 =	seq.s32 s7, s2  }
0x1e: {  	s7 =	smul.u32 @!p0 $0xF7A, s2;
	p2 =	seq.s32 @!p0 s5, $0x0  }
0x1f: {  	s9 =	smul.u32 $0xF7A, s1;
	s8 =	simm.s32 @!p0 $0x1BF5;
	p2 =	por !p2, p0  }
0x20: {  	[sflag:s8] =	ssyncset.s32 @!p0 $0xFFFFF086;
	s6 =	sadd.s32 @!p0 s3, s7;
	s7 =	simm.s32 @!p0 $0x108  }
0x21: {  	s3 =	sadd.s32 s3, s9;
	s6 =	sadd.s32 @!p0 $0x88, s6;
	s7 =	simm.s32 @p2 $0x1082  }
0x22: {  	[simem:s7], [sflag:s8] =	dma.local @!p0 [hbm:s6], $0xF7A  }
0x23: {  	s9 =	sor.u32 $0xD0000000, s2;
	s6 =	simm.s32 $0x108;
	_ =	swait.ge @!p0 [sflag:s8], $0x0  }
0x24: {  	s3 =	sadd.s32 $0x88, s3;
	s6 =	simm.s32 @!p1 $0x1082;
	[sflag:s4] =	ssyncset.s32 $0xFFFFF086  }
0x25: {  	[simem:s6], [sflag:s4] =	dma.local [hbm:s3], $0xF7A  }
0x26: {  	[smem:$0x3F91] =	sst s1;
	(tag) =	ssettag s2;
	_ =	strace s9  }
0x27: {  	s1 =	sld [smem:$0x3FA1]  }
0x28: {  	s2 =	sld [smem:$0x3FA2]  }
0x29: {  	s4 =	sld [smem:$0x3FA4]  }
0x2a: {  	p0 =	seq.s32 s5, $0x0;
	s5 =	sld [smem:$0x3FA5]  }
0x2b: {  	s6 =	sld [smem:$0x3FA6]  }
0x2c: {  	s7 =	sld [smem:$0x3FA7]  }
0x2d: {  	s3 =	simm.s32 $0x108;
	s8 =	sld [smem:$0x3FA8]  }
0x2e: {  	s3 =	simm.s32 @!p0 $0x1082;
	s9 =	sld [smem:$0x3FA9]  }
0x2f: {  	lr =	sadd.s32 s0, s3;
	s0 =	sld [smem:$0x3FA0]  }
0x30: {  	s3 =	sld [smem:$0x3FA3]  }
0x31: {  	[smem:$0x3FAC] =	sst s10  }
0x32: {  	s10 =	sld [smem:$0x3FAA];
	_ =	sdelay $0x3  }
0x33: {  	p0 =	seq.s32 s10, $0x1;
	s10 =	sld [smem:$0x3FAC];
	_ =	sdelay $0x3  }
0x34: {  	[smem:$0x3FAC] =	sst s10  }
0x35: {  	s10 =	sld [smem:$0x3FAB];
	_ =	sdelay $0x3  }
0x36: {  	p1 =	seq.s32 s10, $0x1;
	s10 =	sld [smem:$0x3FAC];
	_ =	sdelay $0x3  }
0x37: {  	[smem:$0x3FAC] =	sst s10  }
0x38: {  	s10 =	sld [smem:$0x3FAD]  }
0x39: {  	_ = 	snop;
	(pc) =	sbr.ind lr, $3  }
0x3a: {  	_ = 	snop  }
0x3b: {  	_ = 	snop  }
0x3c: {  	p2 =	seq.s32 s10, $0x1;
	s10 =	sld [smem:$0x3FAC]  }
0x3d: {  	_ =	shalt  }
0x3e: {  	_ =	shalt  }
0x3f: {  	_ =	shalt  }
0x40: {  	_ =	shalt  }
0x41: {  	_ =	shalt  }
0x42: {  	_ =	shalt  }
0x43: {  	_ =	shalt  }
0x44: {  	_ =	shalt  }
0x45: {  	_ =	shalt  }
0x46: {  	_ =	shalt  }
0x47: {  	_ =	shalt  }
0x48: {  	_ =	shalt  }
0x49: {  	_ =	shalt  }
0x4a: {  	_ =	shalt  }
0x4b: {  	_ =	shalt  }
0x4c: {  	_ =	shalt  }
0x4d: {  	_ =	shalt  }
0x4e: {  	_ =	shalt  }
0x4f: {  	_ =	shalt  }
0x50: {  	_ =	shalt  }
0x51: {  	_ =	shalt  }
0x52: {  	_ =	shalt  }
0x53: {  	_ =	shalt  }
0x54: {  	_ =	shalt  }
0x55: {  	_ =	shalt  }
0x56: {  	_ =	shalt  }
0x57: {  	_ =	shalt  }
0x58: {  	_ =	shalt  }
0x59: {  	_ =	shalt  }
0x5a: {  	_ =	shalt  }
0x5b: {  	_ =	shalt  }
0x5c: {  	_ =	shalt  }
0x5d: {  	_ =	shalt  }
0x5e: {  	_ =	shalt  }
0x5f: {  	_ =	shalt  }
0x60: {  	_ =	shalt  }
0x61: {  	_ =	shalt  }
0x62: {  	_ =	shalt  }
0x63: {  	_ =	shalt  }
0x64: {  	_ =	shalt  }
0x65: {  	_ =	shalt  }
0x66: {  	_ =	shalt  }
0x67: {  	_ =	shalt  }
0x68: {  	_ =	shalt  }
0x69: {  	_ =	shalt  }
0x6a: {  	_ =	shalt  }
0x6b: {  	_ =	shalt  }
0x6c: {  	_ =	shalt  }
0x6d: {  	_ =	shalt  }
0x6e: {  	_ =	shalt  }
0x6f: {  	_ =	shalt  }
0x70: {  	_ =	shalt  }
0x71: {  	_ =	shalt  }
0x72: {  	_ =	shalt  }
0x73: {  	_ =	shalt  }
0x74: {  	_ =	shalt  }
0x75: {  	_ =	shalt  }
0x76: {  	_ =	shalt  }
0x77: {  	_ =	shalt  }
0x78: {  	_ =	shalt  }
0x79: {  	_ =	shalt  }
0x7a: {  	_ =	shalt  }
0x7b: {  	_ =	shalt  }
0x7c: {  	_ =	shalt  }
0x7d: {  	_ =	shalt  }
0x7e: {  	_ =	shalt  }
0x7f: {  	_ =	shalt  }
0x80: {  	_ =	shalt  }
0x81: {  	_ =	shalt  }
0x82: {  	_ =	shalt  }
0x83: {  	_ =	shalt  }
0x84: {  	_ =	shalt  }
0x85: {  	_ =	shalt  }
0x86: {  	_ =	shalt  }
0x87: {  	_ =	shalt  }
.Lfunc_end0:
.L_simem_size_0:
called_computation.1_lowered:
.L_overlay_start_0:
0x88: {  	s2 =	sld [smem:$0x3FD9]  }
0x89: {  	s3 =	sld [smem:$0x3FFE];
	_ =	sdelay $0x1  }
0x8a: {  	s1 =	srdreg.scid  }
0x8b: {  	s0 =	sand.u32 $0x1, s1  }
0x8c: {  	s17 =	sshll.u32 s0, $0xA;
	s2 =	sadd.s32 s3, s2  }
0x8d: {  	s2 =	sadd.s32 s2, s17  }
0x8e: {  	[smem:$0x3FB8] =	sst s2  }
0x8f: {  	_ = 	snop  }
0x90: {  	s2 =	sld [smem:$0x3FC9]  }
0x91: {  	s18 =	sld [smem:$0x3FC8]  }
0x92: {  	s4 =	sld [smem:$0x3FC7]  }
0x93: {  	s5 =	sld [smem:$0x3FC6]  }
0x94: {  	s6 =	sld [smem:$0x3FC5]  }
0x95: {  	s7 =	sld [smem:$0x3FC4]  }
0x96: {  	s8 =	sld [smem:$0x3FC3]  }
0x97: {  	s9 =	sld [smem:$0x3FC2];
	(tm) =	ssettm $0x1  }
0x98: {  	s10 =	sld [smem:$0x3FFB];
	_ =	sdelay $0x3  }
0x99: {  	_ =	strace s10  }
0x9a: {  	s10 =	sld [smem:$0x3FFC];
	_ =	sdelay $0x3  }
0x9b: {  	_ =	strace s10  }
0x9c: {  	s10 =	sld [smem:$0x3FFD];
	_ =	sdelay $0x3  }
0x9d: {  	_ =	strace s10  }
0x9e: {  	_ =	strace $0x8FFFFFFF  }
0x9f: {  	s19 =	sld [smem:$0x3FDB];
	_ =	sdelay $0x1  }
0xa0: {  	s11 =	simm.s32 $_scs_section_size  }
0xa1: {  	s12 =	simm.s32 $_size__tile_overlayer_lowered;
	s13 =	simm.s32 $_tile_overlayer_lowered  }
0xa2: {  	s22 =	simm.s32 $0x1BFF;
	s21 =	sshll.u32 s13, $0x1;
	s10 =	sadd.s32 s11, s19  }
0xa3: {  	s14 =	simm.s32 $0x0;
	s20 =	sshll.u32 s12, $0x1;
	s12 =	sadd.s32 s21, s10  }
0xa4: {  	[timem:s14], [sflag:s22] =	dma.local [hbm:s12], s20  }
0xa5: {  	_ =	swait.ge [sflag:s22], s20  }
0xa6: {  	s11 =	ssub.s32 $0x0, s20;
	[sflag:s22] =	ssyncset.done $0x0  }
0xa7: {  	[sflag:s22] =	ssyncadd.s32 s11;
	_ =	sdelay $0x1  }
0xa8: {  	s23 =	simm.s32 $0x1B8B  }
0xa9: {  	_ =	swait.ge [sflag:s23], $0x1  }
0xaa: {  	[sflag:s23] =	ssyncset.done $0x0  }
0xab: {  	s25 =	simm.s32 $0x1B8E;
	s24 =	sld [smem:$0x3FFE];
	[sflag:s23] =	ssyncadd.s32 $0xFFFFFFFF  }
0xac: {  	s26 =	simm.s32 $execute0_lowered;
	[smem:$0x3FD2] =	sst s25  }
0xad: {  	s12 =	sshll.u32 s26, $0x1;
	_ =	strace $0x80000046;
	[dreg:$0x1] =	wrdreg $0xFFFFFFFF  }
0xae: {  	s28 =	simm.s32 $_size_execute0_lowered;
	s10 =	sadd.s32 s10, s12;
	[dreg:$0x0] =	wrdreg $0x0  }
0xaf: {  	s12 =	sshll.u32 s28, $0x1;
	[dreg:$0x2] =	wrdreg s10  }
0xb0: {  	[dreg:$0x3] =	wrdreg s12  }
0xb1: {  	[dreg:$0x4] =	wrdreg $0xC0  }
0xb2: {  	_ =	task [dreg:s14], $0x5FFFF  }
0xb3: {  	[dreg:$0x1] =	wrdreg $0xFFFFFFFF  }
0xb4: {  	[dreg:$0x0] =	wrdreg $0x60  }
0xb5: {  	[dreg:$0x2] =	wrdreg s2  }
0xb6: {  	[dreg:$0x3] =	wrdreg s4  }
0xb7: {  	[dreg:$0x4] =	wrdreg s5  }
0xb8: {  	[dreg:$0x5] =	wrdreg s6  }
0xb9: {  	[dreg:$0x6] =	wrdreg s18  }
0xba: {  	[dreg:$0x7] =	wrdreg s7  }
0xbb: {  	[dreg:$0x8] =	wrdreg s8  }
0xbc: {  	[dreg:$0x9] =	wrdreg s9  }
0xbd: {  	[dreg:$0xa] =	wrdreg s24  }
0xbe: {  	[dreg:$0xb] =	wrdreg $0x9  }
0xbf: {  	_ =	task.clear_ibuf [dreg:s14], $0xCFFFF;
	_ =	strace $0x90000046  }
0xc0: {  	s29 =	simm.s32 $0x9;
	_ =	strace $0x80000048  }
0xc1: {  	_ =	swait.ge [sflag:s29], $0x1  }
0xc2: {  	[sflag:s29] =	ssyncadd.s32 $0xFFFFFFFF  }
0xc3: {  	_ =	strace $0x90000048  }
0xc4: {  	_ =	sfence  }
0xc5: {  	s30 =	sld [smem:$0x0];
	_ =	sdelay $0x2  }
0xc6: {  	s31 =	sshll.u32 s1, $0xD;
	s1 =	sshrl.u32 s1, $0x2  }
0xc7: {  	s3 =	sand.u32 $0x4000, s31;
	s1 =	sadd.s32 s1, s30  }
0xc8: {  	s0 =	sor.u32 s3, s0;
	s1 =	sshll.u32 s1, $0x11  }
0xc9: {  	s0 =	sor.u32 s1, s0  }
0xca: {  	s0 =	sadd.s32 $0x8F2B, s0  }
0xcb: {  	[sflag:s0] =	ssyncadd.remote.s32 $0x1  }
0xcc: {  	_ =	sfence.sel $0xFFFF  }
0xcd: {  	[dreg:$0x0] =	wrdreg $0xFFFFFFFF;
	(pc) =	sbr.abs _section_cstart, $3  }
0xce: {  	[dreg:$0x1] =	wrdreg $0xFFFFFFFF  }
0xcf: {  	_ =	task.clear_ibuf [dreg:s14], $0x2FFFF;
	_ =	strace $0x9FFFFFFF  }
0xd0: {  	(tm) =	ssettm $0x7FFFFFFF  }
0xd1: {  	_ =	shalt  }
tec
execute0_lowered:
.L_overlay_start_1:
0x0: {  	(tag) =	ssettag $0x1  }
0x1: {  	s25 =	rddreg [dreg:$0x0]  }
0x2: {  	s24 =	rddreg [dreg:$0x1]  }
0x3: {  	s9 =	rddreg [dreg:$0x2]  }
0x4: {  	s14 =	rddreg [dreg:$0x3]  }
0x5: {  	s0 =	rddreg [dreg:$0x8];
	s19 =	simm.s32 $0x0;
	s2 =	srdreg.scid  }
0x6: {  	s3 =	stileid.u32;
	[smem:$0x7FF] =	sst s19  }
0x7: {  	s1 =	sadd.s32 $0x1200, s0;
	s4 =	sand.u32 $0x1, s2;
	s17 =	sadd.s32 $0x1600, s0  }
0x8: {  	s18 =	sshll.u32 s3, $0x9;
	_ =	strace $0x80000047;
	[dreg:$0xa] =	wrdreg s1  }
0x9: {  	s21 =	sadd.s32 $0x800, s0;
	s22 =	sadd.s32 $0xC00, s0;
	[smem:$0x7FD] =	sst s4  }
0xa: {  	s26 =	sadd.s32 $0x1A00, s0;
	s20 =	sshll.u32 s4, $0x8;
	[dreg:$0xb] =	wrdreg s17  }
0xb: {  	s5 =	sadd.s32 $0x21A00, s0;
	[dreg:$0xc] =	wrdreg s21;
	s8 =	sor.u32 s20, s18  }
0xc: {  	[dreg:$0xd] =	wrdreg s22;
	s2 =	sshrl.u32 s8, $0x3;
	s3 =	sshll.u32 s8, $0x4  }
0xd: {  	s23 =	sadd.s32 s2, s0;
	s31 =	sadd.s32 s26, s3;
	s2 =	rddreg [dreg:$0xd]  }
0xe: {  	s10 =	sadd.s32 $0x41A00, s0;
	s7 =	sadd.s32 s5, s3;
	[dreg:$0xf] =	wrdreg s31  }
0xf: {  	s13 =	sadd.s32 $0x61A00, s0;
	s12 =	sadd.s32 s10, s3;
	[dreg:$0x11] =	wrdreg s7  }
0x10: {  	s17 =	sadd.s32 $0x81A00, s0;
	s16 =	sadd.s32 s13, s3;
	[dreg:$0x13] =	wrdreg s12  }
0x11: {  	s20 =	sor.u32 $0x80, s8;
	s21 =	sadd.s32 s17, s3;
	[dreg:$0x15] =	wrdreg s16  }
0x12: {  	s4 =	sshll.u32 s20, $0x4;
	s1 =	sadd.s32 $0xE00, s23;
	[dreg:$0x17] =	wrdreg s21  }
0x13: {  	s6 =	sadd.s32 s26, s4;
	[dreg:$0xe] =	wrdreg s1  }
0x14: {  	s11 =	sadd.s32 s5, s4;
	[dreg:$0x10] =	wrdreg s6  }
0x15: {  	s15 =	sadd.s32 s10, s4;
	[dreg:$0x12] =	wrdreg s11  }
0x16: {  	s18 =	sadd.s32 s13, s4;
	[dreg:$0x14] =	wrdreg s15  }
0x17: {  	s22 =	sadd.s32 $0xA1A00, s0;
	s23 =	sadd.s32 s17, s4;
	[dreg:$0x16] =	wrdreg s18  }
0x18: {  	s26 =	sadd.s32 s22, s3;
	[dreg:$0x18] =	wrdreg s23  }
0x19: {  	s31 =	sadd.s32 $0xC1A00, s0;
	s5 =	sadd.s32 s22, s4;
	[dreg:$0x19] =	wrdreg s26  }
0x1a: {  	[dreg:$0x1a] =	wrdreg s5;
	s6 =	sadd.s32 s31, s3  }
0x1b: {  	s7 =	sadd.s32 $0xE1A00, s0;
	s10 =	sadd.s32 s31, s4;
	[dreg:$0x1b] =	wrdreg s6  }
0x1c: {  	s11 =	sadd.s32 s7, s3;
	[dreg:$0x1c] =	wrdreg s10  }
0x1d: {  	s12 =	sadd.s32 $0x101A00, s0;
	s13 =	sadd.s32 s7, s4;
	[dreg:$0x1d] =	wrdreg s11  }
0x1e: {  	s15 =	sadd.s32 s12, s3;
	[dreg:$0x1e] =	wrdreg s13  }
0x1f: {  	s16 =	sadd.s32 $0x121A00, s0;
	s17 =	sadd.s32 s12, s4;
	[dreg:$0x1f] =	wrdreg s15  }
0x20: {  	s18 =	sadd.s32 s16, s3;
	[smem:$0x7F6] =	sst s17  }
0x21: {  	s21 =	sadd.s32 $0x141A00, s0;
	s22 =	sadd.s32 s16, s4;
	[smem:$0x7F7] =	sst s18  }
0x22: {  	s23 =	sadd.s32 s21, s3;
	[smem:$0x7F8] =	sst s22  }
0x23: {  	s0 =	sadd.s32 $0x161A00, s0;
	s26 =	sadd.s32 s21, s4;
	[smem:$0x7F9] =	sst s23  }
0x24: {  	s31 =	sadd.s32 s0, s3;
	[smem:$0x7FA] =	sst s26  }
0x25: {  	s0 =	sadd.s32 s0, s4;
	[smem:$0x7FB] =	sst s31  }
0x26: {  	s1 =	simm.s32 $0x10400;
	[smem:$0x7FC] =	sst s0  }
0x27: {  	[smem:$0x7F0] =	sst s1  }
0x28: {  	s3 =	simm.s32 $0x180;
	s4 =	sld [smem:$0x7F0]  }
0x29: {  	s5 =	simm.s32 $0x280;
	[smem:$0x7F4] =	sst s3  }
0x2a: {  	s6 =	simm.s32 $0xA;
	[smem:$0x7F5] =	sst s5  }
0x2b: {  	[tilespmem:s4], [sflag:$0xA] =	stream.linear.gather [hbm4b:s2+s19], $0x80, $0x38;
	[tilespmem:$0x10480] =	vst v63  }
0x2c: {  	_ =	swait.ge [sflag:s6], $0x80  }
0x2d: {  	[sflag:s6] =	ssyncset.done $0x0  }
0x2e: {  	s10 =	simm.s32 $0x300;
	s7 =	rddreg [dreg:$0xe];
	[sflag:s6] =	ssyncadd.s32 $0xFFFFFF80  }
0x2f: {  	[tilespmem:s10], [sflag:$0xA] =	stream.linear.gather [hbm4b:s7+s19], $0x100, $0x38;
	[tilespmem:$0x10480] =	vst v63  }
0x30: {  	_ =	swait.ge [sflag:s6], $0x100  }
0x31: {  	[sflag:s6] =	ssyncset.done $0x0  }
0x32: {  	s23 =	simm.s32 $0x100;
	s11 =	rddreg [dreg:$0xa];
	[sflag:s6] =	ssyncadd.s32 $0xFFFFFF00  }
0x33: {  	[tilespmem:s19], [sflag:$0x1] =	stream.indirect.gather [hbm4b:s11+s23], $0x1, s10, s23, $0xb8;
	[tilespmem:$0x10480] =	vst v63  }
0x34: {  	s12 =	rddreg [dreg:$0xb]  }
0x35: {  	[tilespmem:s23], [sflag:$0x1] =	stream.indirect.gather [hbm4b:s12+s23], $0x1, s10, s23, $0xb8;
	[tilespmem:$0x10480] =	vst v63  }
0x36: {  	s16 =	simm.s32 $0x1;
	s15 =	simm.s32 $0x200;
	s13 =	rddreg [dreg:$0xc]  }
0x37: {  	[tilespmem:s15], [sflag:$0x1] =	stream.indirect.gather [hbm4b:s13+s23], $0x1, s10, s23, $0xb8;
	[tilespmem:$0x10480] =	vst v63  }
0x38: {  	_ =	swait.ge [sflag:s16], $0x100  }
0x39: {  	[sflag:s16] =	ssyncset.done $0x0  }
0x3a: {  	[sflag:s16] =	ssyncadd.s32 $0xFFFFFF00  }
0x3b: {  	_ =	swait.ge [sflag:s16], $0x100  }
0x3c: {  	[sflag:s16] =	ssyncset.done $0x0  }
0x3d: {  	[sflag:s16] =	ssyncadd.s32 $0xFFFFFF00  }
0x3e: {  	_ =	swait.ge [sflag:s16], $0x100  }
0x3f: {  	[sflag:s16] =	ssyncset.done $0x0  }
0x40: {  	[sflag:s16] =	ssyncadd.s32 $0xFFFFFF00  }
0x41: {  	v0 =	vld [tilespmem:$0x10400];
	_ =	sdelay $0x3  }
0x42: {  	vm0 =	vmmov $0x1  }
0x43: {  	vm1 =	vcmask $0x308;
	v1 =	vnsel vm0, $0x0, v0  }
0x44: {  	v2 =	vsel vm1, $0x0, v0;
	v1 =	vxor.u32 $0x80000000, v1  }
0x45: {  	v2 =	vxor.u32 $0x80000000, v2;
	(xrf0) =	vmax.scan.msk.u32 $0xffff, v1  }
0x46: {  	(xrf0) =	vmax.scan.msk.u32 $0xffff, v2;
	_ =	sdelay $0x4  }
0x47: {  	v1, _, _ =	vpop (xrf0)  }
0x48: {  	(v2sf) =	vpush v1, $0xF;
	v60, _, _ =	vpop (xrf0)  }
0x49: {  	vm2 =	vcmask $0x70C;
	(v2sf) =	vpush v60, $0xF  }
0x4a: {  	vm3 =	vcmask $0xB10;
	v61 =	vsel vm2, $0x0, v0  }
0x4b: {  	v0 =	vsel vm3, $0x0, v0;
	v1 =	vxor.u32 $0x80000000, v61  }
0x4c: {  	v0 =	vxor.u32 $0x80000000, v0;
	(xrf0) =	vmax.scan.msk.u32 $0xffff, v1  }
0x4d: {  	(xrf0) =	vmax.scan.msk.u32 $0xffff, v0;
	_ =	sdelay $0x4  }
0x4e: {  	v62, _, _ =	vpop (xrf0)  }
0x4f: {  	s17 =	simm.s32 $0x400;
	s12 =	simm.s32 $0x80;
	(v2sf) =	vpush v62, $0xF;
	v63, _, _ =	vpop (xrf0)  }
0x50: {  	[tilespmem:s17], [sflag:$0x2] =	stream.indirect.gather [hbm4b:s25+s12], $0x80, s19, s12, $0xb8;
	(v2sf) =	vpush v63, $0xF;
	[tilespmem:$0x10480] =	vst v63  }
0x51: {  	s22 =	simm.s32 $0x4400  }
0x52: {  	[tilespmem:s22], [sflag:$0x3] =	stream.indirect.gather [hbm4b:s25+s12], $0x80, s12, s12, $0xb8;
	[tilespmem:$0x10480] =	vst v63  }
0x53: {  	s26 =	spop (v2sf)  }
0x54: {  	s31 =	spop (v2sf)  }
0x55: {  	s0 =	sxor.u32 $0x80000000, s26;
	s1 =	sxor.u32 $0x80000000, s31  }
0x56: {  	p0 =	sgt.s32 s20, s0;
	p1 =	slt.s32 s8, s1  }
0x57: {  	s21 =	sadd.s32 $0x100, s8;
	p0 =	por !p1, !p0  }
0x58: {  	p2 =	sgt.s32 s21, s0;
	p1 =	slt.s32 s20, s1;
	p5 =	por !p0, !p0  }
0x59: {  	p0 =	por !p1, !p2;
	s2 =	simm.s32 @p5 $0x80  }
0x5a: {  	s0 =	simm.s32 @p5 $0x0;
	s3 =	simm.s32 @p5 $0x8400;
	p4 =	por !p0, !p0  }
0x5b: {  	[tilespmem:s3], [sflag:$0x4] =	stream.indirect.gather @p5 [hbm4b:s24+s2], $0x80, s0, s2, $0xb8;
	[tilespmem:$0x10480] =	vst v63  }
0x5c: {  	s0 =	simm.s32 @p4 $0x80;
	s2 =	simm.s32 @p4 $0xC400  }
0x5d: {  	[tilespmem:s2], [sflag:$0x5] =	stream.indirect.gather @p4 [hbm4b:s24+s0], $0x80, s0, s0, $0xb8;
	[tilespmem:$0x10480] =	vst v63  }
0x5e: {  	s0 =	spop (v2sf)  }
0x5f: {  	s18 =	simm.s32 $0x400;
	s6 =	simm.s32 $0x2;
	s7 =	spop (v2sf)  }
0x60: {  	p3 =	sgt.s32 s20, s1;
	s11 =	sxor.u32 $0x80000000, s0;
	_ =	swait.ge [sflag:s6], $0x4000  }
0x61: {  	s3 =	simm.s32 $0x6;
	p6 =	slt.s32 s8, s11;
	[sflag:s6] =	ssyncset.done $0x0  }
0x62: {  	s2 =	rddreg [dreg:$0xf];
	p0 =	por !p6, !p3;
	[sflag:s6] =	ssyncadd.s32 $0xFFFFC000  }
0x63: {  	[hbm4b:s2+s19] =	stream.linear.scatter [tilespmem:s18], [sflag:$0x6], $0x4000, $0x38;
	[tilespmem:$0x10480] =	vst v63  }
0x64: {  	p2 =	por !p0, !p0;
	_ =	swait.ge [sflag:s3], $0x4000  }
0x65: {  	s2 =	simm.s32 @p2 $0x80;
	[sflag:s3] =	ssyncset.done $0x0  }
0x66: {  	s0 =	simm.s32 @p2 $0x0;
	s4 =	simm.s32 @p2 $0x400;
	[sflag:s3] =	ssyncadd.s32 $0xFFFFC000  }
0x67: {  	[tilespmem:s4], [sflag:$0x2] =	stream.indirect.gather @p2 [hbm4b:s9+s2], $0x80, s0, s2, $0xb8;
	[tilespmem:$0x10480] =	vst v63  }
0x68: {  	s2 =	simm.s32 $0x3  }
0x69: {  	s10 =	simm.s32 $0x4400;
	_ =	swait.ge [sflag:s2], $0x4000  }
0x6a: {  	p1 =	sgt.s32 s21, s1;
	p3 =	slt.s32 s20, s11;
	[sflag:s2] =	ssyncset.done $0x0  }
0x6b: {  	s0 =	simm.s32 $0x7;
	s4 =	rddreg [dreg:$0x10];
	[sflag:s2] =	ssyncadd.s32 $0xFFFFC000  }
0x6c: {  	[hbm4b:s4+s19] =	stream.linear.scatter [tilespmem:s10], [sflag:$0x7], $0x4000, $0x38;
	[tilespmem:$0x10480] =	vst v63  }
0x6d: {  	p0 =	por !p3, !p1;
	_ =	swait.ge [sflag:s0], $0x4000  }
0x6e: {  	s13 =	simm.s32 @p5 $0x4;
	p0 =	por !p0, !p0;
	[sflag:s0] =	ssyncset.done $0x0  }
0x6f: {  	s1 =	simm.s32 @p0 $0x80;
	s22 =	simm.s32 @p0 $0x4400;
	[sflag:s0] =	ssyncadd.s32 $0xFFFFC000  }
0x70: {  	[tilespmem:s22], [sflag:$0x3] =	stream.indirect.gather @p0 [hbm4b:s9+s1], $0x80, s1, s1, $0xb8;
	[tilespmem:$0x10480] =	vst v63  }
0x71: {  	s17 =	simm.s32 @p5 $0x8400;
	s5 =	sxor.u32 $0x80000000, s7;
	_ =	swait.ge @p5 [sflag:s13], $0x4000  }
0x72: {  	s16 =	simm.s32 @p5 $0x0;
	p6 =	slt.s32 s8, s5;
	[sflag:s13] =	ssyncset.done @p5 $0x0  }
0x73: {  	p3 =	sgt.s32 s20, s11;
	s1 =	rddreg [dreg:$0x11];
	[sflag:s13] =	ssyncadd.s32 @p5 $0xFFFFC000  }
0x74: {  	[hbm4b:s1+s16] =	stream.linear.scatter @p5 [tilespmem:s17], [sflag:$0x8], $0x4000, $0x38;
	[tilespmem:$0x10480] =	vst v63  }
0x75: {  	p1 =	por !p6, !p3;
	[smem:$0x7F1] =	sst s8;
	s16 =	simm.s32 @p5 $0x8  }
0x76: {  	p1 =	por !p1, !p1;
	_ =	swait.ge @p5 [sflag:s16], $0x4000  }
0x77: {  	s18 =	simm.s32 @p1 $0x0;
	[sflag:s16] =	ssyncset.done @p5 $0x0  }
0x78: {  	s4 =	simm.s32 @p1 $0x80;
	s8 =	simm.s32 @p1 $0x8400;
	[sflag:s16] =	ssyncadd.s32 @p5 $0xFFFFC000  }
0x79: {  	[tilespmem:s8], [sflag:$0x4] =	stream.indirect.gather @p1 [hbm4b:s14+s4], $0x80, s18, s4, $0xb8;
	[tilespmem:$0x10480] =	vst v63  }
0x7a: {  	s15 =	simm.s32 @p4 $0xC400;
	s18 =	simm.s32 @p4 $0x5  }
0x7b: {  	p3 =	sgt.s32 s21, s11;
	p6 =	slt.s32 s20, s5;
	_ =	swait.ge @p4 [sflag:s18], $0x4000  }
0x7c: {  	s7 =	smov.u32 s14;
	p3 =	por !p6, !p3;
	s14 =	rddreg [dreg:$0x12]  }
0x7d: {  	s4 =	simm.s32 @p4 $0x0;
	[sflag:s18] =	ssyncset.done @p4 $0x0;
	[smem:$0x7F2] =	sst s21  }
0x7e: {  	[smem:$0x7F3] =	sst s20;
	s20 =	simm.s32 @p4 $0x9;
	[sflag:s18] =	ssyncadd.s32 @p4 $0xFFFFC000  }
0x7f: {  	[hbm4b:s14+s4] =	stream.linear.scatter @p4 [tilespmem:s15], [sflag:$0x9], $0x4000, $0x38;
	[tilespmem:$0x10480] =	vst v63  }
0x80: {  	p3 =	por !p3, !p3;
	_ =	swait.ge @p4 [sflag:s20], $0x4000  }
0x81: {  	s11 =	simm.s32 @p3 $0xC400;
	[sflag:s20] =	ssyncset.done @p4 $0x0  }
0x82: {  	s1 =	simm.s32 @p3 $0x80;
	s21 =	simm.s32 @p2 $0x2;
	[sflag:s20] =	ssyncadd.s32 @p4 $0xFFFFC000  }
0x83: {  	[tilespmem:s11], [sflag:$0x5] =	stream.indirect.gather @p3 [hbm4b:s7+s1], $0x80, s1, s1, $0xb8;
	[tilespmem:$0x10480] =	vst v63  }
0x84: {  	_ =	swait.ge @p2 [sflag:s21], $0x4000  }
0x85: {  	s26 =	simm.s32 @p2 $0x0;
	s5 =	simm.s32 @p2 $0x400;
	[sflag:s21] =	ssyncset.done @p2 $0x0  }
0x86: {  	s14 =	simm.s32 @p2 $0x6;
	s1 =	rddreg [dreg:$0x13];
	[sflag:s21] =	ssyncadd.s32 @p2 $0xFFFFC000  }
0x87: {  	[hbm4b:s1+s26] =	stream.linear.scatter @p2 [tilespmem:s5], [sflag:$0x6], $0x4000, $0x38;
	[tilespmem:$0x10480] =	vst v63  }
0x88: {  	_ =	swait.ge @p2 [sflag:s14], $0x4000  }
0x89: {  	[sflag:s14] =	ssyncset.done @p2 $0x0  }
0x8a: {  	s4 =	simm.s32 $0x400;
	[sflag:s14] =	ssyncadd.s32 @p2 $0xFFFFC000  }
0x8b: {  	[tilespmem:s4], [sflag:$0x2] =	stream.indirect.gather [hbm4b:s25+s12], $0x80, s23, s12, $0xb8;
	[tilespmem:$0x10480] =	vst v63  }
0x8c: {  	s23 =	simm.s32 @p0 $0x3  }
0x8d: {  	_ =	swait.ge @p0 [sflag:s23], $0x4000  }
0x8e: {  	s28 =	simm.s32 @p0 $0x7;
	[sflag:s23] =	ssyncset.done @p0 $0x0  }
0x8f: {  	s15 =	simm.s32 @p0 $0x0;
	s1 =	rddreg [dreg:$0x14];
	[sflag:s23] =	ssyncadd.s32 @p0 $0xFFFFC000  }
0x90: {  	[hbm4b:s1+s15] =	stream.linear.scatter @p0 [tilespmem:s22], [sflag:$0x7], $0x4000, $0x38;
	[tilespmem:$0x10480] =	vst v63  }
0x91: {  	_ =	swait.ge @p0 [sflag:s28], $0x4000  }
0x92: {  	s15 =	sld [smem:$0x7F4]  }
0x93: {  	[sflag:s28] =	ssyncset.done @p0 $0x0  }
0x94: {  	[sflag:s28] =	ssyncadd.s32 @p0 $0xFFFFC000  }
0x95: {  	[tilespmem:s10], [sflag:$0x3] =	stream.indirect.gather [hbm4b:s25+s12], $0x80, s15, s12, $0xb8;
	[tilespmem:$0x10480] =	vst v63  }
0x96: {  	s25 =	simm.s32 @p1 $0x4  }
0x97: {  	_ =	swait.ge @p1 [sflag:s25], $0x4000  }
0x98: {  	s29 =	simm.s32 @p1 $0x8;
	[sflag:s25] =	ssyncset.done @p1 $0x0  }
0x99: {  	s17 =	simm.s32 @p1 $0x0;
	s1 =	rddreg [dreg:$0x15];
	[sflag:s25] =	ssyncadd.s32 @p1 $0xFFFFC000  }
0x9a: {  	[hbm4b:s1+s17] =	stream.linear.scatter @p1 [tilespmem:s8], [sflag:$0x8], $0x4000, $0x38;
	[tilespmem:$0x10480] =	vst v63  }
0x9b: {  	_ =	swait.ge @p1 [sflag:s29], $0x4000  }
0x9c: {  	s30 =	simm.s32 @p5 $0x80;
	s31 =	simm.s32 @p3 $0x5;
	[sflag:s29] =	ssyncset.done @p1 $0x0  }
0x9d: {  	s15 =	simm.s32 @p5 $0x8400;
	s1 =	simm.s32 @p5 $0x100;
	[sflag:s29] =	ssyncadd.s32 @p1 $0xFFFFC000  }
0x9e: {  	[tilespmem:s15], [sflag:$0x4] =	stream.indirect.gather @p5 [hbm4b:s24+s30], $0x80, s1, s30, $0xb8;
	[tilespmem:$0x10480] =	vst v63  }
0x9f: {  	_ =	swait.ge @p3 [sflag:s31], $0x4000  }
0xa0: {  	[sflag:s31] =	ssyncset.done @p3 $0x0  }
0xa1: {  	s1 =	simm.s32 @p3 $0x0;
	s30 =	rddreg [dreg:$0x16];
	[sflag:s31] =	ssyncadd.s32 @p3 $0xFFFFC000  }
0xa2: {  	[hbm4b:s30+s1] =	stream.linear.scatter @p3 [tilespmem:s11], [sflag:$0x9], $0x4000, $0x38;
	[tilespmem:$0x10480] =	vst v63  }
0xa3: {  	s30 =	simm.s32 @p3 $0x9  }
0xa4: {  	_ =	swait.ge @p3 [sflag:s30], $0x4000  }
0xa5: {  	s26 =	simm.s32 @p4 $0x180;
	[sflag:s30] =	ssyncset.done @p3 $0x0  }
0xa6: {  	s17 =	simm.s32 @p4 $0x80;
	s1 =	simm.s32 @p4 $0xC400;
	[sflag:s30] =	ssyncadd.s32 @p3 $0xFFFFC000  }
0xa7: {  	[tilespmem:s1], [sflag:$0x5] =	stream.indirect.gather @p4 [hbm4b:s24+s17], $0x80, s26, s17, $0xb8;
	[tilespmem:$0x10480] =	vst v63  }
0xa8: {  	_ =	swait.ge [sflag:s6], $0x4000  }
0xa9: {  	[sflag:s6] =	ssyncset.done $0x0  }
0xaa: {  	s24 =	rddreg [dreg:$0x17];
	[sflag:s6] =	ssyncadd.s32 $0xFFFFC000  }
0xab: {  	[hbm4b:s24+s19] =	stream.linear.scatter [tilespmem:s4], [sflag:$0x6], $0x4000, $0x38;
	[tilespmem:$0x10480] =	vst v63  }
0xac: {  	_ =	swait.ge [sflag:s3], $0x4000  }
0xad: {  	[sflag:s3] =	ssyncset.done $0x0  }
0xae: {  	s26 =	simm.s32 @p2 $0x100;
	s17 =	simm.s32 @p2 $0x80;
	[sflag:s3] =	ssyncadd.s32 $0xFFFFC000  }
0xaf: {  	[tilespmem:s5], [sflag:$0x2] =	stream.indirect.gather @p2 [hbm4b:s9+s17], $0x80, s26, s17, $0xb8;
	[tilespmem:$0x10480] =	vst v63  }
0xb0: {  	_ =	swait.ge [sflag:s2], $0x4000  }
0xb1: {  	[sflag:s2] =	ssyncset.done $0x0  }
0xb2: {  	s17 =	rddreg [dreg:$0x18];
	[sflag:s2] =	ssyncadd.s32 $0xFFFFC000  }
0xb3: {  	[hbm4b:s17+s19] =	stream.linear.scatter [tilespmem:s10], [sflag:$0x7], $0x4000, $0x38;
	[tilespmem:$0x10480] =	vst v63  }
0xb4: {  	_ =	swait.ge [sflag:s0], $0x4000  }
0xb5: {  	[sflag:s0] =	ssyncset.done $0x0  }
0xb6: {  	s26 =	simm.s32 @p0 $0x180;
	s17 =	simm.s32 @p0 $0x80;
	[sflag:s0] =	ssyncadd.s32 $0xFFFFC000  }
0xb7: {  	[tilespmem:s22], [sflag:$0x3] =	stream.indirect.gather @p0 [hbm4b:s9+s17], $0x80, s26, s17, $0xb8;
	[tilespmem:$0x10480] =	vst v63  }
0xb8: {  	_ =	swait.ge @p5 [sflag:s13], $0x4000  }
0xb9: {  	[sflag:s13] =	ssyncset.done @p5 $0x0  }
0xba: {  	s5 =	simm.s32 @p5 $0x0;
	s26 =	rddreg [dreg:$0x19];
	[sflag:s13] =	ssyncadd.s32 @p5 $0xFFFFC000  }
0xbb: {  	[hbm4b:s26+s5] =	stream.linear.scatter @p5 [tilespmem:s15], [sflag:$0x8], $0x4000, $0x38;
	[tilespmem:$0x10480] =	vst v63  }
0xbc: {  	_ =	swait.ge @p5 [sflag:s16], $0x4000  }
0xbd: {  	[sflag:s16] =	ssyncset.done @p5 $0x0  }
0xbe: {  	s9 =	simm.s32 @p1 $0x80;
	s26 =	simm.s32 @p1 $0x100;
	[sflag:s16] =	ssyncadd.s32 @p5 $0xFFFFC000  }
0xbf: {  	[tilespmem:s8], [sflag:$0x4] =	stream.indirect.gather @p1 [hbm4b:s7+s9], $0x80, s26, s9, $0xb8;
	[tilespmem:$0x10480] =	vst v63  }
0xc0: {  	_ =	swait.ge @p4 [sflag:s18], $0x4000  }
0xc1: {  	[sflag:s18] =	ssyncset.done @p4 $0x0  }
0xc2: {  	s9 =	simm.s32 @p4 $0x0;
	s26 =	rddreg [dreg:$0x1a];
	[sflag:s18] =	ssyncadd.s32 @p4 $0xFFFFC000  }
0xc3: {  	[hbm4b:s26+s9] =	stream.linear.scatter @p4 [tilespmem:s1], [sflag:$0x9], $0x4000, $0x38;
	[tilespmem:$0x10480] =	vst v63  }
0xc4: {  	_ =	swait.ge @p4 [sflag:s20], $0x4000  }
0xc5: {  	[sflag:s20] =	ssyncset.done @p4 $0x0  }
0xc6: {  	s5 =	simm.s32 @p3 $0x80;
	s26 =	simm.s32 @p3 $0x180;
	[sflag:s20] =	ssyncadd.s32 @p4 $0xFFFFC000  }
0xc7: {  	[tilespmem:s11], [sflag:$0x5] =	stream.indirect.gather @p3 [hbm4b:s7+s5], $0x80, s26, s5, $0xb8;
	[tilespmem:$0x10480] =	vst v63  }
0xc8: {  	_ =	swait.ge @p2 [sflag:s21], $0x4000  }
0xc9: {  	s4 =	simm.s32 @p2 $0x400;
	[sflag:s21] =	ssyncset.done @p2 $0x0  }
0xca: {  	s7 =	simm.s32 @p2 $0x0;
	s26 =	rddreg [dreg:$0x1b];
	[sflag:s21] =	ssyncadd.s32 @p2 $0xFFFFC000  }
0xcb: {  	[hbm4b:s26+s7] =	stream.linear.scatter @p2 [tilespmem:s4], [sflag:$0x6], $0x4000, $0x38;
	[tilespmem:$0x10480] =	vst v63  }
0xcc: {  	_ =	swait.ge @p2 [sflag:s14], $0x4000  }
0xcd: {  	[sflag:s14] =	ssyncset.done @p2 $0x0  }
0xce: {  	[sflag:s14] =	ssyncadd.s32 @p2 $0xFFFFC000  }
0xcf: {  	s24 =	simm.s32 $0x400;
	s4 =	simm.s32 $0x200;
	s9 =	rddreg [dreg:$0x4]  }
0xd0: {  	[tilespmem:s24], [sflag:$0x2] =	stream.indirect.gather [hbm4b:s9+s12], $0x80, s4, s12, $0xb8;
	[tilespmem:$0x10480] =	vst v63  }
0xd1: {  	_ =	swait.ge @p0 [sflag:s23], $0x4000  }
0xd2: {  	[sflag:s23] =	ssyncset.done @p0 $0x0  }
0xd3: {  	s10 =	simm.s32 @p0 $0x0;
	s26 =	rddreg [dreg:$0x1c];
	[sflag:s23] =	ssyncadd.s32 @p0 $0xFFFFC000  }
0xd4: {  	[hbm4b:s26+s10] =	stream.linear.scatter @p0 [tilespmem:s22], [sflag:$0x7], $0x4000, $0x38;
	[tilespmem:$0x10480] =	vst v63  }
0xd5: {  	_ =	swait.ge @p0 [sflag:s28], $0x4000  }
0xd6: {  	s5 =	sld [smem:$0x7F5]  }
0xd7: {  	[sflag:s28] =	ssyncset.done @p0 $0x0  }
0xd8: {  	s7 =	simm.s32 $0x4400;
	[sflag:s28] =	ssyncadd.s32 @p0 $0xFFFFC000  }
0xd9: {  	[tilespmem:s7], [sflag:$0x3] =	stream.indirect.gather [hbm4b:s9+s12], $0x80, s5, s12, $0xb8;
	[tilespmem:$0x10480] =	vst v63  }
0xda: {  	_ =	swait.ge @p1 [sflag:s25], $0x4000  }
0xdb: {  	[sflag:s25] =	ssyncset.done @p1 $0x0  }
0xdc: {  	s5 =	simm.s32 @p1 $0x0;
	s26 =	rddreg [dreg:$0x1d];
	[sflag:s25] =	ssyncadd.s32 @p1 $0xFFFFC000  }
0xdd: {  	[hbm4b:s26+s5] =	stream.linear.scatter @p1 [tilespmem:s8], [sflag:$0x8], $0x4000, $0x38;
	[tilespmem:$0x10480] =	vst v63  }
0xde: {  	_ =	swait.ge @p1 [sflag:s29], $0x4000  }
0xdf: {  	[sflag:s29] =	ssyncset.done @p1 $0x0  }
0xe0: {  	s15 =	simm.s32 @p5 $0x8400;
	[sflag:s29] =	ssyncadd.s32 @p1 $0xFFFFC000  }
0xe1: {  	s4 =	simm.s32 @p5 $0x80;
	s26 =	simm.s32 @p5 $0x200;
	s12 =	rddreg [dreg:$0x5]  }
0xe2: {  	[tilespmem:s15], [sflag:$0x4] =	stream.indirect.gather @p5 [hbm4b:s12+s4], $0x80, s26, s4, $0xb8;
	[tilespmem:$0x10480] =	vst v63  }
0xe3: {  	_ =	swait.ge @p3 [sflag:s31], $0x4000  }
0xe4: {  	[sflag:s31] =	ssyncset.done @p3 $0x0  }
0xe5: {  	s26 =	simm.s32 @p3 $0x0;
	s9 =	rddreg [dreg:$0x1e];
	[sflag:s31] =	ssyncadd.s32 @p3 $0xFFFFC000  }
0xe6: {  	[hbm4b:s9+s26] =	stream.linear.scatter @p3 [tilespmem:s11], [sflag:$0x9], $0x4000, $0x38;
	[tilespmem:$0x10480] =	vst v63  }
0xe7: {  	_ =	swait.ge @p3 [sflag:s30], $0x4000  }
0xe8: {  	s1 =	simm.s32 @p4 $0xC400;
	[sflag:s30] =	ssyncset.done @p3 $0x0  }
0xe9: {  	s4 =	simm.s32 @p4 $0x80;
	s9 =	simm.s32 @p4 $0x280;
	[sflag:s30] =	ssyncadd.s32 @p3 $0xFFFFC000  }
0xea: {  	[tilespmem:s1], [sflag:$0x5] =	stream.indirect.gather @p4 [hbm4b:s12+s4], $0x80, s9, s4, $0xb8;
	[tilespmem:$0x10480] =	vst v63  }
0xeb: {  	_ =	swait.ge [sflag:s6], $0x4000  }
0xec: {  	[sflag:s6] =	ssyncset.done $0x0  }
0xed: {  	s12 =	rddreg [dreg:$0x1f];
	[sflag:s6] =	ssyncadd.s32 $0xFFFFC000  }
0xee: {  	[hbm4b:s12+s19] =	stream.linear.scatter [tilespmem:s24], [sflag:$0x6], $0x4000, $0x38;
	[tilespmem:$0x10480] =	vst v63  }
0xef: {  	_ =	swait.ge [sflag:s3], $0x4000  }
0xf0: {  	[sflag:s3] =	ssyncset.done $0x0  }
0xf1: {  	s9 =	simm.s32 @p2 $0x200;
	[sflag:s3] =	ssyncadd.s32 $0xFFFFC000  }
0xf2: {  	s4 =	simm.s32 @p2 $0x400;
	s6 =	simm.s32 @p2 $0x80;
	s3 =	rddreg [dreg:$0x6]  }
0xf3: {  	[tilespmem:s4], [sflag:$0x2] =	stream.indirect.gather @p2 [hbm4b:s3+s6], $0x80, s9, s6, $0xb8;
	[tilespmem:$0x10480] =	vst v63  }
0xf4: {  	_ =	swait.ge [sflag:s2], $0x4000  }
0xf5: {  	s24 =	sld [smem:$0x7F6]  }
0xf6: {  	[sflag:s2] =	ssyncset.done $0x0  }
0xf7: {  	[sflag:s2] =	ssyncadd.s32 $0xFFFFC000  }
0xf8: {  	[hbm4b:s24+s19] =	stream.linear.scatter [tilespmem:s7], [sflag:$0x7], $0x4000, $0x38;
	[tilespmem:$0x10480] =	vst v63  }
0xf9: {  	_ =	swait.ge [sflag:s0], $0x4000  }
0xfa: {  	[sflag:s0] =	ssyncset.done $0x0  }
0xfb: {  	s9 =	simm.s32 @p0 $0x280;
	[sflag:s0] =	ssyncadd.s32 $0xFFFFC000  }
0xfc: {  	[tilespmem:s22], [sflag:$0x3] =	stream.indirect.gather @p0 [hbm4b:s3+s17], $0x80, s9, s17, $0xb8;
	[tilespmem:$0x10480] =	vst v63  }
0xfd: {  	_ =	swait.ge @p5 [sflag:s13], $0x4000  }
0xfe: {  	s9 =	sld [smem:$0x7F7]  }
0xff: {  	[sflag:s13] =	ssyncset.done @p5 $0x0  }
0x100: {  	s0 =	simm.s32 @p5 $0x0;
	[sflag:s13] =	ssyncadd.s32 @p5 $0xFFFFC000  }
0x101: {  	[hbm4b:s9+s0] =	stream.linear.scatter @p5 [tilespmem:s15], [sflag:$0x8], $0x4000, $0x38;
	[tilespmem:$0x10480] =	vst v63  }
0x102: {  	_ =	swait.ge @p5 [sflag:s16], $0x4000  }
0x103: {  	[sflag:s16] =	ssyncset.done @p5 $0x0  }
0x104: {  	[sflag:s16] =	ssyncadd.s32 @p5 $0xFFFFC000  }
0x105: {  	s2 =	simm.s32 @p1 $0x200;
	s0 =	simm.s32 @p1 $0x80;
	s3 =	rddreg [dreg:$0x7]  }
0x106: {  	[tilespmem:s8], [sflag:$0x4] =	stream.indirect.gather @p1 [hbm4b:s3+s0], $0x80, s2, s0, $0xb8;
	[tilespmem:$0x10480] =	vst v63  }
0x107: {  	_ =	swait.ge @p4 [sflag:s18], $0x4000  }
0x108: {  	s2 =	sld [smem:$0x7F8]  }
0x109: {  	[sflag:s18] =	ssyncset.done @p4 $0x0  }
0x10a: {  	s0 =	simm.s32 @p4 $0x0;
	[sflag:s18] =	ssyncadd.s32 @p4 $0xFFFFC000  }
0x10b: {  	[hbm4b:s2+s0] =	stream.linear.scatter @p4 [tilespmem:s1], [sflag:$0x9], $0x4000, $0x38;
	[tilespmem:$0x10480] =	vst v63  }
0x10c: {  	_ =	swait.ge @p4 [sflag:s20], $0x4000  }
0x10d: {  	[sflag:s20] =	ssyncset.done @p4 $0x0  }
0x10e: {  	s0 =	simm.s32 @p3 $0x280;
	s1 =	simm.s32 @p3 $0x80;
	[sflag:s20] =	ssyncadd.s32 @p4 $0xFFFFC000  }
0x10f: {  	[tilespmem:s11], [sflag:$0x5] =	stream.indirect.gather @p3 [hbm4b:s3+s1], $0x80, s0, s1, $0xb8;
	[tilespmem:$0x10480] =	vst v63  }
0x110: {  	_ =	swait.ge @p2 [sflag:s21], $0x4000  }
0x111: {  	s0 =	sld [smem:$0x7F9]  }
0x112: {  	[sflag:s21] =	ssyncset.done @p2 $0x0  }
0x113: {  	s1 =	simm.s32 @p2 $0x0;
	[sflag:s21] =	ssyncadd.s32 @p2 $0xFFFFC000  }
0x114: {  	[hbm4b:s0+s1] =	stream.linear.scatter @p2 [tilespmem:s4], [sflag:$0x6], $0x4000, $0x38;
	[tilespmem:$0x10480] =	vst v63  }
0x115: {  	_ =	swait.ge @p0 [sflag:s23], $0x4000  }
0x116: {  	s0 =	sld [smem:$0x7FA]  }
0x117: {  	[sflag:s23] =	ssyncset.done @p0 $0x0  }
0x118: {  	[sflag:s23] =	ssyncadd.s32 @p0 $0xFFFFC000  }
0x119: {  	[hbm4b:s0+s10] =	stream.linear.scatter @p0 [tilespmem:s22], [sflag:$0x7], $0x4000, $0x38;
	[tilespmem:$0x10480] =	vst v63  }
0x11a: {  	_ =	swait.ge @p1 [sflag:s25], $0x4000  }
0x11b: {  	s0 =	sld [smem:$0x7FB]  }
0x11c: {  	[sflag:s25] =	ssyncset.done @p1 $0x0  }
0x11d: {  	[sflag:s25] =	ssyncadd.s32 @p1 $0xFFFFC000  }
0x11e: {  	[hbm4b:s0+s5] =	stream.linear.scatter @p1 [tilespmem:s8], [sflag:$0x8], $0x4000, $0x38;
	[tilespmem:$0x10480] =	vst v63  }
0x11f: {  	_ =	swait.ge @p3 [sflag:s31], $0x4000  }
0x120: {  	s0 =	sld [smem:$0x7FC]  }
0x121: {  	[sflag:s31] =	ssyncset.done @p3 $0x0  }
0x122: {  	[sflag:s31] =	ssyncadd.s32 @p3 $0xFFFFC000  }
0x123: {  	[hbm4b:s0+s26] =	stream.linear.scatter @p3 [tilespmem:s11], [sflag:$0x9], $0x4000, $0x38;
	[tilespmem:$0x10480] =	vst v63  }
0x124: {  	s26 =	sld [smem:$0x7FD];
	_ =	sdelay $0x2  }
0x125: {  	s0 =	ssub.s32 $0x2, s26  }
0x126: {  	s31 =	sshrl.u32 s0, $0x1  }
0x127: {  	s0 =	ssub.s32 s0, s31  }
0x128: {  	_ =	swait.ge @p2 [sflag:s14], $0x4000;
	s0 =	smax.u32 s0, $0x1  }
0x129: {  	[sflag:s14] =	ssyncset.done @p2 $0x0;
	s23 =	sadd.s32 $0xFFFFFFFF, s0  }
0x12a: {  	[sflag:s14] =	ssyncadd.s32 @p2 $0xFFFFC000;
	p2 =	sne.s32 s23, $0x0  }
.Ltmp0:
0x12b: {  	_ = 	snop;
	(pc) =	sbr.rel @!p2 .LBB2_3-.Ltmp0, $3  }
0x12c: {  	_ =	sdelay $0x1  }
0x12d: {  	_ =	swait.ge @p0 [sflag:s28], $0x4000  }
0x12e: {  	[sflag:s28] =	ssyncset.done @p0 $0x0  }
0x12f: {  	s16 =	simm.s32 $0x0;
	s15 =	simm.s32 $0x2  }
0x130: {  	s31 =	simm.s32 $0x6;
	s20 =	simm.s32 $0x3;
	s17 =	simm.s32 $0x7  }
.LBB2_2:
0x131: {  	s23 =	sadd.s32 $0xFFFFFFFF, s23  }
0x132: {  	[sflag:s28] =	ssyncadd.s32 @p0 $0xFFFFC000;
	p0 =	sne.s32 s23, $0x0  }
0x133: {  	s0 =	simm.s32 @!p0 $0x0  }
0x134: {  	s0 =	simm.s32 @p0 $0x1  }
0x135: {  	[smem:$0x7EF] =	sst s0  }
0x136: {  	_ =	swait.ge @p1 [sflag:s29], $0x4000  }
0x137: {  	[sflag:s29] =	ssyncset.done @p1 $0x0  }
0x138: {  	[sflag:s29] =	ssyncadd.s32 @p1 $0xFFFFC000  }
0x139: {  	_ =	swait.ge @p3 [sflag:s30], $0x4000  }
0x13a: {  	s1 =	sld [smem:$0x7F0]  }
0x13b: {  	[sflag:s30] =	ssyncset.done @p3 $0x0  }
0x13c: {  	s2 =	simm.s32 $0xA;
	s26 =	rddreg [dreg:$0xd];
	[sflag:s30] =	ssyncadd.s32 @p3 $0xFFFFC000  }
0x13d: {  	[tilespmem:s1], [sflag:$0xA] =	stream.linear.gather [hbm4b:s26+s16], $0x80, $0x38;
	[tilespmem:$0x10480] =	vst v63  }
0x13e: {  	_ =	swait.ge [sflag:s2], $0x80  }
0x13f: {  	[sflag:s2] =	ssyncset.done $0x0  }
0x140: {  	s3 =	simm.s32 $0x300;
	s1 =	rddreg [dreg:$0xe];
	[sflag:s2] =	ssyncadd.s32 $0xFFFFFF80  }
0x141: {  	[tilespmem:s3], [sflag:$0xA] =	stream.linear.gather [hbm4b:s1+s16], $0x100, $0x38;
	[tilespmem:$0x10480] =	vst v63  }
0x142: {  	_ =	swait.ge [sflag:s2], $0x100  }
0x143: {  	[sflag:s2] =	ssyncset.done $0x0  }
0x144: {  	s9 =	simm.s32 $0x100;
	s4 =	rddreg [dreg:$0xa];
	[sflag:s2] =	ssyncadd.s32 $0xFFFFFF00  }
0x145: {  	[tilespmem:s16], [sflag:$0x1] =	stream.indirect.gather [hbm4b:s4+s9], $0x1, s3, s9, $0xb8;
	[tilespmem:$0x10480] =	vst v63  }
0x146: {  	s6 =	rddreg [dreg:$0xb]  }
0x147: {  	[tilespmem:s9], [sflag:$0x1] =	stream.indirect.gather [hbm4b:s6+s9], $0x1, s3, s9, $0xb8;
	[tilespmem:$0x10480] =	vst v63  }
0x148: {  	s7 =	simm.s32 $0x200;
	s8 =	simm.s32 $0x1;
	s5 =	rddreg [dreg:$0xc]  }
0x149: {  	[tilespmem:s7], [sflag:$0x1] =	stream.indirect.gather [hbm4b:s5+s9], $0x1, s3, s9, $0xb8;
	[tilespmem:$0x10480] =	vst v63  }
0x14a: {  	_ =	swait.ge [sflag:s8], $0x100  }
0x14b: {  	[sflag:s8] =	ssyncset.done $0x0  }
0x14c: {  	[sflag:s8] =	ssyncadd.s32 $0xFFFFFF00  }
0x14d: {  	_ =	swait.ge [sflag:s8], $0x100  }
0x14e: {  	[sflag:s8] =	ssyncset.done $0x0  }
0x14f: {  	[sflag:s8] =	ssyncadd.s32 $0xFFFFFF00  }
0x150: {  	_ =	swait.ge [sflag:s8], $0x100  }
0x151: {  	[sflag:s8] =	ssyncset.done $0x0  }
0x152: {  	[sflag:s8] =	ssyncadd.s32 $0xFFFFFF00  }
0x153: {  	v0 =	vld [tilespmem:$0x10400];
	_ =	sdelay $0x4  }
0x154: {  	v1 =	vnsel vm0, $0x0, v0  }
0x155: {  	v2 =	vsel vm1, $0x0, v0;
	v1 =	vxor.u32 $0x80000000, v1  }
0x156: {  	v3 =	vsel vm2, $0x0, v0;
	v2 =	vxor.u32 $0x80000000, v2;
	(xrf0) =	vmax.scan.msk.u32 $0xffff, v1  }
0x157: {  	v0 =	vsel vm3, $0x0, v0;
	v59 =	vxor.u32 $0x80000000, v3;
	(xrf0) =	vmax.scan.msk.u32 $0xffff, v2  }
0x158: {  	v0 =	vxor.u32 $0x80000000, v0;
	(xrf0) =	vmax.scan.msk.u32 $0xffff, v59  }
0x159: {  	(xrf0) =	vmax.scan.msk.u32 $0xffff, v0;
	_ =	sdelay $0x2  }
0x15a: {  	v60, _, _ =	vpop (xrf0)  }
0x15b: {  	(v2sf) =	vpush v60, $0xF;
	v61, _, _ =	vpop (xrf0)  }
0x15c: {  	(v2sf) =	vpush v61, $0xF;
	v62, _, _ =	vpop (xrf0)  }
0x15d: {  	(v2sf) =	vpush v62, $0xF;
	v63, _, _ =	vpop (xrf0)  }
0x15e: {  	(v2sf) =	vpush v63, $0xF;
	_ =	sdelay $0x7  }
0x15f: {  	s10 =	simm.s32 $0x80;
	s11 =	simm.s32 $0x400;
	s12 =	rddreg [dreg:$0x0]  }
0x160: {  	[tilespmem:s11], [sflag:$0x2] =	stream.indirect.gather [hbm4b:s12+s10], $0x80, s16, s10, $0xb8;
	[tilespmem:$0x10480] =	vst v63  }
0x161: {  	s13 =	simm.s32 $0x4400;
	s7 =	sld [smem:$0x7F3]  }
0x162: {  	[tilespmem:s13], [sflag:$0x3] =	stream.indirect.gather [hbm4b:s12+s10], $0x80, s10, s10, $0xb8;
	[tilespmem:$0x10480] =	vst v63  }
0x163: {  	s4 =	sld [smem:$0x7F1];
	s18 =	spop (v2sf)  }
0x164: {  	s5 =	sld [smem:$0x7F2];
	s0 =	sxor.u32 $0x80000000, s18;
	s19 =	spop (v2sf)  }
0x165: {  	s1 =	sxor.u32 $0x80000000, s19;
	p4 =	sgt.s32 s7, s0;
	s21 =	spop (v2sf)  }
0x166: {  	p5 =	slt.s32 s4, s1;
	p6 =	slt.s32 s7, s1;
	s22 =	spop (v2sf)  }
0x167: {  	p0 =	sgt.s32 s5, s1;
	s24 =	sxor.u32 $0x80000000, s21;
	p3 =	por !p5, !p4  }
0x168: {  	p4 =	sgt.s32 s5, s0;
	s0 =	simm.s32 @!p0 $0x0;
	s25 =	sxor.u32 $0x80000000, s22  }
0x169: {  	s0 =	simm.s32 @p0 $0x1;
	p5 =	por !p3, !p3;
	p0 =	sgt.s32 s5, s24  }
0x16a: {  	p1 =	slt.s32 s7, s25;
	s5 =	rddreg [dreg:$0x1];
	s11 =	simm.s32 @p5 $0x80  }
0x16b: {  	s3 =	simm.s32 @p5 $0x0;
	s10 =	simm.s32 @p5 $0x8400;
	p0 =	por !p1, !p0  }
0x16c: {  	[tilespmem:s10], [sflag:$0x4] =	stream.indirect.gather @p5 [hbm4b:s5+s11], $0x80, s3, s11, $0xb8;
	[tilespmem:$0x10480] =	vst v63  }
0x16d: {  	p2 =	sgt.s32 s7, s1;
	p6 =	por !p6, !p4;
	s1 =	simm.s32 @!p0 $0x0  }
0x16e: {  	[smem:$0x7ED] =	sst s0;
	p6 =	por !p6, !p6;
	s1 =	simm.s32 @p0 $0x1  }
0x16f: {  	s0 =	simm.s32 @p6 $0xC400;
	[smem:$0x7EE] =	sst s1;
	s1 =	simm.s32 @p6 $0x80  }
0x170: {  	[tilespmem:s0], [sflag:$0x5] =	stream.indirect.gather @p6 [hbm4b:s5+s1], $0x80, s1, s1, $0xb8;
	[tilespmem:$0x10480] =	vst v63  }
0x171: {  	s14 =	simm.s32 $0x400;
	s26 =	sld [smem:$0x7ED];
	_ =	swait.ge [sflag:s15], $0x4000  }
0x172: {  	p4 =	slt.s32 s4, s24;
	p3 =	slt.s32 s4, s25;
	[sflag:s15] =	ssyncset.done $0x0  }
0x173: {  	p4 =	por !p4, !p2;
	s0 =	rddreg [dreg:$0xf];
	[sflag:s15] =	ssyncadd.s32 $0xFFFFC000  }
0x174: {  	[hbm4b:s0+s16] =	stream.linear.scatter [tilespmem:s14], [sflag:$0x6], $0x4000, $0x38;
	[tilespmem:$0x10480] =	vst v63  }
0x175: {  	p1 =	slt.s32 s7, s24;
	p4 =	por !p4, !p4;
	_ =	swait.ge [sflag:s31], $0x4000  }
0x176: {  	s4 =	simm.s32 @p4 $0x80;
	p0 =	seq.s32 s26, $0x1;
	[sflag:s31] =	ssyncset.done $0x0  }
0x177: {  	s1 =	simm.s32 @p4 $0x0;
	p1 =	por !p1, !p0;
	[sflag:s31] =	ssyncadd.s32 $0xFFFFC000  }
0x178: {  	p0 =	sgt.s32 s7, s24;
	s7 =	simm.s32 @p4 $0x400;
	s0 =	rddreg [dreg:$0x2]  }
0x179: {  	[tilespmem:s7], [sflag:$0x2] =	stream.indirect.gather @p4 [hbm4b:s0+s4], $0x80, s1, s4, $0xb8;
	[tilespmem:$0x10480] =	vst v63  }
0x17a: {  	_ =	swait.ge [sflag:s20], $0x4000  }
0x17b: {  	[sflag:s20] =	ssyncset.done $0x0  }
0x17c: {  	s8 =	simm.s32 $0x4400;
	s4 =	rddreg [dreg:$0x10];
	[sflag:s20] =	ssyncadd.s32 $0xFFFFC000  }
0x17d: {  	[hbm4b:s4+s16] =	stream.linear.scatter [tilespmem:s8], [sflag:$0x7], $0x4000, $0x38;
	[tilespmem:$0x10480] =	vst v63  }
0x17e: {  	p3 =	por !p3, !p0;
	p0 =	por !p1, !p1;
	_ =	swait.ge [sflag:s17], $0x4000  }
0x17f: {  	s1 =	simm.s32 @p0 $0x80;
	[sflag:s17] =	ssyncset.done $0x0  }
0x180: {  	s8 =	simm.s32 @p0 $0x4400;
	s4 =	simm.s32 @p5 $0x4;
	[sflag:s17] =	ssyncadd.s32 $0xFFFFC000  }
0x181: {  	[tilespmem:s8], [sflag:$0x3] =	stream.indirect.gather @p0 [hbm4b:s0+s1], $0x80, s1, s1, $0xb8;
	[tilespmem:$0x10480] =	vst v63  }
0x182: {  	_ =	swait.ge @p5 [sflag:s4], $0x4000  }
0x183: {  	s6 =	simm.s32 @p5 $0x8400;
	s3 =	simm.s32 @p5 $0x0;
	[sflag:s4] =	ssyncset.done @p5 $0x0  }
0x184: {  	s11 =	simm.s32 @p5 $0x8;
	s1 =	rddreg [dreg:$0x11];
	[sflag:s4] =	ssyncadd.s32 @p5 $0xFFFFC000  }
0x185: {  	[hbm4b:s1+s3] =	stream.linear.scatter @p5 [tilespmem:s6], [sflag:$0x8], $0x4000, $0x38;
	[tilespmem:$0x10480] =	vst v63  }
0x186: {  	_ =	swait.ge @p5 [sflag:s11], $0x4000  }
0x187: {  	p1 =	por !p3, !p3;
	[sflag:s11] =	ssyncset.done @p5 $0x0  }
0x188: {  	s18 =	simm.s32 @p6 $0x5;
	s10 =	simm.s32 @p1 $0x8400;
	[sflag:s11] =	ssyncadd.s32 @p5 $0xFFFFC000  }
0x189: {  	s3 =	simm.s32 @p1 $0x80;
	s1 =	simm.s32 @p1 $0x0;
	s26 =	rddreg [dreg:$0x3]  }
0x18a: {  	[tilespmem:s10], [sflag:$0x4] =	stream.indirect.gather @p1 [hbm4b:s26+s3], $0x80, s1, s3, $0xb8;
	[tilespmem:$0x10480] =	vst v63  }
0x18b: {  	s2 =	simm.s32 @p6 $0xC400;
	_ =	swait.ge @p6 [sflag:s18], $0x4000  }
0x18c: {  	s19 =	simm.s32 @p6 $0x9;
	[sflag:s18] =	ssyncset.done @p6 $0x0;
	s6 =	sld [smem:$0x7EE]  }
0x18d: {  	s3 =	simm.s32 @p6 $0x0;
	s1 =	rddreg [dreg:$0x12];
	[sflag:s18] =	ssyncadd.s32 @p6 $0xFFFFC000  }
0x18e: {  	[hbm4b:s1+s3] =	stream.linear.scatter @p6 [tilespmem:s2], [sflag:$0x9], $0x4000, $0x38;
	[tilespmem:$0x10480] =	vst v63  }
0x18f: {  	p3 =	seq.s32 s6, $0x1;
	_ =	swait.ge @p6 [sflag:s19], $0x4000  }
0x190: {  	s21 =	simm.s32 @p4 $0x2;
	p3 =	por !p3, !p3;
	[sflag:s19] =	ssyncset.done @p6 $0x0  }
0x191: {  	s2 =	simm.s32 @p3 $0x80;
	s1 =	simm.s32 @p3 $0xC400;
	[sflag:s19] =	ssyncadd.s32 @p6 $0xFFFFC000  }
0x192: {  	[tilespmem:s1], [sflag:$0x5] =	stream.indirect.gather @p3 [hbm4b:s26+s2], $0x80, s2, s2, $0xb8;
	[tilespmem:$0x10480] =	vst v63  }
0x193: {  	_ =	swait.ge @p4 [sflag:s21], $0x4000  }
0x194: {  	s22 =	simm.s32 @p4 $0x0;
	s7 =	simm.s32 @p4 $0x400;
	[sflag:s21] =	ssyncset.done @p4 $0x0  }
0x195: {  	s2 =	simm.s32 @p4 $0x6;
	s3 =	rddreg [dreg:$0x13];
	[sflag:s21] =	ssyncadd.s32 @p4 $0xFFFFC000  }
0x196: {  	[hbm4b:s3+s22] =	stream.linear.scatter @p4 [tilespmem:s7], [sflag:$0x6], $0x4000, $0x38;
	[tilespmem:$0x10480] =	vst v63  }
0x197: {  	_ =	swait.ge @p4 [sflag:s2], $0x4000  }
0x198: {  	[sflag:s2] =	ssyncset.done @p4 $0x0  }
0x199: {  	s22 =	simm.s32 @p0 $0x3;
	s7 =	simm.s32 $0x80;
	[sflag:s2] =	ssyncadd.s32 @p4 $0xFFFFC000  }
0x19a: {  	[tilespmem:s14], [sflag:$0x2] =	stream.indirect.gather [hbm4b:s12+s7], $0x80, s9, s7, $0xb8;
	[tilespmem:$0x10480] =	vst v63  }
0x19b: {  	_ =	swait.ge @p0 [sflag:s22], $0x4000  }
0x19c: {  	s28 =	simm.s32 @p0 $0x7;
	s8 =	simm.s32 @p0 $0x4400;
	[sflag:s22] =	ssyncset.done @p0 $0x0  }
0x19d: {  	s1 =	simm.s32 @p0 $0x0;
	s3 =	rddreg [dreg:$0x14];
	[sflag:s22] =	ssyncadd.s32 @p0 $0xFFFFC000  }
0x19e: {  	[hbm4b:s3+s1] =	stream.linear.scatter @p0 [tilespmem:s8], [sflag:$0x7], $0x4000, $0x38;
	[tilespmem:$0x10480] =	vst v63  }
0x19f: {  	_ =	swait.ge @p0 [sflag:s28], $0x4000  }
0x1a0: {  	s9 =	sld [smem:$0x7F4]  }
0x1a1: {  	[sflag:s28] =	ssyncset.done @p0 $0x0  }
0x1a2: {  	s13 =	simm.s32 $0x4400;
	s24 =	simm.s32 @p1 $0x4;
	[sflag:s28] =	ssyncadd.s32 @p0 $0xFFFFC000  }
0x1a3: {  	[tilespmem:s13], [sflag:$0x3] =	stream.indirect.gather [hbm4b:s12+s7], $0x80, s9, s7, $0xb8;
	[tilespmem:$0x10480] =	vst v63  }
0x1a4: {  	_ =	swait.ge @p1 [sflag:s24], $0x4000  }
0x1a5: {  	s25 =	simm.s32 @p1 $0x0;
	s29 =	simm.s32 @p1 $0x8;
	[sflag:s24] =	ssyncset.done @p1 $0x0  }
0x1a6: {  	s10 =	simm.s32 @p1 $0x8400;
	s3 =	rddreg [dreg:$0x15];
	[sflag:s24] =	ssyncadd.s32 @p1 $0xFFFFC000  }
0x1a7: {  	[hbm4b:s3+s25] =	stream.linear.scatter @p1 [tilespmem:s10], [sflag:$0x8], $0x4000, $0x38;
	[tilespmem:$0x10480] =	vst v63  }
0x1a8: {  	_ =	swait.ge @p1 [sflag:s29], $0x4000  }
0x1a9: {  	s30 =	simm.s32 @p5 $0x80;
	s7 =	simm.s32 @p5 $0x8400;
	[sflag:s29] =	ssyncset.done @p1 $0x0  }
0x1aa: {  	s3 =	simm.s32 @p5 $0x100;
	s25 =	simm.s32 @p3 $0x5;
	[sflag:s29] =	ssyncadd.s32 @p1 $0xFFFFC000  }
0x1ab: {  	[tilespmem:s7], [sflag:$0x4] =	stream.indirect.gather @p5 [hbm4b:s5+s30], $0x80, s3, s30, $0xb8;
	[tilespmem:$0x10480] =	vst v63  }
0x1ac: {  	_ =	swait.ge @p3 [sflag:s25], $0x4000  }
0x1ad: {  	s6 =	simm.s32 @p3 $0xC400;
	s1 =	simm.s32 @p3 $0x0;
	[sflag:s25] =	ssyncset.done @p3 $0x0  }
0x1ae: {  	s30 =	simm.s32 @p3 $0x9;
	s12 =	rddreg [dreg:$0x16];
	[sflag:s25] =	ssyncadd.s32 @p3 $0xFFFFC000  }
0x1af: {  	[hbm4b:s12+s1] =	stream.linear.scatter @p3 [tilespmem:s6], [sflag:$0x9], $0x4000, $0x38;
	[tilespmem:$0x10480] =	vst v63  }
0x1b0: {  	_ =	swait.ge @p3 [sflag:s30], $0x4000  }
0x1b1: {  	s3 =	simm.s32 @p6 $0xC400;
	[sflag:s30] =	ssyncset.done @p3 $0x0  }
0x1b2: {  	s12 =	simm.s32 @p6 $0x180;
	s1 =	simm.s32 @p6 $0x80;
	[sflag:s30] =	ssyncadd.s32 @p3 $0xFFFFC000  }
0x1b3: {  	[tilespmem:s3], [sflag:$0x5] =	stream.indirect.gather @p6 [hbm4b:s5+s1], $0x80, s12, s1, $0xb8;
	[tilespmem:$0x10480] =	vst v63  }
0x1b4: {  	_ =	swait.ge [sflag:s15], $0x4000  }
0x1b5: {  	[sflag:s15] =	ssyncset.done $0x0  }
0x1b6: {  	s5 =	simm.s32 $0x400;
	s6 =	rddreg [dreg:$0x17];
	[sflag:s15] =	ssyncadd.s32 $0xFFFFC000  }
0x1b7: {  	[hbm4b:s6+s16] =	stream.linear.scatter [tilespmem:s5], [sflag:$0x6], $0x4000, $0x38;
	[tilespmem:$0x10480] =	vst v63  }
0x1b8: {  	_ =	swait.ge [sflag:s31], $0x4000  }
0x1b9: {  	s10 =	simm.s32 @p4 $0x80;
	[sflag:s31] =	ssyncset.done $0x0  }
0x1ba: {  	s12 =	simm.s32 @p4 $0x100;
	s1 =	simm.s32 @p4 $0x400;
	[sflag:s31] =	ssyncadd.s32 $0xFFFFC000  }
0x1bb: {  	[tilespmem:s1], [sflag:$0x2] =	stream.indirect.gather @p4 [hbm4b:s0+s10], $0x80, s12, s10, $0xb8;
	[tilespmem:$0x10480] =	vst v63  }
0x1bc: {  	_ =	swait.ge [sflag:s20], $0x4000  }
0x1bd: {  	[sflag:s20] =	ssyncset.done $0x0  }
0x1be: {  	s8 =	rddreg [dreg:$0x18];
	[sflag:s20] =	ssyncadd.s32 $0xFFFFC000  }
0x1bf: {  	[hbm4b:s8+s16] =	stream.linear.scatter [tilespmem:s13], [sflag:$0x7], $0x4000, $0x38;
	[tilespmem:$0x10480] =	vst v63  }
0x1c0: {  	_ =	swait.ge [sflag:s17], $0x4000  }
0x1c1: {  	s12 =	simm.s32 @p0 $0x180;
	[sflag:s17] =	ssyncset.done $0x0  }
0x1c2: {  	s8 =	simm.s32 @p0 $0x80;
	s13 =	simm.s32 @p0 $0x4400;
	[sflag:s17] =	ssyncadd.s32 $0xFFFFC000  }
0x1c3: {  	[tilespmem:s13], [sflag:$0x3] =	stream.indirect.gather @p0 [hbm4b:s0+s8], $0x80, s12, s8, $0xb8;
	[tilespmem:$0x10480] =	vst v63  }
0x1c4: {  	_ =	swait.ge @p5 [sflag:s4], $0x4000  }
0x1c5: {  	[sflag:s4] =	ssyncset.done @p5 $0x0  }
0x1c6: {  	s0 =	simm.s32 @p5 $0x0;
	s12 =	rddreg [dreg:$0x19];
	[sflag:s4] =	ssyncadd.s32 @p5 $0xFFFFC000  }
0x1c7: {  	[hbm4b:s12+s0] =	stream.linear.scatter @p5 [tilespmem:s7], [sflag:$0x8], $0x4000, $0x38;
	[tilespmem:$0x10480] =	vst v63  }
0x1c8: {  	_ =	swait.ge @p5 [sflag:s11], $0x4000  }
0x1c9: {  	s9 =	simm.s32 @p1 $0x8400;
	[sflag:s11] =	ssyncset.done @p5 $0x0  }
0x1ca: {  	s12 =	simm.s32 @p1 $0x100;
	s0 =	simm.s32 @p1 $0x80;
	[sflag:s11] =	ssyncadd.s32 @p5 $0xFFFFC000  }
0x1cb: {  	[tilespmem:s9], [sflag:$0x4] =	stream.indirect.gather @p1 [hbm4b:s26+s0], $0x80, s12, s0, $0xb8;
	[tilespmem:$0x10480] =	vst v63  }
0x1cc: {  	_ =	swait.ge @p6 [sflag:s18], $0x4000  }
0x1cd: {  	[sflag:s18] =	ssyncset.done @p6 $0x0  }
0x1ce: {  	s0 =	simm.s32 @p6 $0x0;
	s12 =	rddreg [dreg:$0x1a];
	[sflag:s18] =	ssyncadd.s32 @p6 $0xFFFFC000  }
0x1cf: {  	[hbm4b:s12+s0] =	stream.linear.scatter @p6 [tilespmem:s3], [sflag:$0x9], $0x4000, $0x38;
	[tilespmem:$0x10480] =	vst v63  }
0x1d0: {  	_ =	swait.ge @p6 [sflag:s19], $0x4000  }
0x1d1: {  	s9 =	simm.s32 @p3 $0xC400;
	[sflag:s19] =	ssyncset.done @p6 $0x0  }
0x1d2: {  	s12 =	simm.s32 @p3 $0x180;
	s0 =	simm.s32 @p3 $0x80;
	[sflag:s19] =	ssyncadd.s32 @p6 $0xFFFFC000  }
0x1d3: {  	[tilespmem:s9], [sflag:$0x5] =	stream.indirect.gather @p3 [hbm4b:s26+s0], $0x80, s12, s0, $0xb8;
	[tilespmem:$0x10480] =	vst v63  }
0x1d4: {  	_ =	swait.ge @p4 [sflag:s21], $0x4000  }
0x1d5: {  	[sflag:s21] =	ssyncset.done @p4 $0x0  }
0x1d6: {  	s0 =	simm.s32 @p4 $0x0;
	s12 =	rddreg [dreg:$0x1b];
	[sflag:s21] =	ssyncadd.s32 @p4 $0xFFFFC000  }
0x1d7: {  	[hbm4b:s12+s0] =	stream.linear.scatter @p4 [tilespmem:s1], [sflag:$0x6], $0x4000, $0x38;
	[tilespmem:$0x10480] =	vst v63  }
0x1d8: {  	_ =	swait.ge @p4 [sflag:s2], $0x4000  }
0x1d9: {  	[sflag:s2] =	ssyncset.done @p4 $0x0  }
0x1da: {  	[sflag:s2] =	ssyncadd.s32 @p4 $0xFFFFC000  }
0x1db: {  	s10 =	simm.s32 $0x200;
	s1 =	simm.s32 $0x80;
	s0 =	rddreg [dreg:$0x4]  }
0x1dc: {  	[tilespmem:s5], [sflag:$0x2] =	stream.indirect.gather [hbm4b:s0+s1], $0x80, s10, s1, $0xb8;
	[tilespmem:$0x10480] =	vst v63  }
0x1dd: {  	_ =	swait.ge @p0 [sflag:s22], $0x4000  }
0x1de: {  	[sflag:s22] =	ssyncset.done @p0 $0x0  }
0x1df: {  	s14 =	simm.s32 @p0 $0x0;
	s12 =	rddreg [dreg:$0x1c];
	[sflag:s22] =	ssyncadd.s32 @p0 $0xFFFFC000  }
0x1e0: {  	[hbm4b:s12+s14] =	stream.linear.scatter @p0 [tilespmem:s13], [sflag:$0x7], $0x4000, $0x38;
	[tilespmem:$0x10480] =	vst v63  }
0x1e1: {  	_ =	swait.ge @p0 [sflag:s28], $0x4000  }
0x1e2: {  	s13 =	sld [smem:$0x7F5]  }
0x1e3: {  	[sflag:s28] =	ssyncset.done @p0 $0x0  }
0x1e4: {  	s3 =	simm.s32 $0x4400;
	[sflag:s28] =	ssyncadd.s32 @p0 $0xFFFFC000  }
0x1e5: {  	[tilespmem:s3], [sflag:$0x3] =	stream.indirect.gather [hbm4b:s0+s1], $0x80, s13, s1, $0xb8;
	[tilespmem:$0x10480] =	vst v63  }
0x1e6: {  	_ =	swait.ge @p1 [sflag:s24], $0x4000  }
0x1e7: {  	s6 =	simm.s32 @p1 $0x8400;
	[sflag:s24] =	ssyncset.done @p1 $0x0  }
0x1e8: {  	s13 =	simm.s32 @p1 $0x0;
	s12 =	rddreg [dreg:$0x1d];
	[sflag:s24] =	ssyncadd.s32 @p1 $0xFFFFC000  }
0x1e9: {  	[hbm4b:s12+s13] =	stream.linear.scatter @p1 [tilespmem:s6], [sflag:$0x8], $0x4000, $0x38;
	[tilespmem:$0x10480] =	vst v63  }
0x1ea: {  	_ =	swait.ge @p1 [sflag:s29], $0x4000  }
0x1eb: {  	[sflag:s29] =	ssyncset.done @p1 $0x0  }
0x1ec: {  	s8 =	simm.s32 @p5 $0x8400;
	[sflag:s29] =	ssyncadd.s32 @p1 $0xFFFFC000  }
0x1ed: {  	s1 =	simm.s32 @p5 $0x80;
	s12 =	simm.s32 @p5 $0x200;
	s0 =	rddreg [dreg:$0x5]  }
0x1ee: {  	[tilespmem:s8], [sflag:$0x4] =	stream.indirect.gather @p5 [hbm4b:s0+s1], $0x80, s12, s1, $0xb8;
	[tilespmem:$0x10480] =	vst v63  }
0x1ef: {  	_ =	swait.ge @p3 [sflag:s25], $0x4000  }
0x1f0: {  	[sflag:s25] =	ssyncset.done @p3 $0x0  }
0x1f1: {  	s8 =	simm.s32 @p3 $0x0;
	s12 =	rddreg [dreg:$0x1e];
	[sflag:s25] =	ssyncadd.s32 @p3 $0xFFFFC000  }
0x1f2: {  	[hbm4b:s12+s8] =	stream.linear.scatter @p3 [tilespmem:s9], [sflag:$0x9], $0x4000, $0x38;
	[tilespmem:$0x10480] =	vst v63  }
0x1f3: {  	_ =	swait.ge @p3 [sflag:s30], $0x4000  }
0x1f4: {  	s7 =	simm.s32 @p6 $0xC400;
	[sflag:s30] =	ssyncset.done @p3 $0x0  }
0x1f5: {  	s1 =	simm.s32 @p6 $0x80;
	s12 =	simm.s32 @p6 $0x280;
	[sflag:s30] =	ssyncadd.s32 @p3 $0xFFFFC000  }
0x1f6: {  	[tilespmem:s7], [sflag:$0x5] =	stream.indirect.gather @p6 [hbm4b:s0+s1], $0x80, s12, s1, $0xb8;
	[tilespmem:$0x10480] =	vst v63  }
0x1f7: {  	_ =	swait.ge [sflag:s15], $0x4000  }
0x1f8: {  	[sflag:s15] =	ssyncset.done $0x0  }
0x1f9: {  	s5 =	simm.s32 $0x400;
	s1 =	rddreg [dreg:$0x1f];
	[sflag:s15] =	ssyncadd.s32 $0xFFFFC000  }
0x1fa: {  	[hbm4b:s1+s16] =	stream.linear.scatter [tilespmem:s5], [sflag:$0x6], $0x4000, $0x38;
	[tilespmem:$0x10480] =	vst v63  }
0x1fb: {  	_ =	swait.ge [sflag:s31], $0x4000  }
0x1fc: {  	[sflag:s31] =	ssyncset.done $0x0  }
0x1fd: {  	s26 =	simm.s32 @p4 $0x400;
	[sflag:s31] =	ssyncadd.s32 $0xFFFFC000  }
0x1fe: {  	s12 =	simm.s32 @p4 $0x200;
	s1 =	simm.s32 @p4 $0x80;
	s0 =	rddreg [dreg:$0x6]  }
0x1ff: {  	[tilespmem:s26], [sflag:$0x2] =	stream.indirect.gather @p4 [hbm4b:s0+s1], $0x80, s12, s1, $0xb8;
	[tilespmem:$0x10480] =	vst v63  }
0x200: {  	_ =	swait.ge [sflag:s20], $0x4000  }
0x201: {  	s9 =	sld [smem:$0x7F6]  }
0x202: {  	[sflag:s20] =	ssyncset.done $0x0  }
0x203: {  	[sflag:s20] =	ssyncadd.s32 $0xFFFFC000  }
0x204: {  	[hbm4b:s9+s16] =	stream.linear.scatter [tilespmem:s3], [sflag:$0x7], $0x4000, $0x38;
	[tilespmem:$0x10480] =	vst v63  }
0x205: {  	_ =	swait.ge [sflag:s17], $0x4000  }
0x206: {  	s10 =	simm.s32 @p0 $0x4400;
	[sflag:s17] =	ssyncset.done $0x0  }
0x207: {  	s12 =	simm.s32 @p0 $0x280;
	s1 =	simm.s32 @p0 $0x80;
	[sflag:s17] =	ssyncadd.s32 $0xFFFFC000  }
0x208: {  	[tilespmem:s10], [sflag:$0x3] =	stream.indirect.gather @p0 [hbm4b:s0+s1], $0x80, s12, s1, $0xb8;
	[tilespmem:$0x10480] =	vst v63  }
0x209: {  	_ =	swait.ge @p5 [sflag:s4], $0x4000  }
0x20a: {  	s12 =	sld [smem:$0x7F7]  }
0x20b: {  	[sflag:s4] =	ssyncset.done @p5 $0x0  }
0x20c: {  	s6 =	simm.s32 @p5 $0x8400;
	s0 =	simm.s32 @p5 $0x0;
	[sflag:s4] =	ssyncadd.s32 @p5 $0xFFFFC000  }
0x20d: {  	[hbm4b:s12+s0] =	stream.linear.scatter @p5 [tilespmem:s6], [sflag:$0x8], $0x4000, $0x38;
	[tilespmem:$0x10480] =	vst v63  }
0x20e: {  	_ =	swait.ge @p5 [sflag:s11], $0x4000  }
0x20f: {  	[sflag:s11] =	ssyncset.done @p5 $0x0  }
0x210: {  	s4 =	simm.s32 @p1 $0x200;
	[sflag:s11] =	ssyncadd.s32 @p5 $0xFFFFC000  }
0x211: {  	s0 =	simm.s32 @p1 $0x80;
	s6 =	simm.s32 @p1 $0x8400;
	s5 =	rddreg [dreg:$0x7]  }
0x212: {  	[tilespmem:s6], [sflag:$0x4] =	stream.indirect.gather @p1 [hbm4b:s5+s0], $0x80, s4, s0, $0xb8;
	[tilespmem:$0x10480] =	vst v63  }
0x213: {  	_ =	swait.ge @p6 [sflag:s18], $0x4000  }
0x214: {  	s4 =	sld [smem:$0x7F8]  }
0x215: {  	[sflag:s18] =	ssyncset.done @p6 $0x0  }
0x216: {  	s7 =	simm.s32 @p6 $0xC400;
	s0 =	simm.s32 @p6 $0x0;
	[sflag:s18] =	ssyncadd.s32 @p6 $0xFFFFC000  }
0x217: {  	[hbm4b:s4+s0] =	stream.linear.scatter @p6 [tilespmem:s7], [sflag:$0x9], $0x4000, $0x38;
	[tilespmem:$0x10480] =	vst v63  }
0x218: {  	_ =	swait.ge @p6 [sflag:s19], $0x4000  }
0x219: {  	s1 =	simm.s32 @p3 $0x80;
	[sflag:s19] =	ssyncset.done @p6 $0x0  }
0x21a: {  	s0 =	simm.s32 @p3 $0x280;
	s4 =	simm.s32 @p3 $0xC400;
	[sflag:s19] =	ssyncadd.s32 @p6 $0xFFFFC000  }
0x21b: {  	[tilespmem:s4], [sflag:$0x5] =	stream.indirect.gather @p3 [hbm4b:s5+s1], $0x80, s0, s1, $0xb8;
	[tilespmem:$0x10480] =	vst v63  }
0x21c: {  	_ =	swait.ge @p4 [sflag:s21], $0x4000  }
0x21d: {  	s0 =	sld [smem:$0x7F9]  }
0x21e: {  	[sflag:s21] =	ssyncset.done @p4 $0x0  }
0x21f: {  	s1 =	simm.s32 @p4 $0x0;
	[sflag:s21] =	ssyncadd.s32 @p4 $0xFFFFC000  }
0x220: {  	[hbm4b:s0+s1] =	stream.linear.scatter @p4 [tilespmem:s26], [sflag:$0x6], $0x4000, $0x38;
	[tilespmem:$0x10480] =	vst v63  }
0x221: {  	_ =	swait.ge @p0 [sflag:s22], $0x4000  }
0x222: {  	s0 =	sld [smem:$0x7FA]  }
0x223: {  	[sflag:s22] =	ssyncset.done @p0 $0x0  }
0x224: {  	[sflag:s22] =	ssyncadd.s32 @p0 $0xFFFFC000  }
0x225: {  	[hbm4b:s0+s14] =	stream.linear.scatter @p0 [tilespmem:s10], [sflag:$0x7], $0x4000, $0x38;
	[tilespmem:$0x10480] =	vst v63  }
0x226: {  	_ =	swait.ge @p1 [sflag:s24], $0x4000  }
0x227: {  	s0 =	sld [smem:$0x7FB]  }
0x228: {  	[sflag:s24] =	ssyncset.done @p1 $0x0  }
0x229: {  	[sflag:s24] =	ssyncadd.s32 @p1 $0xFFFFC000  }
0x22a: {  	[hbm4b:s0+s13] =	stream.linear.scatter @p1 [tilespmem:s6], [sflag:$0x8], $0x4000, $0x38;
	[tilespmem:$0x10480] =	vst v63  }
0x22b: {  	_ =	swait.ge @p3 [sflag:s25], $0x4000  }
0x22c: {  	s0 =	sld [smem:$0x7FC]  }
0x22d: {  	[sflag:s25] =	ssyncset.done @p3 $0x0  }
0x22e: {  	[sflag:s25] =	ssyncadd.s32 @p3 $0xFFFFC000  }
0x22f: {  	[hbm4b:s0+s8] =	stream.linear.scatter @p3 [tilespmem:s4], [sflag:$0x9], $0x4000, $0x38;
	[tilespmem:$0x10480] =	vst v63  }
0x230: {  	_ =	swait.ge @p4 [sflag:s2], $0x4000  }
0x231: {  	[sflag:s2] =	ssyncset.done @p4 $0x0  }
0x232: {  	[sflag:s2] =	ssyncadd.s32 @p4 $0xFFFFC000  }
0x233: {  	_ =	swait.ge @p0 [sflag:s28], $0x4000  }
0x234: {  	s26 =	sld [smem:$0x7EF];
	_ =	sdelay $0x2  }
0x235: {  	p2 =	seq.s32 s26, $0x1  }
.Ltmp1:
0x236: {  	_ = 	snop;
	(pc) =	sbr.rel @p2 .LBB2_2-.Ltmp1, $2  }
0x237: {  	_ =	sdelay $0x2  }
0x238: {  	[sflag:s28] =	ssyncset.done @p0 $0x0  }
.LBB2_3:
0x239: {  	[sflag:s28] =	ssyncadd.s32 @p0 $0xFFFFC000  }
0x23a: {  	_ =	swait.ge @p1 [sflag:s29], $0x4000  }
0x23b: {  	[sflag:s29] =	ssyncset.done @p1 $0x0  }
0x23c: {  	[sflag:s29] =	ssyncadd.s32 @p1 $0xFFFFC000  }
0x23d: {  	_ =	swait.ge @p3 [sflag:s30], $0x4000  }
0x23e: {  	[sflag:s30] =	ssyncset.done @p3 $0x0  }
0x23f: {  	[sflag:s30] =	ssyncadd.s32 @p3 $0xFFFFC000  }
0x240: {  	_ =	sfence.sel $0x180000  }
0x241: {  	[bflag:$0x0] =	sbarrier.arrive $0xFFFF  }
0x242: {  	_ =	strace $0x90000047  }
0x243: {  	s0 =	stileid.u32;
	[bflag:$0x2] =	sbarrier.arrive $0xFFFF  }
0x244: {  	p0 =	sne.s32 s0, $0x0;
	s0 =	rddreg [dreg:$0x9]  }
0x245: {  	s0 =	sadd.s32 @!p0 $0x100000, s0  }
0x246: {  	[sflag:s0] =	ssyncadd.tile.s32 @!p0 $0x1;
	_ =	shalt  }
.Lfunc_end2:
_tile_overlayer_lowered:
.L_overlay_start_2:
0x247: {  	(tag) =	ssettag $0x2  }
0x248: {  	s0 =	rddreg [dreg:$0x0];
	s2 =	stileid.u32  }
0x249: {  	s1 =	rddreg [dreg:$0x1];
	p0 =	sne.s32 s2, $0x0  }
0x24a: {  	s3 =	rddreg [dreg:$0x2];
	[bflag:$0x3] =	sbarrier.arrive $0xFFFF;
	s2 =	simm.s32 @!p0 $0x1C0A  }
0x24b: {  	[timem:s3], [sflag:s2] =	dma.local @!p0 [hbm:s0], s1  }
0x24c: {  	s0 =	simm.s32 @!p0 $0xA  }
0x24d: {  	_ =	swait.ge @!p0 [sflag:s0], s1  }
0x24e: {  	s1 =	ssub.s32 @!p0 $0x0, s1;
	[sflag:s0] =	ssyncset.done @!p0 $0x0  }
0x24f: {  	[sflag:s0] =	ssyncadd.s32 @!p0 s1  }
0x250: {  	[bflag:$0x3] =	sbarrier.arrive $0xFFFF  }
0x251: {  	_ =	shalt  }

</sc_bundles>
